<compile_context>
chip_gen: v7x
topology: tpu7x:2x2x1
jax: 0.10.2.dev20260603
libtpu: 0.0.44.dev20260713+nightly
codegen_flags: <defaults>
</compile_context>

<pallas_src>
import functools

import jax
import jax.numpy as jnp
from jax import lax
from jax.experimental import pallas as pl
from jax.experimental.pallas import tpu as pltpu
from jax.experimental.pallas import tpu_sc as plsc

N = 10000
E = 320000
IN_CH = 128
HID_CH = 32
OUT_CH = 16

NC, NS = 2, 16
NW = NC * NS
CHUNK = 128
NCHUNK = 80
EPW = NCHUNK * CHUNK
E_PAD = NW * EPW
NBUF = 8
N_PAD = 10240
DPT = N_PAD // NS

_mesh = plsc.VectorSubcoreMesh(core_axis_name="c", subcore_axis_name="s",
                               num_cores=NC, num_subcores=NS)
_sc_params = pltpu.CompilerParams(use_tc_tiling_on_sc=False)


@functools.partial(
    pl.kernel,
    out_type=jax.ShapeDtypeStruct((NC, N_PAD), jnp.float32),
    mesh=_mesh,
    compiler_params=_sc_params,
    scratch_types=[
        pltpu.VMEM((NCHUNK, CHUNK), jnp.int32),
        pltpu.VMEM((CHUNK,), jnp.float32),
        pltpu.VMEM((DPT,), jnp.float32),
        pltpu.VMEM_SHARED((N_PAD,), jnp.float32),
        pltpu.SemaphoreType.DMA,
    ],
)
def _deg_kernel(col_hbm, deg_hbm, col_v, ones_v, zb_v, deg_sh, sem0):
    c = lax.axis_index("c")
    s = lax.axis_index("s")
    wid = c * NS + s
    pltpu.sync_copy(col_hbm.at[wid], col_v)
    for i in range(CHUNK // 16):
        ones_v[pl.ds(16 * i, 16)] = jnp.ones((16,), jnp.float32)
    for i in range(DPT // 16):
        zb_v[pl.ds(16 * i, 16)] = jnp.zeros((16,), jnp.float32)
    pltpu.sync_copy(zb_v, deg_sh.at[pl.ds(s * DPT, DPT)])
    plsc.subcore_barrier()

    @pl.loop(0, NCHUNK)
    def _(j):
        pltpu.sync_copy(ones_v, deg_sh.at[col_v.at[j]], add=True)

    plsc.subcore_barrier()
    pltpu.sync_copy(deg_sh.at[pl.ds(s * DPT, DPT)],
                    deg_hbm.at[c, pl.ds(s * DPT, DPT)])


def _make_agg_kernel(d):

    @functools.partial(
        pl.kernel,
        out_type=jax.ShapeDtypeStruct((NC, N_PAD, d), jnp.float32),
        mesh=_mesh,
        compiler_params=_sc_params,
        scratch_types=[
            pltpu.VMEM((NCHUNK, CHUNK), jnp.int32),
            pltpu.VMEM((NCHUNK, CHUNK), jnp.int32),
            [pltpu.VMEM((CHUNK, d), jnp.float32) for _ in range(NBUF)],
            pltpu.VMEM_SHARED((N_PAD, d), jnp.float32),
            [pltpu.SemaphoreType.DMA for _ in range(NBUF)],
            [pltpu.SemaphoreType.DMA for _ in range(NBUF)],
        ],
    )
    def k(z_hbm, zeros_hbm, row_hbm, col_hbm, agg_hbm,
          row_v, col_v, msg, agg_sh, gsem, ssem):
        c = lax.axis_index("c")
        s = lax.axis_index("s")
        wid = c * NS + s
        cp_r = pltpu.async_copy(row_hbm.at[wid], row_v, gsem[0])
        cp_c = pltpu.async_copy(col_hbm.at[wid], col_v, gsem[1])
        pltpu.sync_copy(zeros_hbm.at[pl.ds(s * DPT, DPT)],
                        agg_sh.at[pl.ds(s * DPT, DPT)])
        cp_r.wait()
        cp_c.wait()
        plsc.subcore_barrier()

        def gather(j, b):
            pltpu.async_copy(z_hbm.at[row_v.at[j]], msg[b], gsem[b])

        def gather_wait(j, b):
            pltpu.make_async_copy(z_hbm.at[row_v.at[j]], msg[b], gsem[b]).wait()

        def scatter(j, b):
            pltpu.async_copy(msg[b], agg_sh.at[col_v.at[j]], ssem[b], add=True)

        def scatter_wait(j, b):
            pltpu.make_async_copy(msg[b], agg_sh.at[col_v.at[j]], ssem[b]).wait()

        for b in range(NBUF):
            gather(b, b)

        @pl.loop(0, NCHUNK // NBUF - 1)
        def _(i):
            j0 = NBUF * i
            for b in range(NBUF):
                gather_wait(j0 + b, b)
                scatter(j0 + b, b)
            for b in range(NBUF):
                scatter_wait(j0 + b, b)
                gather(j0 + NBUF + b, b)

        for b in range(NBUF):
            j = NCHUNK - NBUF + b
            gather_wait(j, b)
            scatter(j, b)
        for b in range(NBUF):
            j = NCHUNK - NBUF + b
            scatter_wait(j, b)

        plsc.subcore_barrier()
        pltpu.sync_copy(agg_sh.at[pl.ds(s * DPT, DPT)],
                        agg_hbm.at[c, pl.ds(s * DPT, DPT)])

    return k


_agg_hid = _make_agg_kernel(HID_CH)
_agg_out = _make_agg_kernel(OUT_CH)


_ANY = pl.BlockSpec(memory_space=pl.ANY)
_VMEM = pl.BlockSpec(memory_space=pltpu.VMEM)


def _scale_in_kernel(x, W1, degt):

    def body(x_ref, w_ref, deg_ref, z_any, dis_ref, z_vmem):
        deg = 1.0 + deg_ref[:, 0:1] + deg_ref[:, 1:2]
        dis = lax.rsqrt(deg)
        xw = jnp.dot(x_ref[...], w_ref[...], preferred_element_type=jnp.float32)
        z_vmem[...] = dis * xw
        dis_ref[...] = dis
        pltpu.sync_copy(z_vmem, z_any)

    return pl.pallas_call(
        body,
        in_specs=[_VMEM, _VMEM, _VMEM],
        out_specs=(_ANY, _VMEM),
        out_shape=(jax.ShapeDtypeStruct((N, HID_CH), jnp.float32),
                   jax.ShapeDtypeStruct((N, 1), jnp.float32)),
        scratch_shapes=[pltpu.VMEM((N, HID_CH), jnp.float32)],
    )(x, W1, degt)


def _mid_kernel(agg1, z1, dis, W2, b1):

    def body(p_any, z_any, dis_ref, w_ref, b_ref, z2_any,
             p_vmem, z_vmem, z2_vmem):
        pltpu.sync_copy(p_any, p_vmem)
        pltpu.sync_copy(z_any, z_vmem)
        agg = p_vmem[0, :N] + p_vmem[1, :N] + z_vmem[...]
        h = jnp.maximum(dis_ref[...] * agg + b_ref[...], 0.0)
        xw2 = jnp.dot(h, w_ref[...], preferred_element_type=jnp.float32)
        z2_vmem[...] = dis_ref[...] * xw2
        pltpu.sync_copy(z2_vmem, z2_any)

    return pl.pallas_call(
        body,
        in_specs=[_ANY, _ANY, _VMEM, _VMEM, _VMEM],
        out_specs=_ANY,
        out_shape=jax.ShapeDtypeStruct((N, OUT_CH), jnp.float32),
        scratch_shapes=[pltpu.VMEM((NC, N_PAD, HID_CH), jnp.float32),
                        pltpu.VMEM((N, HID_CH), jnp.float32),
                        pltpu.VMEM((N, OUT_CH), jnp.float32)],
    )(agg1, z1, dis, W2, b1)


def _final_kernel(agg2, z2, dis, b2):

    def body(q_any, z2_any, dis_ref, b_ref, out_ref, q_vmem, z2_vmem):
        pltpu.sync_copy(q_any, q_vmem)
        pltpu.sync_copy(z2_any, z2_vmem)
        agg = q_vmem[0, :N] + q_vmem[1, :N] + z2_vmem[...]
        out_ref[...] = dis_ref[...] * agg + b_ref[...]

    return pl.pallas_call(
        body,
        in_specs=[_ANY, _ANY, _VMEM, _VMEM],
        out_specs=_VMEM,
        out_shape=jax.ShapeDtypeStruct((N, OUT_CH), jnp.float32),
        scratch_shapes=[pltpu.VMEM((NC, N_PAD, OUT_CH), jnp.float32),
                        pltpu.VMEM((N, OUT_CH), jnp.float32)],
    )(agg2, z2, dis, b2)


def kernel(x, edge_index, W1, b1, W2, b2):
    row = edge_index[0].astype(jnp.int32)
    col = edge_index[1].astype(jnp.int32)
    pad_ar = jnp.arange(E_PAD - E, dtype=jnp.int32)
    rowp = jnp.concatenate([row, pad_ar % N]).reshape(NW, NCHUNK, CHUNK)
    sink = N + pad_ar % (N_PAD - N)
    colp = jnp.concatenate([col, sink]).reshape(NW, NCHUNK, CHUNK)

    degp = _deg_kernel(colp)
    degt = degp[:, :N].T
    z1, dis = _scale_in_kernel(x, W1, degt)

    zeros_hid = jnp.zeros((N_PAD, HID_CH), jnp.float32)
    agg1 = _agg_hid(z1, zeros_hid, rowp, colp)
    z2 = _mid_kernel(agg1, z1, dis, W2, b1.reshape(1, HID_CH))

    zeros_out = jnp.zeros((N_PAD, OUT_CH), jnp.float32)
    agg2 = _agg_out(z2, zeros_out, rowp, colp)
    return _final_kernel(agg2, z2, dis, b2.reshape(1, OUT_CH))

# --- scband reference (transcript-rebuilt; emitter-appended) ---
"""Pipeline reference for scband-encoder-gcn-70136815943923 (READ-ONLY COPY).

The authoritative reference and input builder live on the scoring server;
editing this copy changes nothing except your own understanding.
"""

import jax, jax.numpy as jnp
import numpy as np

N_NODES = 10000
N_EDGES = 320000
IN_CH = 128
HID_CH = 32
OUT_CH = 16


def setup_inputs(seed: int = 0) -> dict:
    key = jax.random.key(seed)
    k1, k2, k3, k4, k5, k6 = jax.random.split(key, 6)
    x = jax.random.normal(k1, (N_NODES, IN_CH), dtype=jnp.float32)
    edge_index = jax.random.randint(k2, (2, N_EDGES), 0, N_NODES, dtype=jnp.int64)
    # GCNConv layer 1: in=128 -> 32 (glorot init for weight, zeros bias like PyG)
    s1 = float(np.sqrt(6.0 / (IN_CH + HID_CH)))
    W1 = jax.random.uniform(k3, (IN_CH, HID_CH), dtype=jnp.float32, minval=-s1, maxval=s1)
    b1 = jnp.zeros((HID_CH,), dtype=jnp.float32)
    # GCNConv layer 2: 32 -> 16
    s2 = float(np.sqrt(6.0 / (HID_CH + OUT_CH)))
    W2 = jax.random.uniform(k4, (HID_CH, OUT_CH), dtype=jnp.float32, minval=-s2, maxval=s2)
    b2 = jnp.zeros((OUT_CH,), dtype=jnp.float32)
    return {"x": x, "edge_index": edge_index, "W1": W1, "b1": b1, "W2": W2, "b2": b2}


def gcn_conv(x, edge_index, W, b):
    # Faithful PyG GCNConv: add self-loops, symmetric normalization, scatter-add aggregation.
    n = x.shape[0]
    loops = jnp.arange(n, dtype=edge_index.dtype)
    row = jnp.concatenate([edge_index[0], loops])  # source
    col = jnp.concatenate([edge_index[1], loops])  # target
    edge_weight = jnp.ones(row.shape[0], dtype=x.dtype)
    deg = jax.ops.segment_sum(edge_weight, col, num_segments=n)
    deg_inv_sqrt = jnp.where(deg > 0, deg ** -0.5, 0.0)
    norm = deg_inv_sqrt[row] * edge_weight * deg_inv_sqrt[col]
    xw = x @ W
    msgs = xw[row] * norm[:, None]
    out = jax.ops.segment_sum(msgs, col, num_segments=n)
    return out + b


def reference(x, edge_index, W1, b1, W2, b2):
    h = jax.nn.relu(gcn_conv(x, edge_index, W1, b1))
    return gcn_conv(h, edge_index, W2, b2)

if __name__ == "__main__":
    import jax
    _d = setup_inputs()
    print(jax.jit(kernel)(*tuple(_d.values())))

</pallas_src>

<mosaic_0001>
#map = affine_map<(d0, d1) -> (0, 0, 0)>
#map1 = affine_map<(d0, d1) -> (0, 0)>
module attributes {stable_mosaic.version = 14 : i64} {
  func.func @_deg_kernel(%arg0: i32, %arg1: i32, %arg2: memref<32x80x128xi32, #tpu.memory_space<hbm>>, %arg3: memref<2x10240xf32, #tpu.memory_space<hbm>>, %arg4: memref<80x128xi32, #tpu.memory_space<vmem>>, %arg5: memref<128xf32, #tpu.memory_space<vmem>>, %arg6: memref<640xf32, #tpu.memory_space<vmem>>, %arg7: memref<10240xf32, #tpu.memory_space<vmem_shared>>, %arg8: memref<!tpu.dma_semaphore, #tpu.memory_space<semaphore_mem>>) attributes {dimension_semantics = [#tpu.dimension_semantics<core_parallel>, #tpu.dimension_semantics<subcore_parallel>], iteration_bounds = array<i64: 2, 16>, scalar_prefetch = 0 : i64, scratch_operands = 5 : i64, tpu.core_type = #tpu.core_type<sc_vector_subcore>, window_params = [{transform_indices = #map}, {transform_indices = #map1}]} {
    %mul3A = arith.constant 16 : i32
    %mul3A_0 = arith.muli %arg0, %mul3A : i32
    %add3A = arith.addi %mul3A_0, %arg1 : i32
    "tpu.region"() ({
      %run_scoped3A = tpu.sem_alloc : memref<!tpu.dma_semaphore, #tpu.memory_space<semaphore_mem>>
      %dma_start3A = arith.constant 0 : i32
      %dma_start3A_298 = arith.constant 0 : i32
      %dma_start3A_299 = tpu.memref_slice %arg2[%add3A, %dma_start3A, %dma_start3A_298] : memref<32x80x128xi32, #tpu.memory_space<hbm>> -> memref<1x80x128xi32, #tpu.memory_space<hbm>>
      %dma_start3A_300 = tpu.memref_squeeze %dma_start3A_299 : memref<1x80x128xi32, #tpu.memory_space<hbm>> -> memref<80x128xi32, #tpu.memory_space<hbm>>
      %dma_start3A_301 = arith.constant 0 : i32
      %dma_start3A_302 = arith.constant 0 : i32
      %dma_start3A_303 = tpu.memref_slice %arg2[%add3A, %dma_start3A_301, %dma_start3A_302] : memref<32x80x128xi32, #tpu.memory_space<hbm>> -> memref<1x80x128xi32, #tpu.memory_space<hbm>>
      %dma_start3A_304 = tpu.memref_squeeze %dma_start3A_303 : memref<1x80x128xi32, #tpu.memory_space<hbm>> -> memref<80x128xi32, #tpu.memory_space<hbm>>
      tpu.enqueue_dma source(%dma_start3A_304 : memref<80x128xi32, #tpu.memory_space<hbm>>) target(%arg4 : memref<80x128xi32, #tpu.memory_space<vmem>>) target_semaphore(%run_scoped3A : memref<!tpu.dma_semaphore, #tpu.memory_space<semaphore_mem>>)
      %dma_wait3A = arith.constant 0 : i32
      %dma_wait3A_305 = arith.constant 0 : i32
      %dma_wait3A_306 = tpu.memref_slice %arg2[%add3A, %dma_wait3A, %dma_wait3A_305] : memref<32x80x128xi32, #tpu.memory_space<hbm>> -> memref<1x80x128xi32, #tpu.memory_space<hbm>>
      %dma_wait3A_307 = tpu.memref_squeeze %dma_wait3A_306 : memref<1x80x128xi32, #tpu.memory_space<hbm>> -> memref<80x128xi32, #tpu.memory_space<hbm>>
      %dma_wait3A_308 = arith.constant 0 : i32
      %dma_wait3A_309 = arith.constant 0 : i32
      %dma_wait3A_310 = tpu.memref_slice %arg2[%add3A, %dma_wait3A_308, %dma_wait3A_309] : memref<32x80x128xi32, #tpu.memory_space<hbm>> -> memref<1x80x128xi32, #tpu.memory_space<hbm>>
      %dma_wait3A_311 = tpu.memref_squeeze %dma_wait3A_310 : memref<1x80x128xi32, #tpu.memory_space<hbm>> -> memref<80x128xi32, #tpu.memory_space<hbm>>
      tpu.wait_dma2 semaphore(%run_scoped3A : memref<!tpu.dma_semaphore, #tpu.memory_space<semaphore_mem>>) src(%dma_wait3A_311 : memref<80x128xi32, #tpu.memory_space<hbm>>) dst(%arg4 : memref<80x128xi32, #tpu.memory_space<vmem>>)
      tpu.yield
    }) : () -> ()
    %broadcast_in_dim3A = arith.constant 1.000000e+00 : f32
    %broadcast_in_dim3A_1 = vector.broadcast %broadcast_in_dim3A : f32 to vector<16xf32>
    %swap3A = arith.constant 0 : index
    %swap3A_2 = tpu.vector_load %arg5[%swap3A] {strides = array<i32>} : memref<128xf32, #tpu.memory_space<vmem>>, vector<16xf32>,
    %swap3A_3 = vector.shape_cast %swap3A_2 : vector<16xf32> to vector<16xf32>
    %swap3A_4 = vector.shape_cast %broadcast_in_dim3A_1 : vector<16xf32> to vector<16xf32>
    tpu.vector_store %arg5[%swap3A], %swap3A_4 {strides = array<i32>} : memref<128xf32, #tpu.memory_space<vmem>>, vector<16xf32>,
    %broadcast_in_dim3A_5 = arith.constant 1.000000e+00 : f32
    %broadcast_in_dim3A_6 = vector.broadcast %broadcast_in_dim3A_5 : f32 to vector<16xf32>
    %swap3A_7 = arith.constant 16 : index
    %swap3A_8 = tpu.vector_load %arg5[%swap3A_7] {strides = array<i32>} : memref<128xf32, #tpu.memory_space<vmem>>, vector<16xf32>,
    %swap3A_9 = vector.shape_cast %swap3A_8 : vector<16xf32> to vector<16xf32>
    %swap3A_10 = vector.shape_cast %broadcast_in_dim3A_6 : vector<16xf32> to vector<16xf32>
    tpu.vector_store %arg5[%swap3A_7], %swap3A_10 {strides = array<i32>} : memref<128xf32, #tpu.memory_space<vmem>>, vector<16xf32>,
    %broadcast_in_dim3A_11 = arith.constant 1.000000e+00 : f32
    %broadcast_in_dim3A_12 = vector.broadcast %broadcast_in_dim3A_11 : f32 to vector<16xf32>
    %swap3A_13 = arith.constant 32 : index
    %swap3A_14 = tpu.vector_load %arg5[%swap3A_13] {strides = array<i32>} : memref<128xf32, #tpu.memory_space<vmem>>, vector<16xf32>,
    %swap3A_15 = vector.shape_cast %swap3A_14 : vector<16xf32> to vector<16xf32>
    %swap3A_16 = vector.shape_cast %broadcast_in_dim3A_12 : vector<16xf32> to vector<16xf32>
    tpu.vector_store %arg5[%swap3A_13], %swap3A_16 {strides = array<i32>} : memref<128xf32, #tpu.memory_space<vmem>>, vector<16xf32>,
    %broadcast_in_dim3A_17 = arith.constant 1.000000e+00 : f32
    %broadcast_in_dim3A_18 = vector.broadcast %broadcast_in_dim3A_17 : f32 to vector<16xf32>
    %swap3A_19 = arith.constant 48 : index
    %swap3A_20 = tpu.vector_load %arg5[%swap3A_19] {strides = array<i32>} : memref<128xf32, #tpu.memory_space<vmem>>, vector<16xf32>,
    %swap3A_21 = vector.shape_cast %swap3A_20 : vector<16xf32> to vector<16xf32>
    %swap3A_22 = vector.shape_cast %broadcast_in_dim3A_18 : vector<16xf32> to vector<16xf32>
    tpu.vector_store %arg5[%swap3A_19], %swap3A_22 {strides = array<i32>} : memref<128xf32, #tpu.memory_space<vmem>>, vector<16xf32>,
    %broadcast_in_dim3A_23 = arith.constant 1.000000e+00 : f32
    %broadcast_in_dim3A_24 = vector.broadcast %broadcast_in_dim3A_23 : f32 to vector<16xf32>
    %swap3A_25 = arith.constant 64 : index
    %swap3A_26 = tpu.vector_load %arg5[%swap3A_25] {strides = array<i32>} : memref<128xf32, #tpu.memory_space<vmem>>, vector<16xf32>,
    %swap3A_27 = vector.shape_cast %swap3A_26 : vector<16xf32> to vector<16xf32>
    %swap3A_28 = vector.shape_cast %broadcast_in_dim3A_24 : vector<16xf32> to vector<16xf32>
    tpu.vector_store %arg5[%swap3A_25], %swap3A_28 {strides = array<i32>} : memref<128xf32, #tpu.memory_space<vmem>>, vector<16xf32>,
    %broadcast_in_dim3A_29 = arith.constant 1.000000e+00 : f32
    %broadcast_in_dim3A_30 = vector.broadcast %broadcast_in_dim3A_29 : f32 to vector<16xf32>
    %swap3A_31 = arith.constant 80 : index
    %swap3A_32 = tpu.vector_load %arg5[%swap3A_31] {strides = array<i32>} : memref<128xf32, #tpu.memory_space<vmem>>, vector<16xf32>,
    %swap3A_33 = vector.shape_cast %swap3A_32 : vector<16xf32> to vector<16xf32>
    %swap3A_34 = vector.shape_cast %broadcast_in_dim3A_30 : vector<16xf32> to vector<16xf32>
    tpu.vector_store %arg5[%swap3A_31], %swap3A_34 {strides = array<i32>} : memref<128xf32, #tpu.memory_space<vmem>>, vector<16xf32>,
    %broadcast_in_dim3A_35 = arith.constant 1.000000e+00 : f32
    %broadcast_in_dim3A_36 = vector.broadcast %broadcast_in_dim3A_35 : f32 to vector<16xf32>
    %swap3A_37 = arith.constant 96 : index
    %swap3A_38 = tpu.vector_load %arg5[%swap3A_37] {strides = array<i32>} : memref<128xf32, #tpu.memory_space<vmem>>, vector<16xf32>,
    %swap3A_39 = vector.shape_cast %swap3A_38 : vector<16xf32> to vector<16xf32>
    %swap3A_40 = vector.shape_cast %broadcast_in_dim3A_36 : vector<16xf32> to vector<16xf32>
    tpu.vector_store %arg5[%swap3A_37], %swap3A_40 {strides = array<i32>} : memref<128xf32, #tpu.memory_space<vmem>>, vector<16xf32>,
    %broadcast_in_dim3A_41 = arith.constant 1.000000e+00 : f32
    %broadcast_in_dim3A_42 = vector.broadcast %broadcast_in_dim3A_41 : f32 to vector<16xf32>
    %swap3A_43 = arith.constant 112 : index
    %swap3A_44 = tpu.vector_load %arg5[%swap3A_43] {strides = array<i32>} : memref<128xf32, #tpu.memory_space<vmem>>, vector<16xf32>,
    %swap3A_45 = vector.shape_cast %swap3A_44 : vector<16xf32> to vector<16xf32>
    %swap3A_46 = vector.shape_cast %broadcast_in_dim3A_42 : vector<16xf32> to vector<16xf32>
    tpu.vector_store %arg5[%swap3A_43], %swap3A_46 {strides = array<i32>} : memref<128xf32, #tpu.memory_space<vmem>>, vector<16xf32>,
    %broadcast_in_dim3A_47 = arith.constant 0.000000e+00 : f32
    %broadcast_in_dim3A_48 = vector.broadcast %broadcast_in_dim3A_47 : f32 to vector<16xf32>
    %swap3A_49 = arith.constant 0 : index
    %swap3A_50 = tpu.vector_load %arg6[%swap3A_49] {strides = array<i32>} : memref<640xf32, #tpu.memory_space<vmem>>, vector<16xf32>,
    %swap3A_51 = vector.shape_cast %swap3A_50 : vector<16xf32> to vector<16xf32>
    %swap3A_52 = vector.shape_cast %broadcast_in_dim3A_48 : vector<16xf32> to vector<16xf32>
    tpu.vector_store %arg6[%swap3A_49], %swap3A_52 {strides = array<i32>} : memref<640xf32, #tpu.memory_space<vmem>>, vector<16xf32>,
    %broadcast_in_dim3A_53 = arith.constant 0.000000e+00 : f32
    %broadcast_in_dim3A_54 = vector.broadcast %broadcast_in_dim3A_53 : f32 to vector<16xf32>
    %swap3A_55 = arith.constant 16 : index
    %swap3A_56 = tpu.vector_load %arg6[%swap3A_55] {strides = array<i32>} : memref<640xf32, #tpu.memory_space<vmem>>, vector<16xf32>,
    %swap3A_57 = vector.shape_cast %swap3A_56 : vector<16xf32> to vector<16xf32>
    %swap3A_58 = vector.shape_cast %broadcast_in_dim3A_54 : vector<16xf32> to vector<16xf32>
    tpu.vector_store %arg6[%swap3A_55], %swap3A_58 {strides = array<i32>} : memref<640xf32, #tpu.memory_space<vmem>>, vector<16xf32>,
    %broadcast_in_dim3A_59 = arith.constant 0.000000e+00 : f32
    %broadcast_in_dim3A_60 = vector.broadcast %broadcast_in_dim3A_59 : f32 to vector<16xf32>
    %swap3A_61 = arith.constant 32 : index
    %swap3A_62 = tpu.vector_load %arg6[%swap3A_61] {strides = array<i32>} : memref<640xf32, #tpu.memory_space<vmem>>, vector<16xf32>,
    %swap3A_63 = vector.shape_cast %swap3A_62 : vector<16xf32> to vector<16xf32>
    %swap3A_64 = vector.shape_cast %broadcast_in_dim3A_60 : vector<16xf32> to vector<16xf32>
    tpu.vector_store %arg6[%swap3A_61], %swap3A_64 {strides = array<i32>} : memref<640xf32, #tpu.memory_space<vmem>>, vector<16xf32>,
    %broadcast_in_dim3A_65 = arith.constant 0.000000e+00 : f32
    %broadcast_in_dim3A_66 = vector.broadcast %broadcast_in_dim3A_65 : f32 to vector<16xf32>
    %swap3A_67 = arith.constant 48 : index
    %swap3A_68 = tpu.vector_load %arg6[%swap3A_67] {strides = array<i32>} : memref<640xf32, #tpu.memory_space<vmem>>, vector<16xf32>,
    %swap3A_69 = vector.shape_cast %swap3A_68 : vector<16xf32> to vector<16xf32>
    %swap3A_70 = vector.shape_cast %broadcast_in_dim3A_66 : vector<16xf32> to vector<16xf32>
    tpu.vector_store %arg6[%swap3A_67], %swap3A_70 {strides = array<i32>} : memref<640xf32, #tpu.memory_space<vmem>>, vector<16xf32>,
    %broadcast_in_dim3A_71 = arith.constant 0.000000e+00 : f32
    %broadcast_in_dim3A_72 = vector.broadcast %broadcast_in_dim3A_71 : f32 to vector<16xf32>
    %swap3A_73 = arith.constant 64 : index
    %swap3A_74 = tpu.vector_load %arg6[%swap3A_73] {strides = array<i32>} : memref<640xf32, #tpu.memory_space<vmem>>, vector<16xf32>,
    %swap3A_75 = vector.shape_cast %swap3A_74 : vector<16xf32> to vector<16xf32>
    %swap3A_76 = vector.shape_cast %broadcast_in_dim3A_72 : vector<16xf32> to vector<16xf32>
    tpu.vector_store %arg6[%swap3A_73], %swap3A_76 {strides = array<i32>} : memref<640xf32, #tpu.memory_space<vmem>>, vector<16xf32>,
    %broadcast_in_dim3A_77 = arith.constant 0.000000e+00 : f32
    %broadcast_in_dim3A_78 = vector.broadcast %broadcast_in_dim3A_77 : f32 to vector<16xf32>
    %swap3A_79 = arith.constant 80 : index
    %swap3A_80 = tpu.vector_load %arg6[%swap3A_79] {strides = array<i32>} : memref<640xf32, #tpu.memory_space<vmem>>, vector<16xf32>,
    %swap3A_81 = vector.shape_cast %swap3A_80 : vector<16xf32> to vector<16xf32>
    %swap3A_82 = vector.shape_cast %broadcast_in_dim3A_78 : vector<16xf32> to vector<16xf32>
    tpu.vector_store %arg6[%swap3A_79], %swap3A_82 {strides = array<i32>} : memref<640xf32, #tpu.memory_space<vmem>>, vector<16xf32>,
    %broadcast_in_dim3A_83 = arith.constant 0.000000e+00 : f32
    %broadcast_in_dim3A_84 = vector.broadcast %broadcast_in_dim3A_83 : f32 to vector<16xf32>
    %swap3A_85 = arith.constant 96 : index
    %swap3A_86 = tpu.vector_load %arg6[%swap3A_85] {strides = array<i32>} : memref<640xf32, #tpu.memory_space<vmem>>, vector<16xf32>,
    %swap3A_87 = vector.shape_cast %swap3A_86 : vector<16xf32> to vector<16xf32>
    %swap3A_88 = vector.shape_cast %broadcast_in_dim3A_84 : vector<16xf32> to vector<16xf32>
    tpu.vector_store %arg6[%swap3A_85], %swap3A_88 {strides = array<i32>} : memref<640xf32, #tpu.memory_space<vmem>>, vector<16xf32>,
    %broadcast_in_dim3A_89 = arith.constant 0.000000e+00 : f32
    %broadcast_in_dim3A_90 = vector.broadcast %broadcast_in_dim3A_89 : f32 to vector<16xf32>
    %swap3A_91 = arith.constant 112 : index
    %swap3A_92 = tpu.vector_load %arg6[%swap3A_91] {strides = array<i32>} : memref<640xf32, #tpu.memory_space<vmem>>, vector<16xf32>,
    %swap3A_93 = vector.shape_cast %swap3A_92 : vector<16xf32> to vector<16xf32>
    %swap3A_94 = vector.shape_cast %broadcast_in_dim3A_90 : vector<16xf32> to vector<16xf32>
    tpu.vector_store %arg6[%swap3A_91], %swap3A_94 {strides = array<i32>} : memref<640xf32, #tpu.memory_space<vmem>>, vector<16xf32>,
    %broadcast_in_dim3A_95 = arith.constant 0.000000e+00 : f32
    %broadcast_in_dim3A_96 = vector.broadcast %broadcast_in_dim3A_95 : f32 to vector<16xf32>
    %swap3A_97 = arith.constant 128 : index
    %swap3A_98 = tpu.vector_load %arg6[%swap3A_97] {strides = array<i32>} : memref<640xf32, #tpu.memory_space<vmem>>, vector<16xf32>,
    %swap3A_99 = vector.shape_cast %swap3A_98 : vector<16xf32> to vector<16xf32>
    %swap3A_100 = vector.shape_cast %broadcast_in_dim3A_96 : vector<16xf32> to vector<16xf32>
    tpu.vector_store %arg6[%swap3A_97], %swap3A_100 {strides = array<i32>} : memref<640xf32, #tpu.memory_space<vmem>>, vector<16xf32>,
    %broadcast_in_dim3A_101 = arith.constant 0.000000e+00 : f32
    %broadcast_in_dim3A_102 = vector.broadcast %broadcast_in_dim3A_101 : f32 to vector<16xf32>
    %swap3A_103 = arith.constant 144 : index
    %swap3A_104 = tpu.vector_load %arg6[%swap3A_103] {strides = array<i32>} : memref<640xf32, #tpu.memory_space<vmem>>, vector<16xf32>,
    %swap3A_105 = vector.shape_cast %swap3A_104 : vector<16xf32> to vector<16xf32>
    %swap3A_106 = vector.shape_cast %broadcast_in_dim3A_102 : vector<16xf32> to vector<16xf32>
    tpu.vector_store %arg6[%swap3A_103], %swap3A_106 {strides = array<i32>} : memref<640xf32, #tpu.memory_space<vmem>>, vector<16xf32>,
    %broadcast_in_dim3A_107 = arith.constant 0.000000e+00 : f32
    %broadcast_in_dim3A_108 = vector.broadcast %broadcast_in_dim3A_107 : f32 to vector<16xf32>
    %swap3A_109 = arith.constant 160 : index
    %swap3A_110 = tpu.vector_load %arg6[%swap3A_109] {strides = array<i32>} : memref<640xf32, #tpu.memory_space<vmem>>, vector<16xf32>,
    %swap3A_111 = vector.shape_cast %swap3A_110 : vector<16xf32> to vector<16xf32>
    %swap3A_112 = vector.shape_cast %broadcast_in_dim3A_108 : vector<16xf32> to vector<16xf32>
    tpu.vector_store %arg6[%swap3A_109], %swap3A_112 {strides = array<i32>} : memref<640xf32, #tpu.memory_space<vmem>>, vector<16xf32>,
    %broadcast_in_dim3A_113 = arith.constant 0.000000e+00 : f32
    %broadcast_in_dim3A_114 = vector.broadcast %broadcast_in_dim3A_113 : f32 to vector<16xf32>
    %swap3A_115 = arith.constant 176 : index
    %swap3A_116 = tpu.vector_load %arg6[%swap3A_115] {strides = array<i32>} : memref<640xf32, #tpu.memory_space<vmem>>, vector<16xf32>,
    %swap3A_117 = vector.shape_cast %swap3A_116 : vector<16xf32> to vector<16xf32>
    %swap3A_118 = vector.shape_cast %broadcast_in_dim3A_114 : vector<16xf32> to vector<16xf32>
    tpu.vector_store %arg6[%swap3A_115], %swap3A_118 {strides = array<i32>} : memref<640xf32, #tpu.memory_space<vmem>>, vector<16xf32>,
    %broadcast_in_dim3A_119 = arith.constant 0.000000e+00 : f32
    %broadcast_in_dim3A_120 = vector.broadcast %broadcast_in_dim3A_119 : f32 to vector<16xf32>
    %swap3A_121 = arith.constant 192 : index
    %swap3A_122 = tpu.vector_load %arg6[%swap3A_121] {strides = array<i32>} : memref<640xf32, #tpu.memory_space<vmem>>, vector<16xf32>,
    %swap3A_123 = vector.shape_cast %swap3A_122 : vector<16xf32> to vector<16xf32>
    %swap3A_124 = vector.shape_cast %broadcast_in_dim3A_120 : vector<16xf32> to vector<16xf32>
    tpu.vector_store %arg6[%swap3A_121], %swap3A_124 {strides = array<i32>} : memref<640xf32, #tpu.memory_space<vmem>>, vector<16xf32>,
    %broadcast_in_dim3A_125 = arith.constant 0.000000e+00 : f32
    %broadcast_in_dim3A_126 = vector.broadcast %broadcast_in_dim3A_125 : f32 to vector<16xf32>
    %swap3A_127 = arith.constant 208 : index
    %swap3A_128 = tpu.vector_load %arg6[%swap3A_127] {strides = array<i32>} : memref<640xf32, #tpu.memory_space<vmem>>, vector<16xf32>,
    %swap3A_129 = vector.shape_cast %swap3A_128 : vector<16xf32> to vector<16xf32>
    %swap3A_130 = vector.shape_cast %broadcast_in_dim3A_126 : vector<16xf32> to vector<16xf32>
    tpu.vector_store %arg6[%swap3A_127], %swap3A_130 {strides = array<i32>} : memref<640xf32, #tpu.memory_space<vmem>>, vector<16xf32>,
    %broadcast_in_dim3A_131 = arith.constant 0.000000e+00 : f32
    %broadcast_in_dim3A_132 = vector.broadcast %broadcast_in_dim3A_131 : f32 to vector<16xf32>
    %swap3A_133 = arith.constant 224 : index
    %swap3A_134 = tpu.vector_load %arg6[%swap3A_133] {strides = array<i32>} : memref<640xf32, #tpu.memory_space<vmem>>, vector<16xf32>,
    %swap3A_135 = vector.shape_cast %swap3A_134 : vector<16xf32> to vector<16xf32>
    %swap3A_136 = vector.shape_cast %broadcast_in_dim3A_132 : vector<16xf32> to vector<16xf32>
    tpu.vector_store %arg6[%swap3A_133], %swap3A_136 {strides = array<i32>} : memref<640xf32, #tpu.memory_space<vmem>>, vector<16xf32>,
    %broadcast_in_dim3A_137 = arith.constant 0.000000e+00 : f32
    %broadcast_in_dim3A_138 = vector.broadcast %broadcast_in_dim3A_137 : f32 to vector<16xf32>
    %swap3A_139 = arith.constant 240 : index
    %swap3A_140 = tpu.vector_load %arg6[%swap3A_139] {strides = array<i32>} : memref<640xf32, #tpu.memory_space<vmem>>, vector<16xf32>,
    %swap3A_141 = vector.shape_cast %swap3A_140 : vector<16xf32> to vector<16xf32>
    %swap3A_142 = vector.shape_cast %broadcast_in_dim3A_138 : vector<16xf32> to vector<16xf32>
    tpu.vector_store %arg6[%swap3A_139], %swap3A_142 {strides = array<i32>} : memref<640xf32, #tpu.memory_space<vmem>>, vector<16xf32>,
    %broadcast_in_dim3A_143 = arith.constant 0.000000e+00 : f32
    %broadcast_in_dim3A_144 = vector.broadcast %broadcast_in_dim3A_143 : f32 to vector<16xf32>
    %swap3A_145 = arith.constant 256 : index
    %swap3A_146 = tpu.vector_load %arg6[%swap3A_145] {strides = array<i32>} : memref<640xf32, #tpu.memory_space<vmem>>, vector<16xf32>,
    %swap3A_147 = vector.shape_cast %swap3A_146 : vector<16xf32> to vector<16xf32>
    %swap3A_148 = vector.shape_cast %broadcast_in_dim3A_144 : vector<16xf32> to vector<16xf32>
    tpu.vector_store %arg6[%swap3A_145], %swap3A_148 {strides = array<i32>} : memref<640xf32, #tpu.memory_space<vmem>>, vector<16xf32>,
    %broadcast_in_dim3A_149 = arith.constant 0.000000e+00 : f32
    %broadcast_in_dim3A_150 = vector.broadcast %broadcast_in_dim3A_149 : f32 to vector<16xf32>
    %swap3A_151 = arith.constant 272 : index
    %swap3A_152 = tpu.vector_load %arg6[%swap3A_151] {strides = array<i32>} : memref<640xf32, #tpu.memory_space<vmem>>, vector<16xf32>,
    %swap3A_153 = vector.shape_cast %swap3A_152 : vector<16xf32> to vector<16xf32>
    %swap3A_154 = vector.shape_cast %broadcast_in_dim3A_150 : vector<16xf32> to vector<16xf32>
    tpu.vector_store %arg6[%swap3A_151], %swap3A_154 {strides = array<i32>} : memref<640xf32, #tpu.memory_space<vmem>>, vector<16xf32>,
    %broadcast_in_dim3A_155 = arith.constant 0.000000e+00 : f32
    %broadcast_in_dim3A_156 = vector.broadcast %broadcast_in_dim3A_155 : f32 to vector<16xf32>
    %swap3A_157 = arith.constant 288 : index
    %swap3A_158 = tpu.vector_load %arg6[%swap3A_157] {strides = array<i32>} : memref<640xf32, #tpu.memory_space<vmem>>, vector<16xf32>,
    %swap3A_159 = vector.shape_cast %swap3A_158 : vector<16xf32> to vector<16xf32>
    %swap3A_160 = vector.shape_cast %broadcast_in_dim3A_156 : vector<16xf32> to vector<16xf32>
    tpu.vector_store %arg6[%swap3A_157], %swap3A_160 {strides = array<i32>} : memref<640xf32, #tpu.memory_space<vmem>>, vector<16xf32>,
    %broadcast_in_dim3A_161 = arith.constant 0.000000e+00 : f32
    %broadcast_in_dim3A_162 = vector.broadcast %broadcast_in_dim3A_161 : f32 to vector<16xf32>
    %swap3A_163 = arith.constant 304 : index
    %swap3A_164 = tpu.vector_load %arg6[%swap3A_163] {strides = array<i32>} : memref<640xf32, #tpu.memory_space<vmem>>, vector<16xf32>,
    %swap3A_165 = vector.shape_cast %swap3A_164 : vector<16xf32> to vector<16xf32>
    %swap3A_166 = vector.shape_cast %broadcast_in_dim3A_162 : vector<16xf32> to vector<16xf32>
    tpu.vector_store %arg6[%swap3A_163], %swap3A_166 {strides = array<i32>} : memref<640xf32, #tpu.memory_space<vmem>>, vector<16xf32>,
    %broadcast_in_dim3A_167 = arith.constant 0.000000e+00 : f32
    %broadcast_in_dim3A_168 = vector.broadcast %broadcast_in_dim3A_167 : f32 to vector<16xf32>
    %swap3A_169 = arith.constant 320 : index
    %swap3A_170 = tpu.vector_load %arg6[%swap3A_169] {strides = array<i32>} : memref<640xf32, #tpu.memory_space<vmem>>, vector<16xf32>,
    %swap3A_171 = vector.shape_cast %swap3A_170 : vector<16xf32> to vector<16xf32>
    %swap3A_172 = vector.shape_cast %broadcast_in_dim3A_168 : vector<16xf32> to vector<16xf32>
    tpu.vector_store %arg6[%swap3A_169], %swap3A_172 {strides = array<i32>} : memref<640xf32, #tpu.memory_space<vmem>>, vector<16xf32>,
    %broadcast_in_dim3A_173 = arith.constant 0.000000e+00 : f32
    %broadcast_in_dim3A_174 = vector.broadcast %broadcast_in_dim3A_173 : f32 to vector<16xf32>
    %swap3A_175 = arith.constant 336 : index
    %swap3A_176 = tpu.vector_load %arg6[%swap3A_175] {strides = array<i32>} : memref<640xf32, #tpu.memory_space<vmem>>, vector<16xf32>,
    %swap3A_177 = vector.shape_cast %swap3A_176 : vector<16xf32> to vector<16xf32>
    %swap3A_178 = vector.shape_cast %broadcast_in_dim3A_174 : vector<16xf32> to vector<16xf32>
    tpu.vector_store %arg6[%swap3A_175], %swap3A_178 {strides = array<i32>} : memref<640xf32, #tpu.memory_space<vmem>>, vector<16xf32>,
    %broadcast_in_dim3A_179 = arith.constant 0.000000e+00 : f32
    %broadcast_in_dim3A_180 = vector.broadcast %broadcast_in_dim3A_179 : f32 to vector<16xf32>
    %swap3A_181 = arith.constant 352 : index
    %swap3A_182 = tpu.vector_load %arg6[%swap3A_181] {strides = array<i32>} : memref<640xf32, #tpu.memory_space<vmem>>, vector<16xf32>,
    %swap3A_183 = vector.shape_cast %swap3A_182 : vector<16xf32> to vector<16xf32>
    %swap3A_184 = vector.shape_cast %broadcast_in_dim3A_180 : vector<16xf32> to vector<16xf32>
    tpu.vector_store %arg6[%swap3A_181], %swap3A_184 {strides = array<i32>} : memref<640xf32, #tpu.memory_space<vmem>>, vector<16xf32>,
    %broadcast_in_dim3A_185 = arith.constant 0.000000e+00 : f32
    %broadcast_in_dim3A_186 = vector.broadcast %broadcast_in_dim3A_185 : f32 to vector<16xf32>
    %swap3A_187 = arith.constant 368 : index
    %swap3A_188 = tpu.vector_load %arg6[%swap3A_187] {strides = array<i32>} : memref<640xf32, #tpu.memory_space<vmem>>, vector<16xf32>,
    %swap3A_189 = vector.shape_cast %swap3A_188 : vector<16xf32> to vector<16xf32>
    %swap3A_190 = vector.shape_cast %broadcast_in_dim3A_186 : vector<16xf32> to vector<16xf32>
    tpu.vector_store %arg6[%swap3A_187], %swap3A_190 {strides = array<i32>} : memref<640xf32, #tpu.memory_space<vmem>>, vector<16xf32>,
    %broadcast_in_dim3A_191 = arith.constant 0.000000e+00 : f32
    %broadcast_in_dim3A_192 = vector.broadcast %broadcast_in_dim3A_191 : f32 to vector<16xf32>
    %swap3A_193 = arith.constant 384 : index
    %swap3A_194 = tpu.vector_load %arg6[%swap3A_193] {strides = array<i32>} : memref<640xf32, #tpu.memory_space<vmem>>, vector<16xf32>,
    %swap3A_195 = vector.shape_cast %swap3A_194 : vector<16xf32> to vector<16xf32>
    %swap3A_196 = vector.shape_cast %broadcast_in_dim3A_192 : vector<16xf32> to vector<16xf32>
    tpu.vector_store %arg6[%swap3A_193], %swap3A_196 {strides = array<i32>} : memref<640xf32, #tpu.memory_space<vmem>>, vector<16xf32>,
    %broadcast_in_dim3A_197 = arith.constant 0.000000e+00 : f32
    %broadcast_in_dim3A_198 = vector.broadcast %broadcast_in_dim3A_197 : f32 to vector<16xf32>
    %swap3A_199 = arith.constant 400 : index
    %swap3A_200 = tpu.vector_load %arg6[%swap3A_199] {strides = array<i32>} : memref<640xf32, #tpu.memory_space<vmem>>, vector<16xf32>,
    %swap3A_201 = vector.shape_cast %swap3A_200 : vector<16xf32> to vector<16xf32>
    %swap3A_202 = vector.shape_cast %broadcast_in_dim3A_198 : vector<16xf32> to vector<16xf32>
    tpu.vector_store %arg6[%swap3A_199], %swap3A_202 {strides = array<i32>} : memref<640xf32, #tpu.memory_space<vmem>>, vector<16xf32>,
    %broadcast_in_dim3A_203 = arith.constant 0.000000e+00 : f32
    %broadcast_in_dim3A_204 = vector.broadcast %broadcast_in_dim3A_203 : f32 to vector<16xf32>
    %swap3A_205 = arith.constant 416 : index
    %swap3A_206 = tpu.vector_load %arg6[%swap3A_205] {strides = array<i32>} : memref<640xf32, #tpu.memory_space<vmem>>, vector<16xf32>,
    %swap3A_207 = vector.shape_cast %swap3A_206 : vector<16xf32> to vector<16xf32>
    %swap3A_208 = vector.shape_cast %broadcast_in_dim3A_204 : vector<16xf32> to vector<16xf32>
    tpu.vector_store %arg6[%swap3A_205], %swap3A_208 {strides = array<i32>} : memref<640xf32, #tpu.memory_space<vmem>>, vector<16xf32>,
    %broadcast_in_dim3A_209 = arith.constant 0.000000e+00 : f32
    %broadcast_in_dim3A_210 = vector.broadcast %broadcast_in_dim3A_209 : f32 to vector<16xf32>
    %swap3A_211 = arith.constant 432 : index
    %swap3A_212 = tpu.vector_load %arg6[%swap3A_211] {strides = array<i32>} : memref<640xf32, #tpu.memory_space<vmem>>, vector<16xf32>,
    %swap3A_213 = vector.shape_cast %swap3A_212 : vector<16xf32> to vector<16xf32>
    %swap3A_214 = vector.shape_cast %broadcast_in_dim3A_210 : vector<16xf32> to vector<16xf32>
    tpu.vector_store %arg6[%swap3A_211], %swap3A_214 {strides = array<i32>} : memref<640xf32, #tpu.memory_space<vmem>>, vector<16xf32>,
    %broadcast_in_dim3A_215 = arith.constant 0.000000e+00 : f32
    %broadcast_in_dim3A_216 = vector.broadcast %broadcast_in_dim3A_215 : f32 to vector<16xf32>
    %swap3A_217 = arith.constant 448 : index
    %swap3A_218 = tpu.vector_load %arg6[%swap3A_217] {strides = array<i32>} : memref<640xf32, #tpu.memory_space<vmem>>, vector<16xf32>,
    %swap3A_219 = vector.shape_cast %swap3A_218 : vector<16xf32> to vector<16xf32>
    %swap3A_220 = vector.shape_cast %broadcast_in_dim3A_216 : vector<16xf32> to vector<16xf32>
    tpu.vector_store %arg6[%swap3A_217], %swap3A_220 {strides = array<i32>} : memref<640xf32, #tpu.memory_space<vmem>>, vector<16xf32>,
    %broadcast_in_dim3A_221 = arith.constant 0.000000e+00 : f32
    %broadcast_in_dim3A_222 = vector.broadcast %broadcast_in_dim3A_221 : f32 to vector<16xf32>
    %swap3A_223 = arith.constant 464 : index
    %swap3A_224 = tpu.vector_load %arg6[%swap3A_223] {strides = array<i32>} : memref<640xf32, #tpu.memory_space<vmem>>, vector<16xf32>,
    %swap3A_225 = vector.shape_cast %swap3A_224 : vector<16xf32> to vector<16xf32>
    %swap3A_226 = vector.shape_cast %broadcast_in_dim3A_222 : vector<16xf32> to vector<16xf32>
    tpu.vector_store %arg6[%swap3A_223], %swap3A_226 {strides = array<i32>} : memref<640xf32, #tpu.memory_space<vmem>>, vector<16xf32>,
    %broadcast_in_dim3A_227 = arith.constant 0.000000e+00 : f32
    %broadcast_in_dim3A_228 = vector.broadcast %broadcast_in_dim3A_227 : f32 to vector<16xf32>
    %swap3A_229 = arith.constant 480 : index
    %swap3A_230 = tpu.vector_load %arg6[%swap3A_229] {strides = array<i32>} : memref<640xf32, #tpu.memory_space<vmem>>, vector<16xf32>,
    %swap3A_231 = vector.shape_cast %swap3A_230 : vector<16xf32> to vector<16xf32>
    %swap3A_232 = vector.shape_cast %broadcast_in_dim3A_228 : vector<16xf32> to vector<16xf32>
    tpu.vector_store %arg6[%swap3A_229], %swap3A_232 {strides = array<i32>} : memref<640xf32, #tpu.memory_space<vmem>>, vector<16xf32>,
    %broadcast_in_dim3A_233 = arith.constant 0.000000e+00 : f32
    %broadcast_in_dim3A_234 = vector.broadcast %broadcast_in_dim3A_233 : f32 to vector<16xf32>
    %swap3A_235 = arith.constant 496 : index
    %swap3A_236 = tpu.vector_load %arg6[%swap3A_235] {strides = array<i32>} : memref<640xf32, #tpu.memory_space<vmem>>, vector<16xf32>,
    %swap3A_237 = vector.shape_cast %swap3A_236 : vector<16xf32> to vector<16xf32>
    %swap3A_238 = vector.shape_cast %broadcast_in_dim3A_234 : vector<16xf32> to vector<16xf32>
    tpu.vector_store %arg6[%swap3A_235], %swap3A_238 {strides = array<i32>} : memref<640xf32, #tpu.memory_space<vmem>>, vector<16xf32>,
    %broadcast_in_dim3A_239 = arith.constant 0.000000e+00 : f32
    %broadcast_in_dim3A_240 = vector.broadcast %broadcast_in_dim3A_239 : f32 to vector<16xf32>
    %swap3A_241 = arith.constant 512 : index
    %swap3A_242 = tpu.vector_load %arg6[%swap3A_241] {strides = array<i32>} : memref<640xf32, #tpu.memory_space<vmem>>, vector<16xf32>,
    %swap3A_243 = vector.shape_cast %swap3A_242 : vector<16xf32> to vector<16xf32>
    %swap3A_244 = vector.shape_cast %broadcast_in_dim3A_240 : vector<16xf32> to vector<16xf32>
    tpu.vector_store %arg6[%swap3A_241], %swap3A_244 {strides = array<i32>} : memref<640xf32, #tpu.memory_space<vmem>>, vector<16xf32>,
    %broadcast_in_dim3A_245 = arith.constant 0.000000e+00 : f32
    %broadcast_in_dim3A_246 = vector.broadcast %broadcast_in_dim3A_245 : f32 to vector<16xf32>
    %swap3A_247 = arith.constant 528 : index
    %swap3A_248 = tpu.vector_load %arg6[%swap3A_247] {strides = array<i32>} : memref<640xf32, #tpu.memory_space<vmem>>, vector<16xf32>,
    %swap3A_249 = vector.shape_cast %swap3A_248 : vector<16xf32> to vector<16xf32>
    %swap3A_250 = vector.shape_cast %broadcast_in_dim3A_246 : vector<16xf32> to vector<16xf32>
    tpu.vector_store %arg6[%swap3A_247], %swap3A_250 {strides = array<i32>} : memref<640xf32, #tpu.memory_space<vmem>>, vector<16xf32>,
    %broadcast_in_dim3A_251 = arith.constant 0.000000e+00 : f32
    %broadcast_in_dim3A_252 = vector.broadcast %broadcast_in_dim3A_251 : f32 to vector<16xf32>
    %swap3A_253 = arith.constant 544 : index
    %swap3A_254 = tpu.vector_load %arg6[%swap3A_253] {strides = array<i32>} : memref<640xf32, #tpu.memory_space<vmem>>, vector<16xf32>,
    %swap3A_255 = vector.shape_cast %swap3A_254 : vector<16xf32> to vector<16xf32>
    %swap3A_256 = vector.shape_cast %broadcast_in_dim3A_252 : vector<16xf32> to vector<16xf32>
    tpu.vector_store %arg6[%swap3A_253], %swap3A_256 {strides = array<i32>} : memref<640xf32, #tpu.memory_space<vmem>>, vector<16xf32>,
    %broadcast_in_dim3A_257 = arith.constant 0.000000e+00 : f32
    %broadcast_in_dim3A_258 = vector.broadcast %broadcast_in_dim3A_257 : f32 to vector<16xf32>
    %swap3A_259 = arith.constant 560 : index
    %swap3A_260 = tpu.vector_load %arg6[%swap3A_259] {strides = array<i32>} : memref<640xf32, #tpu.memory_space<vmem>>, vector<16xf32>,
    %swap3A_261 = vector.shape_cast %swap3A_260 : vector<16xf32> to vector<16xf32>
    %swap3A_262 = vector.shape_cast %broadcast_in_dim3A_258 : vector<16xf32> to vector<16xf32>
    tpu.vector_store %arg6[%swap3A_259], %swap3A_262 {strides = array<i32>} : memref<640xf32, #tpu.memory_space<vmem>>, vector<16xf32>,
    %broadcast_in_dim3A_263 = arith.constant 0.000000e+00 : f32
    %broadcast_in_dim3A_264 = vector.broadcast %broadcast_in_dim3A_263 : f32 to vector<16xf32>
    %swap3A_265 = arith.constant 576 : index
    %swap3A_266 = tpu.vector_load %arg6[%swap3A_265] {strides = array<i32>} : memref<640xf32, #tpu.memory_space<vmem>>, vector<16xf32>,
    %swap3A_267 = vector.shape_cast %swap3A_266 : vector<16xf32> to vector<16xf32>
    %swap3A_268 = vector.shape_cast %broadcast_in_dim3A_264 : vector<16xf32> to vector<16xf32>
    tpu.vector_store %arg6[%swap3A_265], %swap3A_268 {strides = array<i32>} : memref<640xf32, #tpu.memory_space<vmem>>, vector<16xf32>,
    %broadcast_in_dim3A_269 = arith.constant 0.000000e+00 : f32
    %broadcast_in_dim3A_270 = vector.broadcast %broadcast_in_dim3A_269 : f32 to vector<16xf32>
    %swap3A_271 = arith.constant 592 : index
    %swap3A_272 = tpu.vector_load %arg6[%swap3A_271] {strides = array<i32>} : memref<640xf32, #tpu.memory_space<vmem>>, vector<16xf32>,
    %swap3A_273 = vector.shape_cast %swap3A_272 : vector<16xf32> to vector<16xf32>
    %swap3A_274 = vector.shape_cast %broadcast_in_dim3A_270 : vector<16xf32> to vector<16xf32>
    tpu.vector_store %arg6[%swap3A_271], %swap3A_274 {strides = array<i32>} : memref<640xf32, #tpu.memory_space<vmem>>, vector<16xf32>,
    %broadcast_in_dim3A_275 = arith.constant 0.000000e+00 : f32
    %broadcast_in_dim3A_276 = vector.broadcast %broadcast_in_dim3A_275 : f32 to vector<16xf32>
    %swap3A_277 = arith.constant 608 : index
    %swap3A_278 = tpu.vector_load %arg6[%swap3A_277] {strides = array<i32>} : memref<640xf32, #tpu.memory_space<vmem>>, vector<16xf32>,
    %swap3A_279 = vector.shape_cast %swap3A_278 : vector<16xf32> to vector<16xf32>
    %swap3A_280 = vector.shape_cast %broadcast_in_dim3A_276 : vector<16xf32> to vector<16xf32>
    tpu.vector_store %arg6[%swap3A_277], %swap3A_280 {strides = array<i32>} : memref<640xf32, #tpu.memory_space<vmem>>, vector<16xf32>,
    %broadcast_in_dim3A_281 = arith.constant 0.000000e+00 : f32
    %broadcast_in_dim3A_282 = vector.broadcast %broadcast_in_dim3A_281 : f32 to vector<16xf32>
    %swap3A_283 = arith.constant 624 : index
    %swap3A_284 = tpu.vector_load %arg6[%swap3A_283] {strides = array<i32>} : memref<640xf32, #tpu.memory_space<vmem>>, vector<16xf32>,
    %swap3A_285 = vector.shape_cast %swap3A_284 : vector<16xf32> to vector<16xf32>
    %swap3A_286 = vector.shape_cast %broadcast_in_dim3A_282 : vector<16xf32> to vector<16xf32>
    tpu.vector_store %arg6[%swap3A_283], %swap3A_286 {strides = array<i32>} : memref<640xf32, #tpu.memory_space<vmem>>, vector<16xf32>,
    %mul3A_287 = arith.constant 640 : i32
    %mul3A_288 = arith.muli %arg1, %mul3A_287 : i32
    "tpu.region"() ({
      %run_scoped3A = tpu.sem_alloc : memref<!tpu.dma_semaphore, #tpu.memory_space<semaphore_mem>>
      %dma_start3A = tpu.memref_slice %arg7[%mul3A_288] : memref<10240xf32, #tpu.memory_space<vmem_shared>> -> memref<640xf32, #tpu.memory_space<vmem_shared>>
      %dma_start3A_298 = tpu.memref_slice %arg7[%mul3A_288] : memref<10240xf32, #tpu.memory_space<vmem_shared>> -> memref<640xf32, #tpu.memory_space<vmem_shared>>
      tpu.enqueue_dma source(%arg6 : memref<640xf32, #tpu.memory_space<vmem>>) target(%dma_start3A_298 : memref<640xf32, #tpu.memory_space<vmem_shared>>) target_semaphore(%run_scoped3A : memref<!tpu.dma_semaphore, #tpu.memory_space<semaphore_mem>>)
      %dma_wait3A = tpu.memref_slice %arg7[%mul3A_288] : memref<10240xf32, #tpu.memory_space<vmem_shared>> -> memref<640xf32, #tpu.memory_space<vmem_shared>>
      %dma_wait3A_299 = tpu.memref_slice %arg7[%mul3A_288] : memref<10240xf32, #tpu.memory_space<vmem_shared>> -> memref<640xf32, #tpu.memory_space<vmem_shared>>
      tpu.wait_dma2 semaphore(%run_scoped3A : memref<!tpu.dma_semaphore, #tpu.memory_space<semaphore_mem>>) src(%arg6 : memref<640xf32, #tpu.memory_space<vmem>>) dst(%dma_wait3A_299 : memref<640xf32, #tpu.memory_space<vmem_shared>>)
      tpu.yield
    }) : () -> ()
    %barrier3A = arith.constant 0 : index
    tpu.barrier barrier_id(%barrier3A)
    %scan3A = arith.constant 0 : i32
    %scan3A_289 = arith.constant 80 : i32
    %scan3A_290 = arith.addi %scan3A, %scan3A_289 : i32
    %scan3A_291 = arith.constant 1 : i32
    scf.for %scan3A_298 = %scan3A to %scan3A_290 step %scan3A_291  : i32 {
      %mul3A_299 = arith.constant 1 : i32
      %mul3A_300 = arith.muli %scan3A_298, %mul3A_299 : i32
      %add3A_301 = arith.constant 0 : i32
      %add3A_302 = arith.addi %add3A_301, %mul3A_300 : i32
      "tpu.region"() ({
        %run_scoped3A = tpu.sem_alloc : memref<!tpu.dma_semaphore, #tpu.memory_space<semaphore_mem>>
        %dma_start3A = arith.constant 0 : i32
        %dma_start3A_303 = tpu.memref_slice %arg4[%add3A_302, %dma_start3A] : memref<80x128xi32, #tpu.memory_space<vmem>> -> memref<1x128xi32, #tpu.memory_space<vmem>>
        %dma_start3A_304 = tpu.memref_squeeze %dma_start3A_303 : memref<1x128xi32, #tpu.memory_space<vmem>> -> memref<128xi32, #tpu.memory_space<vmem>>
        %dma_start3A_305 = arith.constant 0 : i32
        %dma_start3A_306 = tpu.memref_slice %arg7[%dma_start3A_305] : memref<10240xf32, #tpu.memory_space<vmem_shared>> -> memref<10240xf32, #tpu.memory_space<vmem_shared>>
        tpu.enqueue_indirect_dma source(%arg5 : memref<128xf32, #tpu.memory_space<vmem>>) target(%dma_start3A_306 : memref<10240xf32, #tpu.memory_space<vmem_shared>>) offsets(%dma_start3A_304 : memref<128xi32, #tpu.memory_space<vmem>>) semaphore(%run_scoped3A : memref<!tpu.dma_semaphore, #tpu.memory_space<semaphore_mem>>) {add = true}
        %dma_wait3A = arith.constant 0 : i32
        %dma_wait3A_307 = tpu.memref_slice %arg4[%add3A_302, %dma_wait3A] : memref<80x128xi32, #tpu.memory_space<vmem>> -> memref<1x128xi32, #tpu.memory_space<vmem>>
        %dma_wait3A_308 = tpu.memref_squeeze %dma_wait3A_307 : memref<1x128xi32, #tpu.memory_space<vmem>> -> memref<128xi32, #tpu.memory_space<vmem>>
        %dma_wait3A_309 = arith.constant 0 : i32
        %dma_wait3A_310 = tpu.memref_slice %arg7[%dma_wait3A_309] : memref<10240xf32, #tpu.memory_space<vmem_shared>> -> memref<10240xf32, #tpu.memory_space<vmem_shared>>
        tpu.wait_indirect_dma semaphore(%run_scoped3A : memref<!tpu.dma_semaphore, #tpu.memory_space<semaphore_mem>>) src(%arg5 : memref<128xf32, #tpu.memory_space<vmem>>) dst(%dma_wait3A_310 : memref<10240xf32, #tpu.memory_space<vmem_shared>>)
        tpu.yield
      }) : () -> ()
    }
    %scan3A_292 = arith.constant 80 : i32
    %barrier3A_293 = arith.constant 0 : index
    tpu.barrier barrier_id(%barrier3A_293)
    %mul3A_294 = arith.constant 640 : i32
    %mul3A_295 = arith.muli %arg1, %mul3A_294 : i32
    %mul3A_296 = arith.constant 640 : i32
    %mul3A_297 = arith.muli %arg1, %mul3A_296 : i32
    "tpu.region"() ({
      %run_scoped3A = tpu.sem_alloc : memref<!tpu.dma_semaphore, #tpu.memory_space<semaphore_mem>>
      %dma_start3A = tpu.memref_slice %arg3[%arg0, %mul3A_297] : memref<2x10240xf32, #tpu.memory_space<hbm>> -> memref<1x640xf32, #tpu.memory_space<hbm>>
      %dma_start3A_298 = tpu.memref_squeeze %dma_start3A : memref<1x640xf32, #tpu.memory_space<hbm>> -> memref<640xf32, #tpu.memory_space<hbm>>
      %dma_start3A_299 = tpu.memref_slice %arg7[%mul3A_295] : memref<10240xf32, #tpu.memory_space<vmem_shared>> -> memref<640xf32, #tpu.memory_space<vmem_shared>>
      tpu.enqueue_dma source(%dma_start3A_299 : memref<640xf32, #tpu.memory_space<vmem_shared>>) target(%dma_start3A_298 : memref<640xf32, #tpu.memory_space<hbm>>) target_semaphore(%run_scoped3A : memref<!tpu.dma_semaphore, #tpu.memory_space<semaphore_mem>>)
      %dma_wait3A = tpu.memref_slice %arg3[%arg0, %mul3A_297] : memref<2x10240xf32, #tpu.memory_space<hbm>> -> memref<1x640xf32, #tpu.memory_space<hbm>>
      %dma_wait3A_300 = tpu.memref_squeeze %dma_wait3A : memref<1x640xf32, #tpu.memory_space<hbm>> -> memref<640xf32, #tpu.memory_space<hbm>>
      %dma_wait3A_301 = tpu.memref_slice %arg7[%mul3A_295] : memref<10240xf32, #tpu.memory_space<vmem_shared>> -> memref<640xf32, #tpu.memory_space<vmem_shared>>
      tpu.wait_dma2 semaphore(%run_scoped3A : memref<!tpu.dma_semaphore, #tpu.memory_space<semaphore_mem>>) src(%dma_wait3A_301 : memref<640xf32, #tpu.memory_space<vmem_shared>>) dst(%dma_wait3A_300 : memref<640xf32, #tpu.memory_space<hbm>>)
      tpu.yield
    }) : () -> ()
    return
  }
}

#map = affine_map<(d0, d1) -> (0, 0)>
#map1 = affine_map<(d0, d1) -> (0, 0, 0)>
module attributes {stable_mosaic.version = 14 : i64} {
  func.func @k(%arg0: i32, %arg1: i32, %arg2: memref<10000x32xf32, #tpu.memory_space<hbm>>, %arg3: memref<10240x32xf32, #tpu.memory_space<hbm>>, %arg4: memref<32x80x128xi32, #tpu.memory_space<hbm>>, %arg5: memref<32x80x128xi32, #tpu.memory_space<hbm>>, %arg6: memref<2x10240x32xf32, #tpu.memory_space<hbm>>, %arg7: memref<80x128xi32, #tpu.memory_space<vmem>>, %arg8: memref<80x128xi32, #tpu.memory_space<vmem>>, %arg9: memref<128x32xf32, #tpu.memory_space<vmem>>, %arg10: memref<128x32xf32, #tpu.memory_space<vmem>>, %arg11: memref<128x32xf32, #tpu.memory_space<vmem>>, %arg12: memref<128x32xf32, #tpu.memory_space<vmem>>, %arg13: memref<128x32xf32, #tpu.memory_space<vmem>>, %arg14: memref<128x32xf32, #tpu.memory_space<vmem>>, %arg15: memref<128x32xf32, #tpu.memory_space<vmem>>, %arg16: memref<128x32xf32, #tpu.memory_space<vmem>>, %arg17: memref<10240x32xf32, #tpu.memory_space<vmem_shared>>, %arg18: memref<!tpu.dma_semaphore, #tpu.memory_space<semaphore_mem>>, %arg19: memref<!tpu.dma_semaphore, #tpu.memory_space<semaphore_mem>>, %arg20: memref<!tpu.dma_semaphore, #tpu.memory_space<semaphore_mem>>, %arg21: memref<!tpu.dma_semaphore, #tpu.memory_space<semaphore_mem>>, %arg22: memref<!tpu.dma_semaphore, #tpu.memory_space<semaphore_mem>>, %arg23: memref<!tpu.dma_semaphore, #tpu.memory_space<semaphore_mem>>, %arg24: memref<!tpu.dma_semaphore, #tpu.memory_space<semaphore_mem>>, %arg25: memref<!tpu.dma_semaphore, #tpu.memory_space<semaphore_mem>>, %arg26: memref<!tpu.dma_semaphore, #tpu.memory_space<semaphore_mem>>, %arg27: memref<!tpu.dma_semaphore, #tpu.memory_space<semaphore_mem>>, %arg28: memref<!tpu.dma_semaphore, #tpu.memory_space<semaphore_mem>>, %arg29: memref<!tpu.dma_semaphore, #tpu.memory_space<semaphore_mem>>, %arg30: memref<!tpu.dma_semaphore, #tpu.memory_space<semaphore_mem>>, %arg31: memref<!tpu.dma_semaphore, #tpu.memory_space<semaphore_mem>>, %arg32: memref<!tpu.dma_semaphore, #tpu.memory_space<semaphore_mem>>, %arg33: memref<!tpu.dma_semaphore, #tpu.memory_space<semaphore_mem>>) attributes {dimension_semantics = [#tpu.dimension_semantics<core_parallel>, #tpu.dimension_semantics<subcore_parallel>], iteration_bounds = array<i64: 2, 16>, scalar_prefetch = 0 : i64, scratch_operands = 27 : i64, tpu.core_type = #tpu.core_type<sc_vector_subcore>, window_params = [{transform_indices = #map}, {transform_indices = #map}, {transform_indices = #map1}, {transform_indices = #map1}, {transform_indices = #map1}]} {
    %mul3A = arith.constant 16 : i32
    %mul3A_0 = arith.muli %arg0, %mul3A : i32
    %add3A = arith.addi %mul3A_0, %arg1 : i32
    %dma_start3A = arith.constant 0 : i32
    %dma_start3A_1 = arith.constant 0 : i32
    %dma_start3A_2 = tpu.memref_slice %arg4[%add3A, %dma_start3A, %dma_start3A_1] : memref<32x80x128xi32, #tpu.memory_space<hbm>> -> memref<1x80x128xi32, #tpu.memory_space<hbm>>
    %dma_start3A_3 = tpu.memref_squeeze %dma_start3A_2 : memref<1x80x128xi32, #tpu.memory_space<hbm>> -> memref<80x128xi32, #tpu.memory_space<hbm>>
    %dma_start3A_4 = arith.constant 0 : i32
    %dma_start3A_5 = arith.constant 0 : i32
    %dma_start3A_6 = tpu.memref_slice %arg4[%add3A, %dma_start3A_4, %dma_start3A_5] : memref<32x80x128xi32, #tpu.memory_space<hbm>> -> memref<1x80x128xi32, #tpu.memory_space<hbm>>
    %dma_start3A_7 = tpu.memref_squeeze %dma_start3A_6 : memref<1x80x128xi32, #tpu.memory_space<hbm>> -> memref<80x128xi32, #tpu.memory_space<hbm>>
    tpu.enqueue_dma source(%dma_start3A_7 : memref<80x128xi32, #tpu.memory_space<hbm>>) target(%arg7 : memref<80x128xi32, #tpu.memory_space<vmem>>) target_semaphore(%arg18 : memref<!tpu.dma_semaphore, #tpu.memory_space<semaphore_mem>>)
    %dma_start3A_8 = arith.constant 0 : i32
    %dma_start3A_9 = arith.constant 0 : i32
    %dma_start3A_10 = tpu.memref_slice %arg5[%add3A, %dma_start3A_8, %dma_start3A_9] : memref<32x80x128xi32, #tpu.memory_space<hbm>> -> memref<1x80x128xi32, #tpu.memory_space<hbm>>
    %dma_start3A_11 = tpu.memref_squeeze %dma_start3A_10 : memref<1x80x128xi32, #tpu.memory_space<hbm>> -> memref<80x128xi32, #tpu.memory_space<hbm>>
    %dma_start3A_12 = arith.constant 0 : i32
    %dma_start3A_13 = arith.constant 0 : i32
    %dma_start3A_14 = tpu.memref_slice %arg5[%add3A, %dma_start3A_12, %dma_start3A_13] : memref<32x80x128xi32, #tpu.memory_space<hbm>> -> memref<1x80x128xi32, #tpu.memory_space<hbm>>
    %dma_start3A_15 = tpu.memref_squeeze %dma_start3A_14 : memref<1x80x128xi32, #tpu.memory_space<hbm>> -> memref<80x128xi32, #tpu.memory_space<hbm>>
    tpu.enqueue_dma source(%dma_start3A_15 : memref<80x128xi32, #tpu.memory_space<hbm>>) target(%arg8 : memref<80x128xi32, #tpu.memory_space<vmem>>) target_semaphore(%arg19 : memref<!tpu.dma_semaphore, #tpu.memory_space<semaphore_mem>>)
    %mul3A_16 = arith.constant 640 : i32
    %mul3A_17 = arith.muli %arg1, %mul3A_16 : i32
    %mul3A_18 = arith.constant 640 : i32
    %mul3A_19 = arith.muli %arg1, %mul3A_18 : i32
    "tpu.region"() ({
      %run_scoped3A = tpu.sem_alloc : memref<!tpu.dma_semaphore, #tpu.memory_space<semaphore_mem>>
      %dma_start3A_268 = arith.constant 0 : i32
      %dma_start3A_269 = tpu.memref_slice %arg17[%mul3A_19, %dma_start3A_268] : memref<10240x32xf32, #tpu.memory_space<vmem_shared>> -> memref<640x32xf32, #tpu.memory_space<vmem_shared>>
      %dma_start3A_270 = arith.constant 0 : i32
      %dma_start3A_271 = tpu.memref_slice %arg3[%mul3A_17, %dma_start3A_270] : memref<10240x32xf32, #tpu.memory_space<hbm>> -> memref<640x32xf32, #tpu.memory_space<hbm>>
      tpu.enqueue_dma source(%dma_start3A_271 : memref<640x32xf32, #tpu.memory_space<hbm>>) target(%dma_start3A_269 : memref<640x32xf32, #tpu.memory_space<vmem_shared>>) target_semaphore(%run_scoped3A : memref<!tpu.dma_semaphore, #tpu.memory_space<semaphore_mem>>)
      %dma_wait3A_272 = arith.constant 0 : i32
      %dma_wait3A_273 = tpu.memref_slice %arg17[%mul3A_19, %dma_wait3A_272] : memref<10240x32xf32, #tpu.memory_space<vmem_shared>> -> memref<640x32xf32, #tpu.memory_space<vmem_shared>>
      %dma_wait3A_274 = arith.constant 0 : i32
      %dma_wait3A_275 = tpu.memref_slice %arg3[%mul3A_17, %dma_wait3A_274] : memref<10240x32xf32, #tpu.memory_space<hbm>> -> memref<640x32xf32, #tpu.memory_space<hbm>>
      tpu.wait_dma2 semaphore(%run_scoped3A : memref<!tpu.dma_semaphore, #tpu.memory_space<semaphore_mem>>) src(%dma_wait3A_275 : memref<640x32xf32, #tpu.memory_space<hbm>>) dst(%dma_wait3A_273 : memref<640x32xf32, #tpu.memory_space<vmem_shared>>)
      tpu.yield
    }) : () -> ()
    %dma_wait3A = arith.constant 0 : i32
    %dma_wait3A_20 = arith.constant 0 : i32
    %dma_wait3A_21 = tpu.memref_slice %arg4[%add3A, %dma_wait3A, %dma_wait3A_20] : memref<32x80x128xi32, #tpu.memory_space<hbm>> -> memref<1x80x128xi32, #tpu.memory_space<hbm>>
    %dma_wait3A_22 = tpu.memref_squeeze %dma_wait3A_21 : memref<1x80x128xi32, #tpu.memory_space<hbm>> -> memref<80x128xi32, #tpu.memory_space<hbm>>
    %dma_wait3A_23 = arith.constant 0 : i32
    %dma_wait3A_24 = arith.constant 0 : i32
    %dma_wait3A_25 = tpu.memref_slice %arg4[%add3A, %dma_wait3A_23, %dma_wait3A_24] : memref<32x80x128xi32, #tpu.memory_space<hbm>> -> memref<1x80x128xi32, #tpu.memory_space<hbm>>
    %dma_wait3A_26 = tpu.memref_squeeze %dma_wait3A_25 : memref<1x80x128xi32, #tpu.memory_space<hbm>> -> memref<80x128xi32, #tpu.memory_space<hbm>>
    tpu.wait_dma2 semaphore(%arg18 : memref<!tpu.dma_semaphore, #tpu.memory_space<semaphore_mem>>) src(%dma_wait3A_26 : memref<80x128xi32, #tpu.memory_space<hbm>>) dst(%arg7 : memref<80x128xi32, #tpu.memory_space<vmem>>)
    %dma_wait3A_27 = arith.constant 0 : i32
    %dma_wait3A_28 = arith.constant 0 : i32
    %dma_wait3A_29 = tpu.memref_slice %arg5[%add3A, %dma_wait3A_27, %dma_wait3A_28] : memref<32x80x128xi32, #tpu.memory_space<hbm>> -> memref<1x80x128xi32, #tpu.memory_space<hbm>>
    %dma_wait3A_30 = tpu.memref_squeeze %dma_wait3A_29 : memref<1x80x128xi32, #tpu.memory_space<hbm>> -> memref<80x128xi32, #tpu.memory_space<hbm>>
    %dma_wait3A_31 = arith.constant 0 : i32
    %dma_wait3A_32 = arith.constant 0 : i32
    %dma_wait3A_33 = tpu.memref_slice %arg5[%add3A, %dma_wait3A_31, %dma_wait3A_32] : memref<32x80x128xi32, #tpu.memory_space<hbm>> -> memref<1x80x128xi32, #tpu.memory_space<hbm>>
    %dma_wait3A_34 = tpu.memref_squeeze %dma_wait3A_33 : memref<1x80x128xi32, #tpu.memory_space<hbm>> -> memref<80x128xi32, #tpu.memory_space<hbm>>
    tpu.wait_dma2 semaphore(%arg19 : memref<!tpu.dma_semaphore, #tpu.memory_space<semaphore_mem>>) src(%dma_wait3A_34 : memref<80x128xi32, #tpu.memory_space<hbm>>) dst(%arg8 : memref<80x128xi32, #tpu.memory_space<vmem>>)
    %barrier3A = arith.constant 0 : index
    tpu.barrier barrier_id(%barrier3A)
    %dma_start3A_35 = arith.constant 0 : i32
    %dma_start3A_36 = arith.constant 0 : i32
    %dma_start3A_37 = tpu.memref_slice %arg7[%dma_start3A_35, %dma_start3A_36] : memref<80x128xi32, #tpu.memory_space<vmem>> -> memref<1x128xi32, #tpu.memory_space<vmem>>
    %dma_start3A_38 = tpu.memref_squeeze %dma_start3A_37 : memref<1x128xi32, #tpu.memory_space<vmem>> -> memref<128xi32, #tpu.memory_space<vmem>>
    %dma_start3A_39 = arith.constant 0 : i32
    %dma_start3A_40 = arith.constant 0 : i32
    %dma_start3A_41 = tpu.memref_slice %arg2[%dma_start3A_39, %dma_start3A_40] : memref<10000x32xf32, #tpu.memory_space<hbm>> -> memref<10000x32xf32, #tpu.memory_space<hbm>>
    tpu.enqueue_indirect_dma source(%dma_start3A_41 : memref<10000x32xf32, #tpu.memory_space<hbm>>) target(%arg9 : memref<128x32xf32, #tpu.memory_space<vmem>>) offsets(%dma_start3A_38 : memref<128xi32, #tpu.memory_space<vmem>>) semaphore(%arg18 : memref<!tpu.dma_semaphore, #tpu.memory_space<semaphore_mem>>)
    %dma_start3A_42 = arith.constant 1 : i32
    %dma_start3A_43 = arith.constant 0 : i32
    %dma_start3A_44 = tpu.memref_slice %arg7[%dma_start3A_42, %dma_start3A_43] : memref<80x128xi32, #tpu.memory_space<vmem>> -> memref<1x128xi32, #tpu.memory_space<vmem>>
    %dma_start3A_45 = tpu.memref_squeeze %dma_start3A_44 : memref<1x128xi32, #tpu.memory_space<vmem>> -> memref<128xi32, #tpu.memory_space<vmem>>
    %dma_start3A_46 = arith.constant 0 : i32
    %dma_start3A_47 = arith.constant 0 : i32
    %dma_start3A_48 = tpu.memref_slice %arg2[%dma_start3A_46, %dma_start3A_47] : memref<10000x32xf32, #tpu.memory_space<hbm>> -> memref<10000x32xf32, #tpu.memory_space<hbm>>
    tpu.enqueue_indirect_dma source(%dma_start3A_48 : memref<10000x32xf32, #tpu.memory_space<hbm>>) target(%arg10 : memref<128x32xf32, #tpu.memory_space<vmem>>) offsets(%dma_start3A_45 : memref<128xi32, #tpu.memory_space<vmem>>) semaphore(%arg19 : memref<!tpu.dma_semaphore, #tpu.memory_space<semaphore_mem>>)
    %dma_start3A_49 = arith.constant 2 : i32
    %dma_start3A_50 = arith.constant 0 : i32
    %dma_start3A_51 = tpu.memref_slice %arg7[%dma_start3A_49, %dma_start3A_50] : memref<80x128xi32, #tpu.memory_space<vmem>> -> memref<1x128xi32, #tpu.memory_space<vmem>>
    %dma_start3A_52 = tpu.memref_squeeze %dma_start3A_51 : memref<1x128xi32, #tpu.memory_space<vmem>> -> memref<128xi32, #tpu.memory_space<vmem>>
    %dma_start3A_53 = arith.constant 0 : i32
    %dma_start3A_54 = arith.constant 0 : i32
    %dma_start3A_55 = tpu.memref_slice %arg2[%dma_start3A_53, %dma_start3A_54] : memref<10000x32xf32, #tpu.memory_space<hbm>> -> memref<10000x32xf32, #tpu.memory_space<hbm>>
    tpu.enqueue_indirect_dma source(%dma_start3A_55 : memref<10000x32xf32, #tpu.memory_space<hbm>>) target(%arg11 : memref<128x32xf32, #tpu.memory_space<vmem>>) offsets(%dma_start3A_52 : memref<128xi32, #tpu.memory_space<vmem>>) semaphore(%arg20 : memref<!tpu.dma_semaphore, #tpu.memory_space<semaphore_mem>>)
    %dma_start3A_56 = arith.constant 3 : i32
    %dma_start3A_57 = arith.constant 0 : i32
    %dma_start3A_58 = tpu.memref_slice %arg7[%dma_start3A_56, %dma_start3A_57] : memref<80x128xi32, #tpu.memory_space<vmem>> -> memref<1x128xi32, #tpu.memory_space<vmem>>
    %dma_start3A_59 = tpu.memref_squeeze %dma_start3A_58 : memref<1x128xi32, #tpu.memory_space<vmem>> -> memref<128xi32, #tpu.memory_space<vmem>>
    %dma_start3A_60 = arith.constant 0 : i32
    %dma_start3A_61 = arith.constant 0 : i32
    %dma_start3A_62 = tpu.memref_slice %arg2[%dma_start3A_60, %dma_start3A_61] : memref<10000x32xf32, #tpu.memory_space<hbm>> -> memref<10000x32xf32, #tpu.memory_space<hbm>>
    tpu.enqueue_indirect_dma source(%dma_start3A_62 : memref<10000x32xf32, #tpu.memory_space<hbm>>) target(%arg12 : memref<128x32xf32, #tpu.memory_space<vmem>>) offsets(%dma_start3A_59 : memref<128xi32, #tpu.memory_space<vmem>>) semaphore(%arg21 : memref<!tpu.dma_semaphore, #tpu.memory_space<semaphore_mem>>)
    %dma_start3A_63 = arith.constant 4 : i32
    %dma_start3A_64 = arith.constant 0 : i32
    %dma_start3A_65 = tpu.memref_slice %arg7[%dma_start3A_63, %dma_start3A_64] : memref<80x128xi32, #tpu.memory_space<vmem>> -> memref<1x128xi32, #tpu.memory_space<vmem>>
    %dma_start3A_66 = tpu.memref_squeeze %dma_start3A_65 : memref<1x128xi32, #tpu.memory_space<vmem>> -> memref<128xi32, #tpu.memory_space<vmem>>
    %dma_start3A_67 = arith.constant 0 : i32
    %dma_start3A_68 = arith.constant 0 : i32
    %dma_start3A_69 = tpu.memref_slice %arg2[%dma_start3A_67, %dma_start3A_68] : memref<10000x32xf32, #tpu.memory_space<hbm>> -> memref<10000x32xf32, #tpu.memory_space<hbm>>
    tpu.enqueue_indirect_dma source(%dma_start3A_69 : memref<10000x32xf32, #tpu.memory_space<hbm>>) target(%arg13 : memref<128x32xf32, #tpu.memory_space<vmem>>) offsets(%dma_start3A_66 : memref<128xi32, #tpu.memory_space<vmem>>) semaphore(%arg22 : memref<!tpu.dma_semaphore, #tpu.memory_space<semaphore_mem>>)
    %dma_start3A_70 = arith.constant 5 : i32
    %dma_start3A_71 = arith.constant 0 : i32
    %dma_start3A_72 = tpu.memref_slice %arg7[%dma_start3A_70, %dma_start3A_71] : memref<80x128xi32, #tpu.memory_space<vmem>> -> memref<1x128xi32, #tpu.memory_space<vmem>>
    %dma_start3A_73 = tpu.memref_squeeze %dma_start3A_72 : memref<1x128xi32, #tpu.memory_space<vmem>> -> memref<128xi32, #tpu.memory_space<vmem>>
    %dma_start3A_74 = arith.constant 0 : i32
    %dma_start3A_75 = arith.constant 0 : i32
    %dma_start3A_76 = tpu.memref_slice %arg2[%dma_start3A_74, %dma_start3A_75] : memref<10000x32xf32, #tpu.memory_space<hbm>> -> memref<10000x32xf32, #tpu.memory_space<hbm>>
    tpu.enqueue_indirect_dma source(%dma_start3A_76 : memref<10000x32xf32, #tpu.memory_space<hbm>>) target(%arg14 : memref<128x32xf32, #tpu.memory_space<vmem>>) offsets(%dma_start3A_73 : memref<128xi32, #tpu.memory_space<vmem>>) semaphore(%arg23 : memref<!tpu.dma_semaphore, #tpu.memory_space<semaphore_mem>>)
    %dma_start3A_77 = arith.constant 6 : i32
    %dma_start3A_78 = arith.constant 0 : i32
    %dma_start3A_79 = tpu.memref_slice %arg7[%dma_start3A_77, %dma_start3A_78] : memref<80x128xi32, #tpu.memory_space<vmem>> -> memref<1x128xi32, #tpu.memory_space<vmem>>
    %dma_start3A_80 = tpu.memref_squeeze %dma_start3A_79 : memref<1x128xi32, #tpu.memory_space<vmem>> -> memref<128xi32, #tpu.memory_space<vmem>>
    %dma_start3A_81 = arith.constant 0 : i32
    %dma_start3A_82 = arith.constant 0 : i32
    %dma_start3A_83 = tpu.memref_slice %arg2[%dma_start3A_81, %dma_start3A_82] : memref<10000x32xf32, #tpu.memory_space<hbm>> -> memref<10000x32xf32, #tpu.memory_space<hbm>>
    tpu.enqueue_indirect_dma source(%dma_start3A_83 : memref<10000x32xf32, #tpu.memory_space<hbm>>) target(%arg15 : memref<128x32xf32, #tpu.memory_space<vmem>>) offsets(%dma_start3A_80 : memref<128xi32, #tpu.memory_space<vmem>>) semaphore(%arg24 : memref<!tpu.dma_semaphore, #tpu.memory_space<semaphore_mem>>)
    %dma_start3A_84 = arith.constant 7 : i32
    %dma_start3A_85 = arith.constant 0 : i32
    %dma_start3A_86 = tpu.memref_slice %arg7[%dma_start3A_84, %dma_start3A_85] : memref<80x128xi32, #tpu.memory_space<vmem>> -> memref<1x128xi32, #tpu.memory_space<vmem>>
    %dma_start3A_87 = tpu.memref_squeeze %dma_start3A_86 : memref<1x128xi32, #tpu.memory_space<vmem>> -> memref<128xi32, #tpu.memory_space<vmem>>
    %dma_start3A_88 = arith.constant 0 : i32
    %dma_start3A_89 = arith.constant 0 : i32
    %dma_start3A_90 = tpu.memref_slice %arg2[%dma_start3A_88, %dma_start3A_89] : memref<10000x32xf32, #tpu.memory_space<hbm>> -> memref<10000x32xf32, #tpu.memory_space<hbm>>
    tpu.enqueue_indirect_dma source(%dma_start3A_90 : memref<10000x32xf32, #tpu.memory_space<hbm>>) target(%arg16 : memref<128x32xf32, #tpu.memory_space<vmem>>) offsets(%dma_start3A_87 : memref<128xi32, #tpu.memory_space<vmem>>) semaphore(%arg25 : memref<!tpu.dma_semaphore, #tpu.memory_space<semaphore_mem>>)
    %scan3A = arith.constant 0 : i32
    %scan3A_91 = arith.constant 9 : i32
    %scan3A_92 = arith.addi %scan3A, %scan3A_91 : i32
    %scan3A_93 = arith.constant 1 : i32
    scf.for %scan3A_268 = %scan3A to %scan3A_92 step %scan3A_93  : i32 {
      %mul3A_269 = arith.constant 1 : i32
      %mul3A_270 = arith.muli %scan3A_268, %mul3A_269 : i32
      %add3A_271 = arith.constant 0 : i32
      %add3A_272 = arith.addi %add3A_271, %mul3A_270 : i32
      %mul3A_273 = arith.constant 8 : i32
      %mul3A_274 = arith.muli %mul3A_273, %add3A_272 : i32
      %add3A_275 = arith.constant 0 : i32
      %add3A_276 = arith.addi %mul3A_274, %add3A_275 : i32
      %dma_wait3A_277 = arith.constant 0 : i32
      %dma_wait3A_278 = tpu.memref_slice %arg7[%add3A_276, %dma_wait3A_277] : memref<80x128xi32, #tpu.memory_space<vmem>> -> memref<1x128xi32, #tpu.memory_space<vmem>>
      %dma_wait3A_279 = tpu.memref_squeeze %dma_wait3A_278 : memref<1x128xi32, #tpu.memory_space<vmem>> -> memref<128xi32, #tpu.memory_space<vmem>>
      %dma_wait3A_280 = arith.constant 0 : i32
      %dma_wait3A_281 = arith.constant 0 : i32
      %dma_wait3A_282 = tpu.memref_slice %arg2[%dma_wait3A_280, %dma_wait3A_281] : memref<10000x32xf32, #tpu.memory_space<hbm>> -> memref<10000x32xf32, #tpu.memory_space<hbm>>
      tpu.wait_indirect_dma semaphore(%arg18 : memref<!tpu.dma_semaphore, #tpu.memory_space<semaphore_mem>>) src(%dma_wait3A_282 : memref<10000x32xf32, #tpu.memory_space<hbm>>) dst(%arg9 : memref<128x32xf32, #tpu.memory_space<vmem>>)
      %add3A_283 = arith.constant 0 : i32
      %add3A_284 = arith.addi %mul3A_274, %add3A_283 : i32
      %dma_start3A_285 = arith.constant 0 : i32
      %dma_start3A_286 = tpu.memref_slice %arg8[%add3A_284, %dma_start3A_285] : memref<80x128xi32, #tpu.memory_space<vmem>> -> memref<1x128xi32, #tpu.memory_space<vmem>>
      %dma_start3A_287 = tpu.memref_squeeze %dma_start3A_286 : memref<1x128xi32, #tpu.memory_space<vmem>> -> memref<128xi32, #tpu.memory_space<vmem>>
      %dma_start3A_288 = arith.constant 0 : i32
      %dma_start3A_289 = arith.constant 0 : i32
      %dma_start3A_290 = tpu.memref_slice %arg17[%dma_start3A_288, %dma_start3A_289] : memref<10240x32xf32, #tpu.memory_space<vmem_shared>> -> memref<10240x32xf32, #tpu.memory_space<vmem_shared>>
      tpu.enqueue_indirect_dma source(%arg9 : memref<128x32xf32, #tpu.memory_space<vmem>>) target(%dma_start3A_290 : memref<10240x32xf32, #tpu.memory_space<vmem_shared>>) offsets(%dma_start3A_287 : memref<128xi32, #tpu.memory_space<vmem>>) semaphore(%arg26 : memref<!tpu.dma_semaphore, #tpu.memory_space<semaphore_mem>>) {add = true}
      %add3A_291 = arith.constant 1 : i32
      %add3A_292 = arith.addi %mul3A_274, %add3A_291 : i32
      %dma_wait3A_293 = arith.constant 0 : i32
      %dma_wait3A_294 = tpu.memref_slice %arg7[%add3A_292, %dma_wait3A_293] : memref<80x128xi32, #tpu.memory_space<vmem>> -> memref<1x128xi32, #tpu.memory_space<vmem>>
      %dma_wait3A_295 = tpu.memref_squeeze %dma_wait3A_294 : memref<1x128xi32, #tpu.memory_space<vmem>> -> memref<128xi32, #tpu.memory_space<vmem>>
      %dma_wait3A_296 = arith.constant 0 : i32
      %dma_wait3A_297 = arith.constant 0 : i32
      %dma_wait3A_298 = tpu.memref_slice %arg2[%dma_wait3A_296, %dma_wait3A_297] : memref<10000x32xf32, #tpu.memory_space<hbm>> -> memref<10000x32xf32, #tpu.memory_space<hbm>>
      tpu.wait_indirect_dma semaphore(%arg19 : memref<!tpu.dma_semaphore, #tpu.memory_space<semaphore_mem>>) src(%dma_wait3A_298 : memref<10000x32xf32, #tpu.memory_space<hbm>>) dst(%arg10 : memref<128x32xf32, #tpu.memory_space<vmem>>)
      %add3A_299 = arith.constant 1 : i32
      %add3A_300 = arith.addi %mul3A_274, %add3A_299 : i32
      %dma_start3A_301 = arith.constant 0 : i32
      %dma_start3A_302 = tpu.memref_slice %arg8[%add3A_300, %dma_start3A_301] : memref<80x128xi32, #tpu.memory_space<vmem>> -> memref<1x128xi32, #tpu.memory_space<vmem>>
      %dma_start3A_303 = tpu.memref_squeeze %dma_start3A_302 : memref<1x128xi32, #tpu.memory_space<vmem>> -> memref<128xi32, #tpu.memory_space<vmem>>
      %dma_start3A_304 = arith.constant 0 : i32
      %dma_start3A_305 = arith.constant 0 : i32
      %dma_start3A_306 = tpu.memref_slice %arg17[%dma_start3A_304, %dma_start3A_305] : memref<10240x32xf32, #tpu.memory_space<vmem_shared>> -> memref<10240x32xf32, #tpu.memory_space<vmem_shared>>
      tpu.enqueue_indirect_dma source(%arg10 : memref<128x32xf32, #tpu.memory_space<vmem>>) target(%dma_start3A_306 : memref<10240x32xf32, #tpu.memory_space<vmem_shared>>) offsets(%dma_start3A_303 : memref<128xi32, #tpu.memory_space<vmem>>) semaphore(%arg27 : memref<!tpu.dma_semaphore, #tpu.memory_space<semaphore_mem>>) {add = true}
      %add3A_307 = arith.constant 2 : i32
      %add3A_308 = arith.addi %mul3A_274, %add3A_307 : i32
      %dma_wait3A_309 = arith.constant 0 : i32
      %dma_wait3A_310 = tpu.memref_slice %arg7[%add3A_308, %dma_wait3A_309] : memref<80x128xi32, #tpu.memory_space<vmem>> -> memref<1x128xi32, #tpu.memory_space<vmem>>
      %dma_wait3A_311 = tpu.memref_squeeze %dma_wait3A_310 : memref<1x128xi32, #tpu.memory_space<vmem>> -> memref<128xi32, #tpu.memory_space<vmem>>
      %dma_wait3A_312 = arith.constant 0 : i32
      %dma_wait3A_313 = arith.constant 0 : i32
      %dma_wait3A_314 = tpu.memref_slice %arg2[%dma_wait3A_312, %dma_wait3A_313] : memref<10000x32xf32, #tpu.memory_space<hbm>> -> memref<10000x32xf32, #tpu.memory_space<hbm>>
      tpu.wait_indirect_dma semaphore(%arg20 : memref<!tpu.dma_semaphore, #tpu.memory_space<semaphore_mem>>) src(%dma_wait3A_314 : memref<10000x32xf32, #tpu.memory_space<hbm>>) dst(%arg11 : memref<128x32xf32, #tpu.memory_space<vmem>>)
      %add3A_315 = arith.constant 2 : i32
      %add3A_316 = arith.addi %mul3A_274, %add3A_315 : i32
      %dma_start3A_317 = arith.constant 0 : i32
      %dma_start3A_318 = tpu.memref_slice %arg8[%add3A_316, %dma_start3A_317] : memref<80x128xi32, #tpu.memory_space<vmem>> -> memref<1x128xi32, #tpu.memory_space<vmem>>
      %dma_start3A_319 = tpu.memref_squeeze %dma_start3A_318 : memref<1x128xi32, #tpu.memory_space<vmem>> -> memref<128xi32, #tpu.memory_space<vmem>>
      %dma_start3A_320 = arith.constant 0 : i32
      %dma_start3A_321 = arith.constant 0 : i32
      %dma_start3A_322 = tpu.memref_slice %arg17[%dma_start3A_320, %dma_start3A_321] : memref<10240x32xf32, #tpu.memory_space<vmem_shared>> -> memref<10240x32xf32, #tpu.memory_space<vmem_shared>>
      tpu.enqueue_indirect_dma source(%arg11 : memref<128x32xf32, #tpu.memory_space<vmem>>) target(%dma_start3A_322 : memref<10240x32xf32, #tpu.memory_space<vmem_shared>>) offsets(%dma_start3A_319 : memref<128xi32, #tpu.memory_space<vmem>>) semaphore(%arg28 : memref<!tpu.dma_semaphore, #tpu.memory_space<semaphore_mem>>) {add = true}
      %add3A_323 = arith.constant 3 : i32
      %add3A_324 = arith.addi %mul3A_274, %add3A_323 : i32
      %dma_wait3A_325 = arith.constant 0 : i32
      %dma_wait3A_326 = tpu.memref_slice %arg7[%add3A_324, %dma_wait3A_325] : memref<80x128xi32, #tpu.memory_space<vmem>> -> memref<1x128xi32, #tpu.memory_space<vmem>>
      %dma_wait3A_327 = tpu.memref_squeeze %dma_wait3A_326 : memref<1x128xi32, #tpu.memory_space<vmem>> -> memref<128xi32, #tpu.memory_space<vmem>>
      %dma_wait3A_328 = arith.constant 0 : i32
      %dma_wait3A_329 = arith.constant 0 : i32
      %dma_wait3A_330 = tpu.memref_slice %arg2[%dma_wait3A_328, %dma_wait3A_329] : memref<10000x32xf32, #tpu.memory_space<hbm>> -> memref<10000x32xf32, #tpu.memory_space<hbm>>
      tpu.wait_indirect_dma semaphore(%arg21 : memref<!tpu.dma_semaphore, #tpu.memory_space<semaphore_mem>>) src(%dma_wait3A_330 : memref<10000x32xf32, #tpu.memory_space<hbm>>) dst(%arg12 : memref<128x32xf32, #tpu.memory_space<vmem>>)
      %add3A_331 = arith.constant 3 : i32
      %add3A_332 = arith.addi %mul3A_274, %add3A_331 : i32
      %dma_start3A_333 = arith.constant 0 : i32
      %dma_start3A_334 = tpu.memref_slice %arg8[%add3A_332, %dma_start3A_333] : memref<80x128xi32, #tpu.memory_space<vmem>> -> memref<1x128xi32, #tpu.memory_space<vmem>>
      %dma_start3A_335 = tpu.memref_squeeze %dma_start3A_334 : memref<1x128xi32, #tpu.memory_space<vmem>> -> memref<128xi32, #tpu.memory_space<vmem>>
      %dma_start3A_336 = arith.constant 0 : i32
      %dma_start3A_337 = arith.constant 0 : i32
      %dma_start3A_338 = tpu.memref_slice %arg17[%dma_start3A_336, %dma_start3A_337] : memref<10240x32xf32, #tpu.memory_space<vmem_shared>> -> memref<10240x32xf32, #tpu.memory_space<vmem_shared>>
      tpu.enqueue_indirect_dma source(%arg12 : memref<128x32xf32, #tpu.memory_space<vmem>>) target(%dma_start3A_338 : memref<10240x32xf32, #tpu.memory_space<vmem_shared>>) offsets(%dma_start3A_335 : memref<128xi32, #tpu.memory_space<vmem>>) semaphore(%arg29 : memref<!tpu.dma_semaphore, #tpu.memory_space<semaphore_mem>>) {add = true}
      %add3A_339 = arith.constant 4 : i32
      %add3A_340 = arith.addi %mul3A_274, %add3A_339 : i32
      %dma_wait3A_341 = arith.constant 0 : i32
      %dma_wait3A_342 = tpu.memref_slice %arg7[%add3A_340, %dma_wait3A_341] : memref<80x128xi32, #tpu.memory_space<vmem>> -> memref<1x128xi32, #tpu.memory_space<vmem>>
      %dma_wait3A_343 = tpu.memref_squeeze %dma_wait3A_342 : memref<1x128xi32, #tpu.memory_space<vmem>> -> memref<128xi32, #tpu.memory_space<vmem>>
      %dma_wait3A_344 = arith.constant 0 : i32
      %dma_wait3A_345 = arith.constant 0 : i32
      %dma_wait3A_346 = tpu.memref_slice %arg2[%dma_wait3A_344, %dma_wait3A_345] : memref<10000x32xf32, #tpu.memory_space<hbm>> -> memref<10000x32xf32, #tpu.memory_space<hbm>>
      tpu.wait_indirect_dma semaphore(%arg22 : memref<!tpu.dma_semaphore, #tpu.memory_space<semaphore_mem>>) src(%dma_wait3A_346 : memref<10000x32xf32, #tpu.memory_space<hbm>>) dst(%arg13 : memref<128x32xf32, #tpu.memory_space<vmem>>)
      %add3A_347 = arith.constant 4 : i32
      %add3A_348 = arith.addi %mul3A_274, %add3A_347 : i32
      %dma_start3A_349 = arith.constant 0 : i32
      %dma_start3A_350 = tpu.memref_slice %arg8[%add3A_348, %dma_start3A_349] : memref<80x128xi32, #tpu.memory_space<vmem>> -> memref<1x128xi32, #tpu.memory_space<vmem>>
      %dma_start3A_351 = tpu.memref_squeeze %dma_start3A_350 : memref<1x128xi32, #tpu.memory_space<vmem>> -> memref<128xi32, #tpu.memory_space<vmem>>
      %dma_start3A_352 = arith.constant 0 : i32
      %dma_start3A_353 = arith.constant 0 : i32
      %dma_start3A_354 = tpu.memref_slice %arg17[%dma_start3A_352, %dma_start3A_353] : memref<10240x32xf32, #tpu.memory_space<vmem_shared>> -> memref<10240x32xf32, #tpu.memory_space<vmem_shared>>
      tpu.enqueue_indirect_dma source(%arg13 : memref<128x32xf32, #tpu.memory_space<vmem>>) target(%dma_start3A_354 : memref<10240x32xf32, #tpu.memory_space<vmem_shared>>) offsets(%dma_start3A_351 : memref<128xi32, #tpu.memory_space<vmem>>) semaphore(%arg30 : memref<!tpu.dma_semaphore, #tpu.memory_space<semaphore_mem>>) {add = true}
      %add3A_355 = arith.constant 5 : i32
      %add3A_356 = arith.addi %mul3A_274, %add3A_355 : i32
      %dma_wait3A_357 = arith.constant 0 : i32
      %dma_wait3A_358 = tpu.memref_slice %arg7[%add3A_356, %dma_wait3A_357] : memref<80x128xi32, #tpu.memory_space<vmem>> -> memref<1x128xi32, #tpu.memory_space<vmem>>
      %dma_wait3A_359 = tpu.memref_squeeze %dma_wait3A_358 : memref<1x128xi32, #tpu.memory_space<vmem>> -> memref<128xi32, #tpu.memory_space<vmem>>
      %dma_wait3A_360 = arith.constant 0 : i32
      %dma_wait3A_361 = arith.constant 0 : i32
      %dma_wait3A_362 = tpu.memref_slice %arg2[%dma_wait3A_360, %dma_wait3A_361] : memref<10000x32xf32, #tpu.memory_space<hbm>> -> memref<10000x32xf32, #tpu.memory_space<hbm>>
      tpu.wait_indirect_dma semaphore(%arg23 : memref<!tpu.dma_semaphore, #tpu.memory_space<semaphore_mem>>) src(%dma_wait3A_362 : memref<10000x32xf32, #tpu.memory_space<hbm>>) dst(%arg14 : memref<128x32xf32, #tpu.memory_space<vmem>>)
      %add3A_363 = arith.constant 5 : i32
      %add3A_364 = arith.addi %mul3A_274, %add3A_363 : i32
      %dma_start3A_365 = arith.constant 0 : i32
      %dma_start3A_366 = tpu.memref_slice %arg8[%add3A_364, %dma_start3A_365] : memref<80x128xi32, #tpu.memory_space<vmem>> -> memref<1x128xi32, #tpu.memory_space<vmem>>
      %dma_start3A_367 = tpu.memref_squeeze %dma_start3A_366 : memref<1x128xi32, #tpu.memory_space<vmem>> -> memref<128xi32, #tpu.memory_space<vmem>>
      %dma_start3A_368 = arith.constant 0 : i32
      %dma_start3A_369 = arith.constant 0 : i32
      %dma_start3A_370 = tpu.memref_slice %arg17[%dma_start3A_368, %dma_start3A_369] : memref<10240x32xf32, #tpu.memory_space<vmem_shared>> -> memref<10240x32xf32, #tpu.memory_space<vmem_shared>>
      tpu.enqueue_indirect_dma source(%arg14 : memref<128x32xf32, #tpu.memory_space<vmem>>) target(%dma_start3A_370 : memref<10240x32xf32, #tpu.memory_space<vmem_shared>>) offsets(%dma_start3A_367 : memref<128xi32, #tpu.memory_space<vmem>>) semaphore(%arg31 : memref<!tpu.dma_semaphore, #tpu.memory_space<semaphore_mem>>) {add = true}
      %add3A_371 = arith.constant 6 : i32
      %add3A_372 = arith.addi %mul3A_274, %add3A_371 : i32
      %dma_wait3A_373 = arith.constant 0 : i32
      %dma_wait3A_374 = tpu.memref_slice %arg7[%add3A_372, %dma_wait3A_373] : memref<80x128xi32, #tpu.memory_space<vmem>> -> memref<1x128xi32, #tpu.memory_space<vmem>>
      %dma_wait3A_375 = tpu.memref_squeeze %dma_wait3A_374 : memref<1x128xi32, #tpu.memory_space<vmem>> -> memref<128xi32, #tpu.memory_space<vmem>>
      %dma_wait3A_376 = arith.constant 0 : i32
      %dma_wait3A_377 = arith.constant 0 : i32
      %dma_wait3A_378 = tpu.memref_slice %arg2[%dma_wait3A_376, %dma_wait3A_377] : memref<10000x32xf32, #tpu.memory_space<hbm>> -> memref<10000x32xf32, #tpu.memory_space<hbm>>
      tpu.wait_indirect_dma semaphore(%arg24 : memref<!tpu.dma_semaphore, #tpu.memory_space<semaphore_mem>>) src(%dma_wait3A_378 : memref<10000x32xf32, #tpu.memory_space<hbm>>) dst(%arg15 : memref<128x32xf32, #tpu.memory_space<vmem>>)
      %add3A_379 = arith.constant 6 : i32
      %add3A_380 = arith.addi %mul3A_274, %add3A_379 : i32
      %dma_start3A_381 = arith.constant 0 : i32
      %dma_start3A_382 = tpu.memref_slice %arg8[%add3A_380, %dma_start3A_381] : memref<80x128xi32, #tpu.memory_space<vmem>> -> memref<1x128xi32, #tpu.memory_space<vmem>>
      %dma_start3A_383 = tpu.memref_squeeze %dma_start3A_382 : memref<1x128xi32, #tpu.memory_space<vmem>> -> memref<128xi32, #tpu.memory_space<vmem>>
      %dma_start3A_384 = arith.constant 0 : i32
      %dma_start3A_385 = arith.constant 0 : i32
      %dma_start3A_386 = tpu.memref_slice %arg17[%dma_start3A_384, %dma_start3A_385] : memref<10240x32xf32, #tpu.memory_space<vmem_shared>> -> memref<10240x32xf32, #tpu.memory_space<vmem_shared>>
      tpu.enqueue_indirect_dma source(%arg15 : memref<128x32xf32, #tpu.memory_space<vmem>>) target(%dma_start3A_386 : memref<10240x32xf32, #tpu.memory_space<vmem_shared>>) offsets(%dma_start3A_383 : memref<128xi32, #tpu.memory_space<vmem>>) semaphore(%arg32 : memref<!tpu.dma_semaphore, #tpu.memory_space<semaphore_mem>>) {add = true}
      %add3A_387 = arith.constant 7 : i32
      %add3A_388 = arith.addi %mul3A_274, %add3A_387 : i32
      %dma_wait3A_389 = arith.constant 0 : i32
      %dma_wait3A_390 = tpu.memref_slice %arg7[%add3A_388, %dma_wait3A_389] : memref<80x128xi32, #tpu.memory_space<vmem>> -> memref<1x128xi32, #tpu.memory_space<vmem>>
      %dma_wait3A_391 = tpu.memref_squeeze %dma_wait3A_390 : memref<1x128xi32, #tpu.memory_space<vmem>> -> memref<128xi32, #tpu.memory_space<vmem>>
      %dma_wait3A_392 = arith.constant 0 : i32
      %dma_wait3A_393 = arith.constant 0 : i32
      %dma_wait3A_394 = tpu.memref_slice %arg2[%dma_wait3A_392, %dma_wait3A_393] : memref<10000x32xf32, #tpu.memory_space<hbm>> -> memref<10000x32xf32, #tpu.memory_space<hbm>>
      tpu.wait_indirect_dma semaphore(%arg25 : memref<!tpu.dma_semaphore, #tpu.memory_space<semaphore_mem>>) src(%dma_wait3A_394 : memref<10000x32xf32, #tpu.memory_space<hbm>>) dst(%arg16 : memref<128x32xf32, #tpu.memory_space<vmem>>)
      %add3A_395 = arith.constant 7 : i32
      %add3A_396 = arith.addi %mul3A_274, %add3A_395 : i32
      %dma_start3A_397 = arith.constant 0 : i32
      %dma_start3A_398 = tpu.memref_slice %arg8[%add3A_396, %dma_start3A_397] : memref<80x128xi32, #tpu.memory_space<vmem>> -> memref<1x128xi32, #tpu.memory_space<vmem>>
      %dma_start3A_399 = tpu.memref_squeeze %dma_start3A_398 : memref<1x128xi32, #tpu.memory_space<vmem>> -> memref<128xi32, #tpu.memory_space<vmem>>
      %dma_start3A_400 = arith.constant 0 : i32
      %dma_start3A_401 = arith.constant 0 : i32
      %dma_start3A_402 = tpu.memref_slice %arg17[%dma_start3A_400, %dma_start3A_401] : memref<10240x32xf32, #tpu.memory_space<vmem_shared>> -> memref<10240x32xf32, #tpu.memory_space<vmem_shared>>
      tpu.enqueue_indirect_dma source(%arg16 : memref<128x32xf32, #tpu.memory_space<vmem>>) target(%dma_start3A_402 : memref<10240x32xf32, #tpu.memory_space<vmem_shared>>) offsets(%dma_start3A_399 : memref<128xi32, #tpu.memory_space<vmem>>) semaphore(%arg33 : memref<!tpu.dma_semaphore, #tpu.memory_space<semaphore_mem>>) {add = true}
      %add3A_403 = arith.constant 0 : i32
      %add3A_404 = arith.addi %mul3A_274, %add3A_403 : i32
      %dma_wait3A_405 = arith.constant 0 : i32
      %dma_wait3A_406 = tpu.memref_slice %arg8[%add3A_404, %dma_wait3A_405] : memref<80x128xi32, #tpu.memory_space<vmem>> -> memref<1x128xi32, #tpu.memory_space<vmem>>
      %dma_wait3A_407 = tpu.memref_squeeze %dma_wait3A_406 : memref<1x128xi32, #tpu.memory_space<vmem>> -> memref<128xi32, #tpu.memory_space<vmem>>
      %dma_wait3A_408 = arith.constant 0 : i32
      %dma_wait3A_409 = arith.constant 0 : i32
      %dma_wait3A_410 = tpu.memref_slice %arg17[%dma_wait3A_408, %dma_wait3A_409] : memref<10240x32xf32, #tpu.memory_space<vmem_shared>> -> memref<10240x32xf32, #tpu.memory_space<vmem_shared>>
      tpu.wait_indirect_dma semaphore(%arg26 : memref<!tpu.dma_semaphore, #tpu.memory_space<semaphore_mem>>) src(%arg9 : memref<128x32xf32, #tpu.memory_space<vmem>>) dst(%dma_wait3A_410 : memref<10240x32xf32, #tpu.memory_space<vmem_shared>>)
      %add3A_411 = arith.constant 8 : i32
      %add3A_412 = arith.addi %mul3A_274, %add3A_411 : i32
      %add3A_413 = arith.constant 0 : i32
      %add3A_414 = arith.addi %add3A_412, %add3A_413 : i32
      %dma_start3A_415 = arith.constant 0 : i32
      %dma_start3A_416 = tpu.memref_slice %arg7[%add3A_414, %dma_start3A_415] : memref<80x128xi32, #tpu.memory_space<vmem>> -> memref<1x128xi32, #tpu.memory_space<vmem>>
      %dma_start3A_417 = tpu.memref_squeeze %dma_start3A_416 : memref<1x128xi32, #tpu.memory_space<vmem>> -> memref<128xi32, #tpu.memory_space<vmem>>
      %dma_start3A_418 = arith.constant 0 : i32
      %dma_start3A_419 = arith.constant 0 : i32
      %dma_start3A_420 = tpu.memref_slice %arg2[%dma_start3A_418, %dma_start3A_419] : memref<10000x32xf32, #tpu.memory_space<hbm>> -> memref<10000x32xf32, #tpu.memory_space<hbm>>
      tpu.enqueue_indirect_dma source(%dma_start3A_420 : memref<10000x32xf32, #tpu.memory_space<hbm>>) target(%arg9 : memref<128x32xf32, #tpu.memory_space<vmem>>) offsets(%dma_start3A_417 : memref<128xi32, #tpu.memory_space<vmem>>) semaphore(%arg18 : memref<!tpu.dma_semaphore, #tpu.memory_space<semaphore_mem>>)
      %add3A_421 = arith.constant 1 : i32
      %add3A_422 = arith.addi %mul3A_274, %add3A_421 : i32
      %dma_wait3A_423 = arith.constant 0 : i32
      %dma_wait3A_424 = tpu.memref_slice %arg8[%add3A_422, %dma_wait3A_423] : memref<80x128xi32, #tpu.memory_space<vmem>> -> memref<1x128xi32, #tpu.memory_space<vmem>>
      %dma_wait3A_425 = tpu.memref_squeeze %dma_wait3A_424 : memref<1x128xi32, #tpu.memory_space<vmem>> -> memref<128xi32, #tpu.memory_space<vmem>>
      %dma_wait3A_426 = arith.constant 0 : i32
      %dma_wait3A_427 = arith.constant 0 : i32
      %dma_wait3A_428 = tpu.memref_slice %arg17[%dma_wait3A_426, %dma_wait3A_427] : memref<10240x32xf32, #tpu.memory_space<vmem_shared>> -> memref<10240x32xf32, #tpu.memory_space<vmem_shared>>
      tpu.wait_indirect_dma semaphore(%arg27 : memref<!tpu.dma_semaphore, #tpu.memory_space<semaphore_mem>>) src(%arg10 : memref<128x32xf32, #tpu.memory_space<vmem>>) dst(%dma_wait3A_428 : memref<10240x32xf32, #tpu.memory_space<vmem_shared>>)
      %add3A_429 = arith.constant 8 : i32
      %add3A_430 = arith.addi %mul3A_274, %add3A_429 : i32
      %add3A_431 = arith.constant 1 : i32
      %add3A_432 = arith.addi %add3A_430, %add3A_431 : i32
      %dma_start3A_433 = arith.constant 0 : i32
      %dma_start3A_434 = tpu.memref_slice %arg7[%add3A_432, %dma_start3A_433] : memref<80x128xi32, #tpu.memory_space<vmem>> -> memref<1x128xi32, #tpu.memory_space<vmem>>
      %dma_start3A_435 = tpu.memref_squeeze %dma_start3A_434 : memref<1x128xi32, #tpu.memory_space<vmem>> -> memref<128xi32, #tpu.memory_space<vmem>>
      %dma_start3A_436 = arith.constant 0 : i32
      %dma_start3A_437 = arith.constant 0 : i32
      %dma_start3A_438 = tpu.memref_slice %arg2[%dma_start3A_436, %dma_start3A_437] : memref<10000x32xf32, #tpu.memory_space<hbm>> -> memref<10000x32xf32, #tpu.memory_space<hbm>>
      tpu.enqueue_indirect_dma source(%dma_start3A_438 : memref<10000x32xf32, #tpu.memory_space<hbm>>) target(%arg10 : memref<128x32xf32, #tpu.memory_space<vmem>>) offsets(%dma_start3A_435 : memref<128xi32, #tpu.memory_space<vmem>>) semaphore(%arg19 : memref<!tpu.dma_semaphore, #tpu.memory_space<semaphore_mem>>)
      %add3A_439 = arith.constant 2 : i32
      %add3A_440 = arith.addi %mul3A_274, %add3A_439 : i32
      %dma_wait3A_441 = arith.constant 0 : i32
      %dma_wait3A_442 = tpu.memref_slice %arg8[%add3A_440, %dma_wait3A_441] : memref<80x128xi32, #tpu.memory_space<vmem>> -> memref<1x128xi32, #tpu.memory_space<vmem>>
      %dma_wait3A_443 = tpu.memref_squeeze %dma_wait3A_442 : memref<1x128xi32, #tpu.memory_space<vmem>> -> memref<128xi32, #tpu.memory_space<vmem>>
      %dma_wait3A_444 = arith.constant 0 : i32
      %dma_wait3A_445 = arith.constant 0 : i32
      %dma_wait3A_446 = tpu.memref_slice %arg17[%dma_wait3A_444, %dma_wait3A_445] : memref<10240x32xf32, #tpu.memory_space<vmem_shared>> -> memref<10240x32xf32, #tpu.memory_space<vmem_shared>>
      tpu.wait_indirect_dma semaphore(%arg28 : memref<!tpu.dma_semaphore, #tpu.memory_space<semaphore_mem>>) src(%arg11 : memref<128x32xf32, #tpu.memory_space<vmem>>) dst(%dma_wait3A_446 : memref<10240x32xf32, #tpu.memory_space<vmem_shared>>)
      %add3A_447 = arith.constant 8 : i32
      %add3A_448 = arith.addi %mul3A_274, %add3A_447 : i32
      %add3A_449 = arith.constant 2 : i32
      %add3A_450 = arith.addi %add3A_448, %add3A_449 : i32
      %dma_start3A_451 = arith.constant 0 : i32
      %dma_start3A_452 = tpu.memref_slice %arg7[%add3A_450, %dma_start3A_451] : memref<80x128xi32, #tpu.memory_space<vmem>> -> memref<1x128xi32, #tpu.memory_space<vmem>>
      %dma_start3A_453 = tpu.memref_squeeze %dma_start3A_452 : memref<1x128xi32, #tpu.memory_space<vmem>> -> memref<128xi32, #tpu.memory_space<vmem>>
      %dma_start3A_454 = arith.constant 0 : i32
      %dma_start3A_455 = arith.constant 0 : i32
      %dma_start3A_456 = tpu.memref_slice %arg2[%dma_start3A_454, %dma_start3A_455] : memref<10000x32xf32, #tpu.memory_space<hbm>> -> memref<10000x32xf32, #tpu.memory_space<hbm>>
      tpu.enqueue_indirect_dma source(%dma_start3A_456 : memref<10000x32xf32, #tpu.memory_space<hbm>>) target(%arg11 : memref<128x32xf32, #tpu.memory_space<vmem>>) offsets(%dma_start3A_453 : memref<128xi32, #tpu.memory_space<vmem>>) semaphore(%arg20 : memref<!tpu.dma_semaphore, #tpu.memory_space<semaphore_mem>>)
      %add3A_457 = arith.constant 3 : i32
      %add3A_458 = arith.addi %mul3A_274, %add3A_457 : i32
      %dma_wait3A_459 = arith.constant 0 : i32
      %dma_wait3A_460 = tpu.memref_slice %arg8[%add3A_458, %dma_wait3A_459] : memref<80x128xi32, #tpu.memory_space<vmem>> -> memref<1x128xi32, #tpu.memory_space<vmem>>
      %dma_wait3A_461 = tpu.memref_squeeze %dma_wait3A_460 : memref<1x128xi32, #tpu.memory_space<vmem>> -> memref<128xi32, #tpu.memory_space<vmem>>
      %dma_wait3A_462 = arith.constant 0 : i32
      %dma_wait3A_463 = arith.constant 0 : i32
      %dma_wait3A_464 = tpu.memref_slice %arg17[%dma_wait3A_462, %dma_wait3A_463] : memref<10240x32xf32, #tpu.memory_space<vmem_shared>> -> memref<10240x32xf32, #tpu.memory_space<vmem_shared>>
      tpu.wait_indirect_dma semaphore(%arg29 : memref<!tpu.dma_semaphore, #tpu.memory_space<semaphore_mem>>) src(%arg12 : memref<128x32xf32, #tpu.memory_space<vmem>>) dst(%dma_wait3A_464 : memref<10240x32xf32, #tpu.memory_space<vmem_shared>>)
      %add3A_465 = arith.constant 8 : i32
      %add3A_466 = arith.addi %mul3A_274, %add3A_465 : i32
      %add3A_467 = arith.constant 3 : i32
      %add3A_468 = arith.addi %add3A_466, %add3A_467 : i32
      %dma_start3A_469 = arith.constant 0 : i32
      %dma_start3A_470 = tpu.memref_slice %arg7[%add3A_468, %dma_start3A_469] : memref<80x128xi32, #tpu.memory_space<vmem>> -> memref<1x128xi32, #tpu.memory_space<vmem>>
      %dma_start3A_471 = tpu.memref_squeeze %dma_start3A_470 : memref<1x128xi32, #tpu.memory_space<vmem>> -> memref<128xi32, #tpu.memory_space<vmem>>
      %dma_start3A_472 = arith.constant 0 : i32
      %dma_start3A_473 = arith.constant 0 : i32
      %dma_start3A_474 = tpu.memref_slice %arg2[%dma_start3A_472, %dma_start3A_473] : memref<10000x32xf32, #tpu.memory_space<hbm>> -> memref<10000x32xf32, #tpu.memory_space<hbm>>
      tpu.enqueue_indirect_dma source(%dma_start3A_474 : memref<10000x32xf32, #tpu.memory_space<hbm>>) target(%arg12 : memref<128x32xf32, #tpu.memory_space<vmem>>) offsets(%dma_start3A_471 : memref<128xi32, #tpu.memory_space<vmem>>) semaphore(%arg21 : memref<!tpu.dma_semaphore, #tpu.memory_space<semaphore_mem>>)
      %add3A_475 = arith.constant 4 : i32
      %add3A_476 = arith.addi %mul3A_274, %add3A_475 : i32
      %dma_wait3A_477 = arith.constant 0 : i32
      %dma_wait3A_478 = tpu.memref_slice %arg8[%add3A_476, %dma_wait3A_477] : memref<80x128xi32, #tpu.memory_space<vmem>> -> memref<1x128xi32, #tpu.memory_space<vmem>>
      %dma_wait3A_479 = tpu.memref_squeeze %dma_wait3A_478 : memref<1x128xi32, #tpu.memory_space<vmem>> -> memref<128xi32, #tpu.memory_space<vmem>>
      %dma_wait3A_480 = arith.constant 0 : i32
      %dma_wait3A_481 = arith.constant 0 : i32
      %dma_wait3A_482 = tpu.memref_slice %arg17[%dma_wait3A_480, %dma_wait3A_481] : memref<10240x32xf32, #tpu.memory_space<vmem_shared>> -> memref<10240x32xf32, #tpu.memory_space<vmem_shared>>
      tpu.wait_indirect_dma semaphore(%arg30 : memref<!tpu.dma_semaphore, #tpu.memory_space<semaphore_mem>>) src(%arg13 : memref<128x32xf32, #tpu.memory_space<vmem>>) dst(%dma_wait3A_482 : memref<10240x32xf32, #tpu.memory_space<vmem_shared>>)
      %add3A_483 = arith.constant 8 : i32
      %add3A_484 = arith.addi %mul3A_274, %add3A_483 : i32
      %add3A_485 = arith.constant 4 : i32
      %add3A_486 = arith.addi %add3A_484, %add3A_485 : i32
      %dma_start3A_487 = arith.constant 0 : i32
      %dma_start3A_488 = tpu.memref_slice %arg7[%add3A_486, %dma_start3A_487] : memref<80x128xi32, #tpu.memory_space<vmem>> -> memref<1x128xi32, #tpu.memory_space<vmem>>
      %dma_start3A_489 = tpu.memref_squeeze %dma_start3A_488 : memref<1x128xi32, #tpu.memory_space<vmem>> -> memref<128xi32, #tpu.memory_space<vmem>>
      %dma_start3A_490 = arith.constant 0 : i32
      %dma_start3A_491 = arith.constant 0 : i32
      %dma_start3A_492 = tpu.memref_slice %arg2[%dma_start3A_490, %dma_start3A_491] : memref<10000x32xf32, #tpu.memory_space<hbm>> -> memref<10000x32xf32, #tpu.memory_space<hbm>>
      tpu.enqueue_indirect_dma source(%dma_start3A_492 : memref<10000x32xf32, #tpu.memory_space<hbm>>) target(%arg13 : memref<128x32xf32, #tpu.memory_space<vmem>>) offsets(%dma_start3A_489 : memref<128xi32, #tpu.memory_space<vmem>>) semaphore(%arg22 : memref<!tpu.dma_semaphore, #tpu.memory_space<semaphore_mem>>)
      %add3A_493 = arith.constant 5 : i32
      %add3A_494 = arith.addi %mul3A_274, %add3A_493 : i32
      %dma_wait3A_495 = arith.constant 0 : i32
      %dma_wait3A_496 = tpu.memref_slice %arg8[%add3A_494, %dma_wait3A_495] : memref<80x128xi32, #tpu.memory_space<vmem>> -> memref<1x128xi32, #tpu.memory_space<vmem>>
      %dma_wait3A_497 = tpu.memref_squeeze %dma_wait3A_496 : memref<1x128xi32, #tpu.memory_space<vmem>> -> memref<128xi32, #tpu.memory_space<vmem>>
      %dma_wait3A_498 = arith.constant 0 : i32
      %dma_wait3A_499 = arith.constant 0 : i32
      %dma_wait3A_500 = tpu.memref_slice %arg17[%dma_wait3A_498, %dma_wait3A_499] : memref<10240x32xf32, #tpu.memory_space<vmem_shared>> -> memref<10240x32xf32, #tpu.memory_space<vmem_shared>>
      tpu.wait_indirect_dma semaphore(%arg31 : memref<!tpu.dma_semaphore, #tpu.memory_space<semaphore_mem>>) src(%arg14 : memref<128x32xf32, #tpu.memory_space<vmem>>) dst(%dma_wait3A_500 : memref<10240x32xf32, #tpu.memory_space<vmem_shared>>)
      %add3A_501 = arith.constant 8 : i32
      %add3A_502 = arith.addi %mul3A_274, %add3A_501 : i32
      %add3A_503 = arith.constant 5 : i32
      %add3A_504 = arith.addi %add3A_502, %add3A_503 : i32
      %dma_start3A_505 = arith.constant 0 : i32
      %dma_start3A_506 = tpu.memref_slice %arg7[%add3A_504, %dma_start3A_505] : memref<80x128xi32, #tpu.memory_space<vmem>> -> memref<1x128xi32, #tpu.memory_space<vmem>>
      %dma_start3A_507 = tpu.memref_squeeze %dma_start3A_506 : memref<1x128xi32, #tpu.memory_space<vmem>> -> memref<128xi32, #tpu.memory_space<vmem>>
      %dma_start3A_508 = arith.constant 0 : i32
      %dma_start3A_509 = arith.constant 0 : i32
      %dma_start3A_510 = tpu.memref_slice %arg2[%dma_start3A_508, %dma_start3A_509] : memref<10000x32xf32, #tpu.memory_space<hbm>> -> memref<10000x32xf32, #tpu.memory_space<hbm>>
      tpu.enqueue_indirect_dma source(%dma_start3A_510 : memref<10000x32xf32, #tpu.memory_space<hbm>>) target(%arg14 : memref<128x32xf32, #tpu.memory_space<vmem>>) offsets(%dma_start3A_507 : memref<128xi32, #tpu.memory_space<vmem>>) semaphore(%arg23 : memref<!tpu.dma_semaphore, #tpu.memory_space<semaphore_mem>>)
      %add3A_511 = arith.constant 6 : i32
      %add3A_512 = arith.addi %mul3A_274, %add3A_511 : i32
      %dma_wait3A_513 = arith.constant 0 : i32
      %dma_wait3A_514 = tpu.memref_slice %arg8[%add3A_512, %dma_wait3A_513] : memref<80x128xi32, #tpu.memory_space<vmem>> -> memref<1x128xi32, #tpu.memory_space<vmem>>
      %dma_wait3A_515 = tpu.memref_squeeze %dma_wait3A_514 : memref<1x128xi32, #tpu.memory_space<vmem>> -> memref<128xi32, #tpu.memory_space<vmem>>
      %dma_wait3A_516 = arith.constant 0 : i32
      %dma_wait3A_517 = arith.constant 0 : i32
      %dma_wait3A_518 = tpu.memref_slice %arg17[%dma_wait3A_516, %dma_wait3A_517] : memref<10240x32xf32, #tpu.memory_space<vmem_shared>> -> memref<10240x32xf32, #tpu.memory_space<vmem_shared>>
      tpu.wait_indirect_dma semaphore(%arg32 : memref<!tpu.dma_semaphore, #tpu.memory_space<semaphore_mem>>) src(%arg15 : memref<128x32xf32, #tpu.memory_space<vmem>>) dst(%dma_wait3A_518 : memref<10240x32xf32, #tpu.memory_space<vmem_shared>>)
      %add3A_519 = arith.constant 8 : i32
      %add3A_520 = arith.addi %mul3A_274, %add3A_519 : i32
      %add3A_521 = arith.constant 6 : i32
      %add3A_522 = arith.addi %add3A_520, %add3A_521 : i32
      %dma_start3A_523 = arith.constant 0 : i32
      %dma_start3A_524 = tpu.memref_slice %arg7[%add3A_522, %dma_start3A_523] : memref<80x128xi32, #tpu.memory_space<vmem>> -> memref<1x128xi32, #tpu.memory_space<vmem>>
      %dma_start3A_525 = tpu.memref_squeeze %dma_start3A_524 : memref<1x128xi32, #tpu.memory_space<vmem>> -> memref<128xi32, #tpu.memory_space<vmem>>
      %dma_start3A_526 = arith.constant 0 : i32
      %dma_start3A_527 = arith.constant 0 : i32
      %dma_start3A_528 = tpu.memref_slice %arg2[%dma_start3A_526, %dma_start3A_527] : memref<10000x32xf32, #tpu.memory_space<hbm>> -> memref<10000x32xf32, #tpu.memory_space<hbm>>
      tpu.enqueue_indirect_dma source(%dma_start3A_528 : memref<10000x32xf32, #tpu.memory_space<hbm>>) target(%arg15 : memref<128x32xf32, #tpu.memory_space<vmem>>) offsets(%dma_start3A_525 : memref<128xi32, #tpu.memory_space<vmem>>) semaphore(%arg24 : memref<!tpu.dma_semaphore, #tpu.memory_space<semaphore_mem>>)
      %add3A_529 = arith.constant 7 : i32
      %add3A_530 = arith.addi %mul3A_274, %add3A_529 : i32
      %dma_wait3A_531 = arith.constant 0 : i32
      %dma_wait3A_532 = tpu.memref_slice %arg8[%add3A_530, %dma_wait3A_531] : memref<80x128xi32, #tpu.memory_space<vmem>> -> memref<1x128xi32, #tpu.memory_space<vmem>>
      %dma_wait3A_533 = tpu.memref_squeeze %dma_wait3A_532 : memref<1x128xi32, #tpu.memory_space<vmem>> -> memref<128xi32, #tpu.memory_space<vmem>>
      %dma_wait3A_534 = arith.constant 0 : i32
      %dma_wait3A_535 = arith.constant 0 : i32
      %dma_wait3A_536 = tpu.memref_slice %arg17[%dma_wait3A_534, %dma_wait3A_535] : memref<10240x32xf32, #tpu.memory_space<vmem_shared>> -> memref<10240x32xf32, #tpu.memory_space<vmem_shared>>
      tpu.wait_indirect_dma semaphore(%arg33 : memref<!tpu.dma_semaphore, #tpu.memory_space<semaphore_mem>>) src(%arg16 : memref<128x32xf32, #tpu.memory_space<vmem>>) dst(%dma_wait3A_536 : memref<10240x32xf32, #tpu.memory_space<vmem_shared>>)
      %add3A_537 = arith.constant 8 : i32
      %add3A_538 = arith.addi %mul3A_274, %add3A_537 : i32
      %add3A_539 = arith.constant 7 : i32
      %add3A_540 = arith.addi %add3A_538, %add3A_539 : i32
      %dma_start3A_541 = arith.constant 0 : i32
      %dma_start3A_542 = tpu.memref_slice %arg7[%add3A_540, %dma_start3A_541] : memref<80x128xi32, #tpu.memory_space<vmem>> -> memref<1x128xi32, #tpu.memory_space<vmem>>
      %dma_start3A_543 = tpu.memref_squeeze %dma_start3A_542 : memref<1x128xi32, #tpu.memory_space<vmem>> -> memref<128xi32, #tpu.memory_space<vmem>>
      %dma_start3A_544 = arith.constant 0 : i32
      %dma_start3A_545 = arith.constant 0 : i32
      %dma_start3A_546 = tpu.memref_slice %arg2[%dma_start3A_544, %dma_start3A_545] : memref<10000x32xf32, #tpu.memory_space<hbm>> -> memref<10000x32xf32, #tpu.memory_space<hbm>>
      tpu.enqueue_indirect_dma source(%dma_start3A_546 : memref<10000x32xf32, #tpu.memory_space<hbm>>) target(%arg16 : memref<128x32xf32, #tpu.memory_space<vmem>>) offsets(%dma_start3A_543 : memref<128xi32, #tpu.memory_space<vmem>>) semaphore(%arg25 : memref<!tpu.dma_semaphore, #tpu.memory_space<semaphore_mem>>)
    }
    %scan3A_94 = arith.constant 9 : i32
    %dma_wait3A_95 = arith.constant 72 : i32
    %dma_wait3A_96 = arith.constant 0 : i32
    %dma_wait3A_97 = tpu.memref_slice %arg7[%dma_wait3A_95, %dma_wait3A_96] : memref<80x128xi32, #tpu.memory_space<vmem>> -> memref<1x128xi32, #tpu.memory_space<vmem>>
    %dma_wait3A_98 = tpu.memref_squeeze %dma_wait3A_97 : memref<1x128xi32, #tpu.memory_space<vmem>> -> memref<128xi32, #tpu.memory_space<vmem>>
    %dma_wait3A_99 = arith.constant 0 : i32
    %dma_wait3A_100 = arith.constant 0 : i32
    %dma_wait3A_101 = tpu.memref_slice %arg2[%dma_wait3A_99, %dma_wait3A_100] : memref<10000x32xf32, #tpu.memory_space<hbm>> -> memref<10000x32xf32, #tpu.memory_space<hbm>>
    tpu.wait_indirect_dma semaphore(%arg18 : memref<!tpu.dma_semaphore, #tpu.memory_space<semaphore_mem>>) src(%dma_wait3A_101 : memref<10000x32xf32, #tpu.memory_space<hbm>>) dst(%arg9 : memref<128x32xf32, #tpu.memory_space<vmem>>)
    %dma_start3A_102 = arith.constant 72 : i32
    %dma_start3A_103 = arith.constant 0 : i32
    %dma_start3A_104 = tpu.memref_slice %arg8[%dma_start3A_102, %dma_start3A_103] : memref<80x128xi32, #tpu.memory_space<vmem>> -> memref<1x128xi32, #tpu.memory_space<vmem>>
    %dma_start3A_105 = tpu.memref_squeeze %dma_start3A_104 : memref<1x128xi32, #tpu.memory_space<vmem>> -> memref<128xi32, #tpu.memory_space<vmem>>
    %dma_start3A_106 = arith.constant 0 : i32
    %dma_start3A_107 = arith.constant 0 : i32
    %dma_start3A_108 = tpu.memref_slice %arg17[%dma_start3A_106, %dma_start3A_107] : memref<10240x32xf32, #tpu.memory_space<vmem_shared>> -> memref<10240x32xf32, #tpu.memory_space<vmem_shared>>
    tpu.enqueue_indirect_dma source(%arg9 : memref<128x32xf32, #tpu.memory_space<vmem>>) target(%dma_start3A_108 : memref<10240x32xf32, #tpu.memory_space<vmem_shared>>) offsets(%dma_start3A_105 : memref<128xi32, #tpu.memory_space<vmem>>) semaphore(%arg26 : memref<!tpu.dma_semaphore, #tpu.memory_space<semaphore_mem>>) {add = true}
    %dma_wait3A_109 = arith.constant 73 : i32
    %dma_wait3A_110 = arith.constant 0 : i32
    %dma_wait3A_111 = tpu.memref_slice %arg7[%dma_wait3A_109, %dma_wait3A_110] : memref<80x128xi32, #tpu.memory_space<vmem>> -> memref<1x128xi32, #tpu.memory_space<vmem>>
    %dma_wait3A_112 = tpu.memref_squeeze %dma_wait3A_111 : memref<1x128xi32, #tpu.memory_space<vmem>> -> memref<128xi32, #tpu.memory_space<vmem>>
    %dma_wait3A_113 = arith.constant 0 : i32
    %dma_wait3A_114 = arith.constant 0 : i32
    %dma_wait3A_115 = tpu.memref_slice %arg2[%dma_wait3A_113, %dma_wait3A_114] : memref<10000x32xf32, #tpu.memory_space<hbm>> -> memref<10000x32xf32, #tpu.memory_space<hbm>>
    tpu.wait_indirect_dma semaphore(%arg19 : memref<!tpu.dma_semaphore, #tpu.memory_space<semaphore_mem>>) src(%dma_wait3A_115 : memref<10000x32xf32, #tpu.memory_space<hbm>>) dst(%arg10 : memref<128x32xf32, #tpu.memory_space<vmem>>)
    %dma_start3A_116 = arith.constant 73 : i32
    %dma_start3A_117 = arith.constant 0 : i32
    %dma_start3A_118 = tpu.memref_slice %arg8[%dma_start3A_116, %dma_start3A_117] : memref<80x128xi32, #tpu.memory_space<vmem>> -> memref<1x128xi32, #tpu.memory_space<vmem>>
    %dma_start3A_119 = tpu.memref_squeeze %dma_start3A_118 : memref<1x128xi32, #tpu.memory_space<vmem>> -> memref<128xi32, #tpu.memory_space<vmem>>
    %dma_start3A_120 = arith.constant 0 : i32
    %dma_start3A_121 = arith.constant 0 : i32
    %dma_start3A_122 = tpu.memref_slice %arg17[%dma_start3A_120, %dma_start3A_121] : memref<10240x32xf32, #tpu.memory_space<vmem_shared>> -> memref<10240x32xf32, #tpu.memory_space<vmem_shared>>
    tpu.enqueue_indirect_dma source(%arg10 : memref<128x32xf32, #tpu.memory_space<vmem>>) target(%dma_start3A_122 : memref<10240x32xf32, #tpu.memory_space<vmem_shared>>) offsets(%dma_start3A_119 : memref<128xi32, #tpu.memory_space<vmem>>) semaphore(%arg27 : memref<!tpu.dma_semaphore, #tpu.memory_space<semaphore_mem>>) {add = true}
    %dma_wait3A_123 = arith.constant 74 : i32
    %dma_wait3A_124 = arith.constant 0 : i32
    %dma_wait3A_125 = tpu.memref_slice %arg7[%dma_wait3A_123, %dma_wait3A_124] : memref<80x128xi32, #tpu.memory_space<vmem>> -> memref<1x128xi32, #tpu.memory_space<vmem>>
    %dma_wait3A_126 = tpu.memref_squeeze %dma_wait3A_125 : memref<1x128xi32, #tpu.memory_space<vmem>> -> memref<128xi32, #tpu.memory_space<vmem>>
    %dma_wait3A_127 = arith.constant 0 : i32
    %dma_wait3A_128 = arith.constant 0 : i32
    %dma_wait3A_129 = tpu.memref_slice %arg2[%dma_wait3A_127, %dma_wait3A_128] : memref<10000x32xf32, #tpu.memory_space<hbm>> -> memref<10000x32xf32, #tpu.memory_space<hbm>>
    tpu.wait_indirect_dma semaphore(%arg20 : memref<!tpu.dma_semaphore, #tpu.memory_space<semaphore_mem>>) src(%dma_wait3A_129 : memref<10000x32xf32, #tpu.memory_space<hbm>>) dst(%arg11 : memref<128x32xf32, #tpu.memory_space<vmem>>)
    %dma_start3A_130 = arith.constant 74 : i32
    %dma_start3A_131 = arith.constant 0 : i32
    %dma_start3A_132 = tpu.memref_slice %arg8[%dma_start3A_130, %dma_start3A_131] : memref<80x128xi32, #tpu.memory_space<vmem>> -> memref<1x128xi32, #tpu.memory_space<vmem>>
    %dma_start3A_133 = tpu.memref_squeeze %dma_start3A_132 : memref<1x128xi32, #tpu.memory_space<vmem>> -> memref<128xi32, #tpu.memory_space<vmem>>
    %dma_start3A_134 = arith.constant 0 : i32
    %dma_start3A_135 = arith.constant 0 : i32
    %dma_start3A_136 = tpu.memref_slice %arg17[%dma_start3A_134, %dma_start3A_135] : memref<10240x32xf32, #tpu.memory_space<vmem_shared>> -> memref<10240x32xf32, #tpu.memory_space<vmem_shared>>
    tpu.enqueue_indirect_dma source(%arg11 : memref<128x32xf32, #tpu.memory_space<vmem>>) target(%dma_start3A_136 : memref<10240x32xf32, #tpu.memory_space<vmem_shared>>) offsets(%dma_start3A_133 : memref<128xi32, #tpu.memory_space<vmem>>) semaphore(%arg28 : memref<!tpu.dma_semaphore, #tpu.memory_space<semaphore_mem>>) {add = true}
    %dma_wait3A_137 = arith.constant 75 : i32
    %dma_wait3A_138 = arith.constant 0 : i32
    %dma_wait3A_139 = tpu.memref_slice %arg7[%dma_wait3A_137, %dma_wait3A_138] : memref<80x128xi32, #tpu.memory_space<vmem>> -> memref<1x128xi32, #tpu.memory_space<vmem>>
    %dma_wait3A_140 = tpu.memref_squeeze %dma_wait3A_139 : memref<1x128xi32, #tpu.memory_space<vmem>> -> memref<128xi32, #tpu.memory_space<vmem>>
    %dma_wait3A_141 = arith.constant 0 : i32
    %dma_wait3A_142 = arith.constant 0 : i32
    %dma_wait3A_143 = tpu.memref_slice %arg2[%dma_wait3A_141, %dma_wait3A_142] : memref<10000x32xf32, #tpu.memory_space<hbm>> -> memref<10000x32xf32, #tpu.memory_space<hbm>>
    tpu.wait_indirect_dma semaphore(%arg21 : memref<!tpu.dma_semaphore, #tpu.memory_space<semaphore_mem>>) src(%dma_wait3A_143 : memref<10000x32xf32, #tpu.memory_space<hbm>>) dst(%arg12 : memref<128x32xf32, #tpu.memory_space<vmem>>)
    %dma_start3A_144 = arith.constant 75 : i32
    %dma_start3A_145 = arith.constant 0 : i32
    %dma_start3A_146 = tpu.memref_slice %arg8[%dma_start3A_144, %dma_start3A_145] : memref<80x128xi32, #tpu.memory_space<vmem>> -> memref<1x128xi32, #tpu.memory_space<vmem>>
    %dma_start3A_147 = tpu.memref_squeeze %dma_start3A_146 : memref<1x128xi32, #tpu.memory_space<vmem>> -> memref<128xi32, #tpu.memory_space<vmem>>
    %dma_start3A_148 = arith.constant 0 : i32
    %dma_start3A_149 = arith.constant 0 : i32
    %dma_start3A_150 = tpu.memref_slice %arg17[%dma_start3A_148, %dma_start3A_149] : memref<10240x32xf32, #tpu.memory_space<vmem_shared>> -> memref<10240x32xf32, #tpu.memory_space<vmem_shared>>
    tpu.enqueue_indirect_dma source(%arg12 : memref<128x32xf32, #tpu.memory_space<vmem>>) target(%dma_start3A_150 : memref<10240x32xf32, #tpu.memory_space<vmem_shared>>) offsets(%dma_start3A_147 : memref<128xi32, #tpu.memory_space<vmem>>) semaphore(%arg29 : memref<!tpu.dma_semaphore, #tpu.memory_space<semaphore_mem>>) {add = true}
    %dma_wait3A_151 = arith.constant 76 : i32
    %dma_wait3A_152 = arith.constant 0 : i32
    %dma_wait3A_153 = tpu.memref_slice %arg7[%dma_wait3A_151, %dma_wait3A_152] : memref<80x128xi32, #tpu.memory_space<vmem>> -> memref<1x128xi32, #tpu.memory_space<vmem>>
    %dma_wait3A_154 = tpu.memref_squeeze %dma_wait3A_153 : memref<1x128xi32, #tpu.memory_space<vmem>> -> memref<128xi32, #tpu.memory_space<vmem>>
    %dma_wait3A_155 = arith.constant 0 : i32
    %dma_wait3A_156 = arith.constant 0 : i32
    %dma_wait3A_157 = tpu.memref_slice %arg2[%dma_wait3A_155, %dma_wait3A_156] : memref<10000x32xf32, #tpu.memory_space<hbm>> -> memref<10000x32xf32, #tpu.memory_space<hbm>>
    tpu.wait_indirect_dma semaphore(%arg22 : memref<!tpu.dma_semaphore, #tpu.memory_space<semaphore_mem>>) src(%dma_wait3A_157 : memref<10000x32xf32, #tpu.memory_space<hbm>>) dst(%arg13 : memref<128x32xf32, #tpu.memory_space<vmem>>)
    %dma_start3A_158 = arith.constant 76 : i32
    %dma_start3A_159 = arith.constant 0 : i32
    %dma_start3A_160 = tpu.memref_slice %arg8[%dma_start3A_158, %dma_start3A_159] : memref<80x128xi32, #tpu.memory_space<vmem>> -> memref<1x128xi32, #tpu.memory_space<vmem>>
    %dma_start3A_161 = tpu.memref_squeeze %dma_start3A_160 : memref<1x128xi32, #tpu.memory_space<vmem>> -> memref<128xi32, #tpu.memory_space<vmem>>
    %dma_start3A_162 = arith.constant 0 : i32
    %dma_start3A_163 = arith.constant 0 : i32
    %dma_start3A_164 = tpu.memref_slice %arg17[%dma_start3A_162, %dma_start3A_163] : memref<10240x32xf32, #tpu.memory_space<vmem_shared>> -> memref<10240x32xf32, #tpu.memory_space<vmem_shared>>
    tpu.enqueue_indirect_dma source(%arg13 : memref<128x32xf32, #tpu.memory_space<vmem>>) target(%dma_start3A_164 : memref<10240x32xf32, #tpu.memory_space<vmem_shared>>) offsets(%dma_start3A_161 : memref<128xi32, #tpu.memory_space<vmem>>) semaphore(%arg30 : memref<!tpu.dma_semaphore, #tpu.memory_space<semaphore_mem>>) {add = true}
    %dma_wait3A_165 = arith.constant 77 : i32
    %dma_wait3A_166 = arith.constant 0 : i32
    %dma_wait3A_167 = tpu.memref_slice %arg7[%dma_wait3A_165, %dma_wait3A_166] : memref<80x128xi32, #tpu.memory_space<vmem>> -> memref<1x128xi32, #tpu.memory_space<vmem>>
    %dma_wait3A_168 = tpu.memref_squeeze %dma_wait3A_167 : memref<1x128xi32, #tpu.memory_space<vmem>> -> memref<128xi32, #tpu.memory_space<vmem>>
    %dma_wait3A_169 = arith.constant 0 : i32
    %dma_wait3A_170 = arith.constant 0 : i32
    %dma_wait3A_171 = tpu.memref_slice %arg2[%dma_wait3A_169, %dma_wait3A_170] : memref<10000x32xf32, #tpu.memory_space<hbm>> -> memref<10000x32xf32, #tpu.memory_space<hbm>>
    tpu.wait_indirect_dma semaphore(%arg23 : memref<!tpu.dma_semaphore, #tpu.memory_space<semaphore_mem>>) src(%dma_wait3A_171 : memref<10000x32xf32, #tpu.memory_space<hbm>>) dst(%arg14 : memref<128x32xf32, #tpu.memory_space<vmem>>)
    %dma_start3A_172 = arith.constant 77 : i32
    %dma_start3A_173 = arith.constant 0 : i32
    %dma_start3A_174 = tpu.memref_slice %arg8[%dma_start3A_172, %dma_start3A_173] : memref<80x128xi32, #tpu.memory_space<vmem>> -> memref<1x128xi32, #tpu.memory_space<vmem>>
    %dma_start3A_175 = tpu.memref_squeeze %dma_start3A_174 : memref<1x128xi32, #tpu.memory_space<vmem>> -> memref<128xi32, #tpu.memory_space<vmem>>
    %dma_start3A_176 = arith.constant 0 : i32
    %dma_start3A_177 = arith.constant 0 : i32
    %dma_start3A_178 = tpu.memref_slice %arg17[%dma_start3A_176, %dma_start3A_177] : memref<10240x32xf32, #tpu.memory_space<vmem_shared>> -> memref<10240x32xf32, #tpu.memory_space<vmem_shared>>
    tpu.enqueue_indirect_dma source(%arg14 : memref<128x32xf32, #tpu.memory_space<vmem>>) target(%dma_start3A_178 : memref<10240x32xf32, #tpu.memory_space<vmem_shared>>) offsets(%dma_start3A_175 : memref<128xi32, #tpu.memory_space<vmem>>) semaphore(%arg31 : memref<!tpu.dma_semaphore, #tpu.memory_space<semaphore_mem>>) {add = true}
    %dma_wait3A_179 = arith.constant 78 : i32
    %dma_wait3A_180 = arith.constant 0 : i32
    %dma_wait3A_181 = tpu.memref_slice %arg7[%dma_wait3A_179, %dma_wait3A_180] : memref<80x128xi32, #tpu.memory_space<vmem>> -> memref<1x128xi32, #tpu.memory_space<vmem>>
    %dma_wait3A_182 = tpu.memref_squeeze %dma_wait3A_181 : memref<1x128xi32, #tpu.memory_space<vmem>> -> memref<128xi32, #tpu.memory_space<vmem>>
    %dma_wait3A_183 = arith.constant 0 : i32
    %dma_wait3A_184 = arith.constant 0 : i32
    %dma_wait3A_185 = tpu.memref_slice %arg2[%dma_wait3A_183, %dma_wait3A_184] : memref<10000x32xf32, #tpu.memory_space<hbm>> -> memref<10000x32xf32, #tpu.memory_space<hbm>>
    tpu.wait_indirect_dma semaphore(%arg24 : memref<!tpu.dma_semaphore, #tpu.memory_space<semaphore_mem>>) src(%dma_wait3A_185 : memref<10000x32xf32, #tpu.memory_space<hbm>>) dst(%arg15 : memref<128x32xf32, #tpu.memory_space<vmem>>)
    %dma_start3A_186 = arith.constant 78 : i32
    %dma_start3A_187 = arith.constant 0 : i32
    %dma_start3A_188 = tpu.memref_slice %arg8[%dma_start3A_186, %dma_start3A_187] : memref<80x128xi32, #tpu.memory_space<vmem>> -> memref<1x128xi32, #tpu.memory_space<vmem>>
    %dma_start3A_189 = tpu.memref_squeeze %dma_start3A_188 : memref<1x128xi32, #tpu.memory_space<vmem>> -> memref<128xi32, #tpu.memory_space<vmem>>
    %dma_start3A_190 = arith.constant 0 : i32
    %dma_start3A_191 = arith.constant 0 : i32
    %dma_start3A_192 = tpu.memref_slice %arg17[%dma_start3A_190, %dma_start3A_191] : memref<10240x32xf32, #tpu.memory_space<vmem_shared>> -> memref<10240x32xf32, #tpu.memory_space<vmem_shared>>
    tpu.enqueue_indirect_dma source(%arg15 : memref<128x32xf32, #tpu.memory_space<vmem>>) target(%dma_start3A_192 : memref<10240x32xf32, #tpu.memory_space<vmem_shared>>) offsets(%dma_start3A_189 : memref<128xi32, #tpu.memory_space<vmem>>) semaphore(%arg32 : memref<!tpu.dma_semaphore, #tpu.memory_space<semaphore_mem>>) {add = true}
    %dma_wait3A_193 = arith.constant 79 : i32
    %dma_wait3A_194 = arith.constant 0 : i32
    %dma_wait3A_195 = tpu.memref_slice %arg7[%dma_wait3A_193, %dma_wait3A_194] : memref<80x128xi32, #tpu.memory_space<vmem>> -> memref<1x128xi32, #tpu.memory_space<vmem>>
    %dma_wait3A_196 = tpu.memref_squeeze %dma_wait3A_195 : memref<1x128xi32, #tpu.memory_space<vmem>> -> memref<128xi32, #tpu.memory_space<vmem>>
    %dma_wait3A_197 = arith.constant 0 : i32
    %dma_wait3A_198 = arith.constant 0 : i32
    %dma_wait3A_199 = tpu.memref_slice %arg2[%dma_wait3A_197, %dma_wait3A_198] : memref<10000x32xf32, #tpu.memory_space<hbm>> -> memref<10000x32xf32, #tpu.memory_space<hbm>>
    tpu.wait_indirect_dma semaphore(%arg25 : memref<!tpu.dma_semaphore, #tpu.memory_space<semaphore_mem>>) src(%dma_wait3A_199 : memref<10000x32xf32, #tpu.memory_space<hbm>>) dst(%arg16 : memref<128x32xf32, #tpu.memory_space<vmem>>)
    %dma_start3A_200 = arith.constant 79 : i32
    %dma_start3A_201 = arith.constant 0 : i32
    %dma_start3A_202 = tpu.memref_slice %arg8[%dma_start3A_200, %dma_start3A_201] : memref<80x128xi32, #tpu.memory_space<vmem>> -> memref<1x128xi32, #tpu.memory_space<vmem>>
    %dma_start3A_203 = tpu.memref_squeeze %dma_start3A_202 : memref<1x128xi32, #tpu.memory_space<vmem>> -> memref<128xi32, #tpu.memory_space<vmem>>
    %dma_start3A_204 = arith.constant 0 : i32
    %dma_start3A_205 = arith.constant 0 : i32
    %dma_start3A_206 = tpu.memref_slice %arg17[%dma_start3A_204, %dma_start3A_205] : memref<10240x32xf32, #tpu.memory_space<vmem_shared>> -> memref<10240x32xf32, #tpu.memory_space<vmem_shared>>
    tpu.enqueue_indirect_dma source(%arg16 : memref<128x32xf32, #tpu.memory_space<vmem>>) target(%dma_start3A_206 : memref<10240x32xf32, #tpu.memory_space<vmem_shared>>) offsets(%dma_start3A_203 : memref<128xi32, #tpu.memory_space<vmem>>) semaphore(%arg33 : memref<!tpu.dma_semaphore, #tpu.memory_space<semaphore_mem>>) {add = true}
    %dma_wait3A_207 = arith.constant 72 : i32
    %dma_wait3A_208 = arith.constant 0 : i32
    %dma_wait3A_209 = tpu.memref_slice %arg8[%dma_wait3A_207, %dma_wait3A_208] : memref<80x128xi32, #tpu.memory_space<vmem>> -> memref<1x128xi32, #tpu.memory_space<vmem>>
    %dma_wait3A_210 = tpu.memref_squeeze %dma_wait3A_209 : memref<1x128xi32, #tpu.memory_space<vmem>> -> memref<128xi32, #tpu.memory_space<vmem>>
    %dma_wait3A_211 = arith.constant 0 : i32
    %dma_wait3A_212 = arith.constant 0 : i32
    %dma_wait3A_213 = tpu.memref_slice %arg17[%dma_wait3A_211, %dma_wait3A_212] : memref<10240x32xf32, #tpu.memory_space<vmem_shared>> -> memref<10240x32xf32, #tpu.memory_space<vmem_shared>>
    tpu.wait_indirect_dma semaphore(%arg26 : memref<!tpu.dma_semaphore, #tpu.memory_space<semaphore_mem>>) src(%arg9 : memref<128x32xf32, #tpu.memory_space<vmem>>) dst(%dma_wait3A_213 : memref<10240x32xf32, #tpu.memory_space<vmem_shared>>)
    %dma_wait3A_214 = arith.constant 73 : i32
    %dma_wait3A_215 = arith.constant 0 : i32
    %dma_wait3A_216 = tpu.memref_slice %arg8[%dma_wait3A_214, %dma_wait3A_215] : memref<80x128xi32, #tpu.memory_space<vmem>> -> memref<1x128xi32, #tpu.memory_space<vmem>>
    %dma_wait3A_217 = tpu.memref_squeeze %dma_wait3A_216 : memref<1x128xi32, #tpu.memory_space<vmem>> -> memref<128xi32, #tpu.memory_space<vmem>>
    %dma_wait3A_218 = arith.constant 0 : i32
    %dma_wait3A_219 = arith.constant 0 : i32
    %dma_wait3A_220 = tpu.memref_slice %arg17[%dma_wait3A_218, %dma_wait3A_219] : memref<10240x32xf32, #tpu.memory_space<vmem_shared>> -> memref<10240x32xf32, #tpu.memory_space<vmem_shared>>
    tpu.wait_indirect_dma semaphore(%arg27 : memref<!tpu.dma_semaphore, #tpu.memory_space<semaphore_mem>>) src(%arg10 : memref<128x32xf32, #tpu.memory_space<vmem>>) dst(%dma_wait3A_220 : memref<10240x32xf32, #tpu.memory_space<vmem_shared>>)
    %dma_wait3A_221 = arith.constant 74 : i32
    %dma_wait3A_222 = arith.constant 0 : i32
    %dma_wait3A_223 = tpu.memref_slice %arg8[%dma_wait3A_221, %dma_wait3A_222] : memref<80x128xi32, #tpu.memory_space<vmem>> -> memref<1x128xi32, #tpu.memory_space<vmem>>
    %dma_wait3A_224 = tpu.memref_squeeze %dma_wait3A_223 : memref<1x128xi32, #tpu.memory_space<vmem>> -> memref<128xi32, #tpu.memory_space<vmem>>
    %dma_wait3A_225 = arith.constant 0 : i32
    %dma_wait3A_226 = arith.constant 0 : i32
    %dma_wait3A_227 = tpu.memref_slice %arg17[%dma_wait3A_225, %dma_wait3A_226] : memref<10240x32xf32, #tpu.memory_space<vmem_shared>> -> memref<10240x32xf32, #tpu.memory_space<vmem_shared>>
    tpu.wait_indirect_dma semaphore(%arg28 : memref<!tpu.dma_semaphore, #tpu.memory_space<semaphore_mem>>) src(%arg11 : memref<128x32xf32, #tpu.memory_space<vmem>>) dst(%dma_wait3A_227 : memref<10240x32xf32, #tpu.memory_space<vmem_shared>>)
    %dma_wait3A_228 = arith.constant 75 : i32
    %dma_wait3A_229 = arith.constant 0 : i32
    %dma_wait3A_230 = tpu.memref_slice %arg8[%dma_wait3A_228, %dma_wait3A_229] : memref<80x128xi32, #tpu.memory_space<vmem>> -> memref<1x128xi32, #tpu.memory_space<vmem>>
    %dma_wait3A_231 = tpu.memref_squeeze %dma_wait3A_230 : memref<1x128xi32, #tpu.memory_space<vmem>> -> memref<128xi32, #tpu.memory_space<vmem>>
    %dma_wait3A_232 = arith.constant 0 : i32
    %dma_wait3A_233 = arith.constant 0 : i32
    %dma_wait3A_234 = tpu.memref_slice %arg17[%dma_wait3A_232, %dma_wait3A_233] : memref<10240x32xf32, #tpu.memory_space<vmem_shared>> -> memref<10240x32xf32, #tpu.memory_space<vmem_shared>>
    tpu.wait_indirect_dma semaphore(%arg29 : memref<!tpu.dma_semaphore, #tpu.memory_space<semaphore_mem>>) src(%arg12 : memref<128x32xf32, #tpu.memory_space<vmem>>) dst(%dma_wait3A_234 : memref<10240x32xf32, #tpu.memory_space<vmem_shared>>)
    %dma_wait3A_235 = arith.constant 76 : i32
    %dma_wait3A_236 = arith.constant 0 : i32
    %dma_wait3A_237 = tpu.memref_slice %arg8[%dma_wait3A_235, %dma_wait3A_236] : memref<80x128xi32, #tpu.memory_space<vmem>> -> memref<1x128xi32, #tpu.memory_space<vmem>>
    %dma_wait3A_238 = tpu.memref_squeeze %dma_wait3A_237 : memref<1x128xi32, #tpu.memory_space<vmem>> -> memref<128xi32, #tpu.memory_space<vmem>>
    %dma_wait3A_239 = arith.constant 0 : i32
    %dma_wait3A_240 = arith.constant 0 : i32
    %dma_wait3A_241 = tpu.memref_slice %arg17[%dma_wait3A_239, %dma_wait3A_240] : memref<10240x32xf32, #tpu.memory_space<vmem_shared>> -> memref<10240x32xf32, #tpu.memory_space<vmem_shared>>
    tpu.wait_indirect_dma semaphore(%arg30 : memref<!tpu.dma_semaphore, #tpu.memory_space<semaphore_mem>>) src(%arg13 : memref<128x32xf32, #tpu.memory_space<vmem>>) dst(%dma_wait3A_241 : memref<10240x32xf32, #tpu.memory_space<vmem_shared>>)
    %dma_wait3A_242 = arith.constant 77 : i32
    %dma_wait3A_243 = arith.constant 0 : i32
    %dma_wait3A_244 = tpu.memref_slice %arg8[%dma_wait3A_242, %dma_wait3A_243] : memref<80x128xi32, #tpu.memory_space<vmem>> -> memref<1x128xi32, #tpu.memory_space<vmem>>
    %dma_wait3A_245 = tpu.memref_squeeze %dma_wait3A_244 : memref<1x128xi32, #tpu.memory_space<vmem>> -> memref<128xi32, #tpu.memory_space<vmem>>
    %dma_wait3A_246 = arith.constant 0 : i32
    %dma_wait3A_247 = arith.constant 0 : i32
    %dma_wait3A_248 = tpu.memref_slice %arg17[%dma_wait3A_246, %dma_wait3A_247] : memref<10240x32xf32, #tpu.memory_space<vmem_shared>> -> memref<10240x32xf32, #tpu.memory_space<vmem_shared>>
    tpu.wait_indirect_dma semaphore(%arg31 : memref<!tpu.dma_semaphore, #tpu.memory_space<semaphore_mem>>) src(%arg14 : memref<128x32xf32, #tpu.memory_space<vmem>>) dst(%dma_wait3A_248 : memref<10240x32xf32, #tpu.memory_space<vmem_shared>>)
    %dma_wait3A_249 = arith.constant 78 : i32
    %dma_wait3A_250 = arith.constant 0 : i32
    %dma_wait3A_251 = tpu.memref_slice %arg8[%dma_wait3A_249, %dma_wait3A_250] : memref<80x128xi32, #tpu.memory_space<vmem>> -> memref<1x128xi32, #tpu.memory_space<vmem>>
    %dma_wait3A_252 = tpu.memref_squeeze %dma_wait3A_251 : memref<1x128xi32, #tpu.memory_space<vmem>> -> memref<128xi32, #tpu.memory_space<vmem>>
    %dma_wait3A_253 = arith.constant 0 : i32
    %dma_wait3A_254 = arith.constant 0 : i32
    %dma_wait3A_255 = tpu.memref_slice %arg17[%dma_wait3A_253, %dma_wait3A_254] : memref<10240x32xf32, #tpu.memory_space<vmem_shared>> -> memref<10240x32xf32, #tpu.memory_space<vmem_shared>>
    tpu.wait_indirect_dma semaphore(%arg32 : memref<!tpu.dma_semaphore, #tpu.memory_space<semaphore_mem>>) src(%arg15 : memref<128x32xf32, #tpu.memory_space<vmem>>) dst(%dma_wait3A_255 : memref<10240x32xf32, #tpu.memory_space<vmem_shared>>)
    %dma_wait3A_256 = arith.constant 79 : i32
    %dma_wait3A_257 = arith.constant 0 : i32
    %dma_wait3A_258 = tpu.memref_slice %arg8[%dma_wait3A_256, %dma_wait3A_257] : memref<80x128xi32, #tpu.memory_space<vmem>> -> memref<1x128xi32, #tpu.memory_space<vmem>>
    %dma_wait3A_259 = tpu.memref_squeeze %dma_wait3A_258 : memref<1x128xi32, #tpu.memory_space<vmem>> -> memref<128xi32, #tpu.memory_space<vmem>>
    %dma_wait3A_260 = arith.constant 0 : i32
    %dma_wait3A_261 = arith.constant 0 : i32
    %dma_wait3A_262 = tpu.memref_slice %arg17[%dma_wait3A_260, %dma_wait3A_261] : memref<10240x32xf32, #tpu.memory_space<vmem_shared>> -> memref<10240x32xf32, #tpu.memory_space<vmem_shared>>
    tpu.wait_indirect_dma semaphore(%arg33 : memref<!tpu.dma_semaphore, #tpu.memory_space<semaphore_mem>>) src(%arg16 : memref<128x32xf32, #tpu.memory_space<vmem>>) dst(%dma_wait3A_262 : memref<10240x32xf32, #tpu.memory_space<vmem_shared>>)
    %barrier3A_263 = arith.constant 0 : index
    tpu.barrier barrier_id(%barrier3A_263)
    %mul3A_264 = arith.constant 640 : i32
    %mul3A_265 = arith.muli %arg1, %mul3A_264 : i32
    %mul3A_266 = arith.constant 640 : i32
    %mul3A_267 = arith.muli %arg1, %mul3A_266 : i32
    "tpu.region"() ({
      %run_scoped3A = tpu.sem_alloc : memref<!tpu.dma_semaphore, #tpu.memory_space<semaphore_mem>>
      %dma_start3A_268 = arith.constant 0 : i32
      %dma_start3A_269 = tpu.memref_slice %arg6[%arg0, %mul3A_267, %dma_start3A_268] : memref<2x10240x32xf32, #tpu.memory_space<hbm>> -> memref<1x640x32xf32, #tpu.memory_space<hbm>>
      %dma_start3A_270 = tpu.memref_squeeze %dma_start3A_269 : memref<1x640x32xf32, #tpu.memory_space<hbm>> -> memref<640x32xf32, #tpu.memory_space<hbm>>
      %dma_start3A_271 = arith.constant 0 : i32
      %dma_start3A_272 = tpu.memref_slice %arg17[%mul3A_265, %dma_start3A_271] : memref<10240x32xf32, #tpu.memory_space<vmem_shared>> -> memref<640x32xf32, #tpu.memory_space<vmem_shared>>
      tpu.enqueue_dma source(%dma_start3A_272 : memref<640x32xf32, #tpu.memory_space<vmem_shared>>) target(%dma_start3A_270 : memref<640x32xf32, #tpu.memory_space<hbm>>) target_semaphore(%run_scoped3A : memref<!tpu.dma_semaphore, #tpu.memory_space<semaphore_mem>>)
      %dma_wait3A_273 = arith.constant 0 : i32
      %dma_wait3A_274 = tpu.memref_slice %arg6[%arg0, %mul3A_267, %dma_wait3A_273] : memref<2x10240x32xf32, #tpu.memory_space<hbm>> -> memref<1x640x32xf32, #tpu.memory_space<hbm>>
      %dma_wait3A_275 = tpu.memref_squeeze %dma_wait3A_274 : memref<1x640x32xf32, #tpu.memory_space<hbm>> -> memref<640x32xf32, #tpu.memory_space<hbm>>
      %dma_wait3A_276 = arith.constant 0 : i32
      %dma_wait3A_277 = tpu.memref_slice %arg17[%mul3A_265, %dma_wait3A_276] : memref<10240x32xf32, #tpu.memory_space<vmem_shared>> -> memref<640x32xf32, #tpu.memory_space<vmem_shared>>
      tpu.wait_dma2 semaphore(%run_scoped3A : memref<!tpu.dma_semaphore, #tpu.memory_space<semaphore_mem>>) src(%dma_wait3A_277 : memref<640x32xf32, #tpu.memory_space<vmem_shared>>) dst(%dma_wait3A_275 : memref<640x32xf32, #tpu.memory_space<hbm>>)
      tpu.yield
    }) : () -> ()
    return
  }
}

#map = affine_map<(d0, d1) -> (0, 0)>
#map1 = affine_map<(d0, d1) -> (0, 0, 0)>
module attributes {stable_mosaic.version = 14 : i64} {
  func.func @k(%arg0: i32, %arg1: i32, %arg2: memref<10000x16xf32, #tpu.memory_space<hbm>>, %arg3: memref<10240x16xf32, #tpu.memory_space<hbm>>, %arg4: memref<32x80x128xi32, #tpu.memory_space<hbm>>, %arg5: memref<32x80x128xi32, #tpu.memory_space<hbm>>, %arg6: memref<2x10240x16xf32, #tpu.memory_space<hbm>>, %arg7: memref<80x128xi32, #tpu.memory_space<vmem>>, %arg8: memref<80x128xi32, #tpu.memory_space<vmem>>, %arg9: memref<128x16xf32, #tpu.memory_space<vmem>>, %arg10: memref<128x16xf32, #tpu.memory_space<vmem>>, %arg11: memref<128x16xf32, #tpu.memory_space<vmem>>, %arg12: memref<128x16xf32, #tpu.memory_space<vmem>>, %arg13: memref<128x16xf32, #tpu.memory_space<vmem>>, %arg14: memref<128x16xf32, #tpu.memory_space<vmem>>, %arg15: memref<128x16xf32, #tpu.memory_space<vmem>>, %arg16: memref<128x16xf32, #tpu.memory_space<vmem>>, %arg17: memref<10240x16xf32, #tpu.memory_space<vmem_shared>>, %arg18: memref<!tpu.dma_semaphore, #tpu.memory_space<semaphore_mem>>, %arg19: memref<!tpu.dma_semaphore, #tpu.memory_space<semaphore_mem>>, %arg20: memref<!tpu.dma_semaphore, #tpu.memory_space<semaphore_mem>>, %arg21: memref<!tpu.dma_semaphore, #tpu.memory_space<semaphore_mem>>, %arg22: memref<!tpu.dma_semaphore, #tpu.memory_space<semaphore_mem>>, %arg23: memref<!tpu.dma_semaphore, #tpu.memory_space<semaphore_mem>>, %arg24: memref<!tpu.dma_semaphore, #tpu.memory_space<semaphore_mem>>, %arg25: memref<!tpu.dma_semaphore, #tpu.memory_space<semaphore_mem>>, %arg26: memref<!tpu.dma_semaphore, #tpu.memory_space<semaphore_mem>>, %arg27: memref<!tpu.dma_semaphore, #tpu.memory_space<semaphore_mem>>, %arg28: memref<!tpu.dma_semaphore, #tpu.memory_space<semaphore_mem>>, %arg29: memref<!tpu.dma_semaphore, #tpu.memory_space<semaphore_mem>>, %arg30: memref<!tpu.dma_semaphore, #tpu.memory_space<semaphore_mem>>, %arg31: memref<!tpu.dma_semaphore, #tpu.memory_space<semaphore_mem>>, %arg32: memref<!tpu.dma_semaphore, #tpu.memory_space<semaphore_mem>>, %arg33: memref<!tpu.dma_semaphore, #tpu.memory_space<semaphore_mem>>) attributes {dimension_semantics = [#tpu.dimension_semantics<core_parallel>, #tpu.dimension_semantics<subcore_parallel>], iteration_bounds = array<i64: 2, 16>, scalar_prefetch = 0 : i64, scratch_operands = 27 : i64, tpu.core_type = #tpu.core_type<sc_vector_subcore>, window_params = [{transform_indices = #map}, {transform_indices = #map}, {transform_indices = #map1}, {transform_indices = #map1}, {transform_indices = #map1}]} {
    %mul3A = arith.constant 16 : i32
    %mul3A_0 = arith.muli %arg0, %mul3A : i32
    %add3A = arith.addi %mul3A_0, %arg1 : i32
    %dma_start3A = arith.constant 0 : i32
    %dma_start3A_1 = arith.constant 0 : i32
    %dma_start3A_2 = tpu.memref_slice %arg4[%add3A, %dma_start3A, %dma_start3A_1] : memref<32x80x128xi32, #tpu.memory_space<hbm>> -> memref<1x80x128xi32, #tpu.memory_space<hbm>>
    %dma_start3A_3 = tpu.memref_squeeze %dma_start3A_2 : memref<1x80x128xi32, #tpu.memory_space<hbm>> -> memref<80x128xi32, #tpu.memory_space<hbm>>
    %dma_start3A_4 = arith.constant 0 : i32
    %dma_start3A_5 = arith.constant 0 : i32
    %dma_start3A_6 = tpu.memref_slice %arg4[%add3A, %dma_start3A_4, %dma_start3A_5] : memref<32x80x128xi32, #tpu.memory_space<hbm>> -> memref<1x80x128xi32, #tpu.memory_space<hbm>>
    %dma_start3A_7 = tpu.memref_squeeze %dma_start3A_6 : memref<1x80x128xi32, #tpu.memory_space<hbm>> -> memref<80x128xi32, #tpu.memory_space<hbm>>
    tpu.enqueue_dma source(%dma_start3A_7 : memref<80x128xi32, #tpu.memory_space<hbm>>) target(%arg7 : memref<80x128xi32, #tpu.memory_space<vmem>>) target_semaphore(%arg18 : memref<!tpu.dma_semaphore, #tpu.memory_space<semaphore_mem>>)
    %dma_start3A_8 = arith.constant 0 : i32
    %dma_start3A_9 = arith.constant 0 : i32
    %dma_start3A_10 = tpu.memref_slice %arg5[%add3A, %dma_start3A_8, %dma_start3A_9] : memref<32x80x128xi32, #tpu.memory_space<hbm>> -> memref<1x80x128xi32, #tpu.memory_space<hbm>>
    %dma_start3A_11 = tpu.memref_squeeze %dma_start3A_10 : memref<1x80x128xi32, #tpu.memory_space<hbm>> -> memref<80x128xi32, #tpu.memory_space<hbm>>
    %dma_start3A_12 = arith.constant 0 : i32
    %dma_start3A_13 = arith.constant 0 : i32
    %dma_start3A_14 = tpu.memref_slice %arg5[%add3A, %dma_start3A_12, %dma_start3A_13] : memref<32x80x128xi32, #tpu.memory_space<hbm>> -> memref<1x80x128xi32, #tpu.memory_space<hbm>>
    %dma_start3A_15 = tpu.memref_squeeze %dma_start3A_14 : memref<1x80x128xi32, #tpu.memory_space<hbm>> -> memref<80x128xi32, #tpu.memory_space<hbm>>
    tpu.enqueue_dma source(%dma_start3A_15 : memref<80x128xi32, #tpu.memory_space<hbm>>) target(%arg8 : memref<80x128xi32, #tpu.memory_space<vmem>>) target_semaphore(%arg19 : memref<!tpu.dma_semaphore, #tpu.memory_space<semaphore_mem>>)
    %mul3A_16 = arith.constant 640 : i32
    %mul3A_17 = arith.muli %arg1, %mul3A_16 : i32
    %mul3A_18 = arith.constant 640 : i32
    %mul3A_19 = arith.muli %arg1, %mul3A_18 : i32
    "tpu.region"() ({
      %run_scoped3A = tpu.sem_alloc : memref<!tpu.dma_semaphore, #tpu.memory_space<semaphore_mem>>
      %dma_start3A_268 = arith.constant 0 : i32
      %dma_start3A_269 = tpu.memref_slice %arg17[%mul3A_19, %dma_start3A_268] : memref<10240x16xf32, #tpu.memory_space<vmem_shared>> -> memref<640x16xf32, #tpu.memory_space<vmem_shared>>
      %dma_start3A_270 = arith.constant 0 : i32
      %dma_start3A_271 = tpu.memref_slice %arg3[%mul3A_17, %dma_start3A_270] : memref<10240x16xf32, #tpu.memory_space<hbm>> -> memref<640x16xf32, #tpu.memory_space<hbm>>
      tpu.enqueue_dma source(%dma_start3A_271 : memref<640x16xf32, #tpu.memory_space<hbm>>) target(%dma_start3A_269 : memref<640x16xf32, #tpu.memory_space<vmem_shared>>) target_semaphore(%run_scoped3A : memref<!tpu.dma_semaphore, #tpu.memory_space<semaphore_mem>>)
      %dma_wait3A_272 = arith.constant 0 : i32
      %dma_wait3A_273 = tpu.memref_slice %arg17[%mul3A_19, %dma_wait3A_272] : memref<10240x16xf32, #tpu.memory_space<vmem_shared>> -> memref<640x16xf32, #tpu.memory_space<vmem_shared>>
      %dma_wait3A_274 = arith.constant 0 : i32
      %dma_wait3A_275 = tpu.memref_slice %arg3[%mul3A_17, %dma_wait3A_274] : memref<10240x16xf32, #tpu.memory_space<hbm>> -> memref<640x16xf32, #tpu.memory_space<hbm>>
      tpu.wait_dma2 semaphore(%run_scoped3A : memref<!tpu.dma_semaphore, #tpu.memory_space<semaphore_mem>>) src(%dma_wait3A_275 : memref<640x16xf32, #tpu.memory_space<hbm>>) dst(%dma_wait3A_273 : memref<640x16xf32, #tpu.memory_space<vmem_shared>>)
      tpu.yield
    }) : () -> ()
    %dma_wait3A = arith.constant 0 : i32
    %dma_wait3A_20 = arith.constant 0 : i32
    %dma_wait3A_21 = tpu.memref_slice %arg4[%add3A, %dma_wait3A, %dma_wait3A_20] : memref<32x80x128xi32, #tpu.memory_space<hbm>> -> memref<1x80x128xi32, #tpu.memory_space<hbm>>
    %dma_wait3A_22 = tpu.memref_squeeze %dma_wait3A_21 : memref<1x80x128xi32, #tpu.memory_space<hbm>> -> memref<80x128xi32, #tpu.memory_space<hbm>>
    %dma_wait3A_23 = arith.constant 0 : i32
    %dma_wait3A_24 = arith.constant 0 : i32
    %dma_wait3A_25 = tpu.memref_slice %arg4[%add3A, %dma_wait3A_23, %dma_wait3A_24] : memref<32x80x128xi32, #tpu.memory_space<hbm>> -> memref<1x80x128xi32, #tpu.memory_space<hbm>>
    %dma_wait3A_26 = tpu.memref_squeeze %dma_wait3A_25 : memref<1x80x128xi32, #tpu.memory_space<hbm>> -> memref<80x128xi32, #tpu.memory_space<hbm>>
    tpu.wait_dma2 semaphore(%arg18 : memref<!tpu.dma_semaphore, #tpu.memory_space<semaphore_mem>>) src(%dma_wait3A_26 : memref<80x128xi32, #tpu.memory_space<hbm>>) dst(%arg7 : memref<80x128xi32, #tpu.memory_space<vmem>>)
    %dma_wait3A_27 = arith.constant 0 : i32
    %dma_wait3A_28 = arith.constant 0 : i32
    %dma_wait3A_29 = tpu.memref_slice %arg5[%add3A, %dma_wait3A_27, %dma_wait3A_28] : memref<32x80x128xi32, #tpu.memory_space<hbm>> -> memref<1x80x128xi32, #tpu.memory_space<hbm>>
    %dma_wait3A_30 = tpu.memref_squeeze %dma_wait3A_29 : memref<1x80x128xi32, #tpu.memory_space<hbm>> -> memref<80x128xi32, #tpu.memory_space<hbm>>
    %dma_wait3A_31 = arith.constant 0 : i32
    %dma_wait3A_32 = arith.constant 0 : i32
    %dma_wait3A_33 = tpu.memref_slice %arg5[%add3A, %dma_wait3A_31, %dma_wait3A_32] : memref<32x80x128xi32, #tpu.memory_space<hbm>> -> memref<1x80x128xi32, #tpu.memory_space<hbm>>
    %dma_wait3A_34 = tpu.memref_squeeze %dma_wait3A_33 : memref<1x80x128xi32, #tpu.memory_space<hbm>> -> memref<80x128xi32, #tpu.memory_space<hbm>>
    tpu.wait_dma2 semaphore(%arg19 : memref<!tpu.dma_semaphore, #tpu.memory_space<semaphore_mem>>) src(%dma_wait3A_34 : memref<80x128xi32, #tpu.memory_space<hbm>>) dst(%arg8 : memref<80x128xi32, #tpu.memory_space<vmem>>)
    %barrier3A = arith.constant 0 : index
    tpu.barrier barrier_id(%barrier3A)
    %dma_start3A_35 = arith.constant 0 : i32
    %dma_start3A_36 = arith.constant 0 : i32
    %dma_start3A_37 = tpu.memref_slice %arg7[%dma_start3A_35, %dma_start3A_36] : memref<80x128xi32, #tpu.memory_space<vmem>> -> memref<1x128xi32, #tpu.memory_space<vmem>>
    %dma_start3A_38 = tpu.memref_squeeze %dma_start3A_37 : memref<1x128xi32, #tpu.memory_space<vmem>> -> memref<128xi32, #tpu.memory_space<vmem>>
    %dma_start3A_39 = arith.constant 0 : i32
    %dma_start3A_40 = arith.constant 0 : i32
    %dma_start3A_41 = tpu.memref_slice %arg2[%dma_start3A_39, %dma_start3A_40] : memref<10000x16xf32, #tpu.memory_space<hbm>> -> memref<10000x16xf32, #tpu.memory_space<hbm>>
    tpu.enqueue_indirect_dma source(%dma_start3A_41 : memref<10000x16xf32, #tpu.memory_space<hbm>>) target(%arg9 : memref<128x16xf32, #tpu.memory_space<vmem>>) offsets(%dma_start3A_38 : memref<128xi32, #tpu.memory_space<vmem>>) semaphore(%arg18 : memref<!tpu.dma_semaphore, #tpu.memory_space<semaphore_mem>>)
    %dma_start3A_42 = arith.constant 1 : i32
    %dma_start3A_43 = arith.constant 0 : i32
    %dma_start3A_44 = tpu.memref_slice %arg7[%dma_start3A_42, %dma_start3A_43] : memref<80x128xi32, #tpu.memory_space<vmem>> -> memref<1x128xi32, #tpu.memory_space<vmem>>
    %dma_start3A_45 = tpu.memref_squeeze %dma_start3A_44 : memref<1x128xi32, #tpu.memory_space<vmem>> -> memref<128xi32, #tpu.memory_space<vmem>>
    %dma_start3A_46 = arith.constant 0 : i32
    %dma_start3A_47 = arith.constant 0 : i32
    %dma_start3A_48 = tpu.memref_slice %arg2[%dma_start3A_46, %dma_start3A_47] : memref<10000x16xf32, #tpu.memory_space<hbm>> -> memref<10000x16xf32, #tpu.memory_space<hbm>>
    tpu.enqueue_indirect_dma source(%dma_start3A_48 : memref<10000x16xf32, #tpu.memory_space<hbm>>) target(%arg10 : memref<128x16xf32, #tpu.memory_space<vmem>>) offsets(%dma_start3A_45 : memref<128xi32, #tpu.memory_space<vmem>>) semaphore(%arg19 : memref<!tpu.dma_semaphore, #tpu.memory_space<semaphore_mem>>)
    %dma_start3A_49 = arith.constant 2 : i32
    %dma_start3A_50 = arith.constant 0 : i32
    %dma_start3A_51 = tpu.memref_slice %arg7[%dma_start3A_49, %dma_start3A_50] : memref<80x128xi32, #tpu.memory_space<vmem>> -> memref<1x128xi32, #tpu.memory_space<vmem>>
    %dma_start3A_52 = tpu.memref_squeeze %dma_start3A_51 : memref<1x128xi32, #tpu.memory_space<vmem>> -> memref<128xi32, #tpu.memory_space<vmem>>
    %dma_start3A_53 = arith.constant 0 : i32
    %dma_start3A_54 = arith.constant 0 : i32
    %dma_start3A_55 = tpu.memref_slice %arg2[%dma_start3A_53, %dma_start3A_54] : memref<10000x16xf32, #tpu.memory_space<hbm>> -> memref<10000x16xf32, #tpu.memory_space<hbm>>
    tpu.enqueue_indirect_dma source(%dma_start3A_55 : memref<10000x16xf32, #tpu.memory_space<hbm>>) target(%arg11 : memref<128x16xf32, #tpu.memory_space<vmem>>) offsets(%dma_start3A_52 : memref<128xi32, #tpu.memory_space<vmem>>) semaphore(%arg20 : memref<!tpu.dma_semaphore, #tpu.memory_space<semaphore_mem>>)
    %dma_start3A_56 = arith.constant 3 : i32
    %dma_start3A_57 = arith.constant 0 : i32
    %dma_start3A_58 = tpu.memref_slice %arg7[%dma_start3A_56, %dma_start3A_57] : memref<80x128xi32, #tpu.memory_space<vmem>> -> memref<1x128xi32, #tpu.memory_space<vmem>>
    %dma_start3A_59 = tpu.memref_squeeze %dma_start3A_58 : memref<1x128xi32, #tpu.memory_space<vmem>> -> memref<128xi32, #tpu.memory_space<vmem>>
    %dma_start3A_60 = arith.constant 0 : i32
    %dma_start3A_61 = arith.constant 0 : i32
    %dma_start3A_62 = tpu.memref_slice %arg2[%dma_start3A_60, %dma_start3A_61] : memref<10000x16xf32, #tpu.memory_space<hbm>> -> memref<10000x16xf32, #tpu.memory_space<hbm>>
    tpu.enqueue_indirect_dma source(%dma_start3A_62 : memref<10000x16xf32, #tpu.memory_space<hbm>>) target(%arg12 : memref<128x16xf32, #tpu.memory_space<vmem>>) offsets(%dma_start3A_59 : memref<128xi32, #tpu.memory_space<vmem>>) semaphore(%arg21 : memref<!tpu.dma_semaphore, #tpu.memory_space<semaphore_mem>>)
    %dma_start3A_63 = arith.constant 4 : i32
    %dma_start3A_64 = arith.constant 0 : i32
    %dma_start3A_65 = tpu.memref_slice %arg7[%dma_start3A_63, %dma_start3A_64] : memref<80x128xi32, #tpu.memory_space<vmem>> -> memref<1x128xi32, #tpu.memory_space<vmem>>
    %dma_start3A_66 = tpu.memref_squeeze %dma_start3A_65 : memref<1x128xi32, #tpu.memory_space<vmem>> -> memref<128xi32, #tpu.memory_space<vmem>>
    %dma_start3A_67 = arith.constant 0 : i32
    %dma_start3A_68 = arith.constant 0 : i32
    %dma_start3A_69 = tpu.memref_slice %arg2[%dma_start3A_67, %dma_start3A_68] : memref<10000x16xf32, #tpu.memory_space<hbm>> -> memref<10000x16xf32, #tpu.memory_space<hbm>>
    tpu.enqueue_indirect_dma source(%dma_start3A_69 : memref<10000x16xf32, #tpu.memory_space<hbm>>) target(%arg13 : memref<128x16xf32, #tpu.memory_space<vmem>>) offsets(%dma_start3A_66 : memref<128xi32, #tpu.memory_space<vmem>>) semaphore(%arg22 : memref<!tpu.dma_semaphore, #tpu.memory_space<semaphore_mem>>)
    %dma_start3A_70 = arith.constant 5 : i32
    %dma_start3A_71 = arith.constant 0 : i32
    %dma_start3A_72 = tpu.memref_slice %arg7[%dma_start3A_70, %dma_start3A_71] : memref<80x128xi32, #tpu.memory_space<vmem>> -> memref<1x128xi32, #tpu.memory_space<vmem>>
    %dma_start3A_73 = tpu.memref_squeeze %dma_start3A_72 : memref<1x128xi32, #tpu.memory_space<vmem>> -> memref<128xi32, #tpu.memory_space<vmem>>
    %dma_start3A_74 = arith.constant 0 : i32
    %dma_start3A_75 = arith.constant 0 : i32
    %dma_start3A_76 = tpu.memref_slice %arg2[%dma_start3A_74, %dma_start3A_75] : memref<10000x16xf32, #tpu.memory_space<hbm>> -> memref<10000x16xf32, #tpu.memory_space<hbm>>
    tpu.enqueue_indirect_dma source(%dma_start3A_76 : memref<10000x16xf32, #tpu.memory_space<hbm>>) target(%arg14 : memref<128x16xf32, #tpu.memory_space<vmem>>) offsets(%dma_start3A_73 : memref<128xi32, #tpu.memory_space<vmem>>) semaphore(%arg23 : memref<!tpu.dma_semaphore, #tpu.memory_space<semaphore_mem>>)
    %dma_start3A_77 = arith.constant 6 : i32
    %dma_start3A_78 = arith.constant 0 : i32
    %dma_start3A_79 = tpu.memref_slice %arg7[%dma_start3A_77, %dma_start3A_78] : memref<80x128xi32, #tpu.memory_space<vmem>> -> memref<1x128xi32, #tpu.memory_space<vmem>>
    %dma_start3A_80 = tpu.memref_squeeze %dma_start3A_79 : memref<1x128xi32, #tpu.memory_space<vmem>> -> memref<128xi32, #tpu.memory_space<vmem>>
    %dma_start3A_81 = arith.constant 0 : i32
    %dma_start3A_82 = arith.constant 0 : i32
    %dma_start3A_83 = tpu.memref_slice %arg2[%dma_start3A_81, %dma_start3A_82] : memref<10000x16xf32, #tpu.memory_space<hbm>> -> memref<10000x16xf32, #tpu.memory_space<hbm>>
    tpu.enqueue_indirect_dma source(%dma_start3A_83 : memref<10000x16xf32, #tpu.memory_space<hbm>>) target(%arg15 : memref<128x16xf32, #tpu.memory_space<vmem>>) offsets(%dma_start3A_80 : memref<128xi32, #tpu.memory_space<vmem>>) semaphore(%arg24 : memref<!tpu.dma_semaphore, #tpu.memory_space<semaphore_mem>>)
    %dma_start3A_84 = arith.constant 7 : i32
    %dma_start3A_85 = arith.constant 0 : i32
    %dma_start3A_86 = tpu.memref_slice %arg7[%dma_start3A_84, %dma_start3A_85] : memref<80x128xi32, #tpu.memory_space<vmem>> -> memref<1x128xi32, #tpu.memory_space<vmem>>
    %dma_start3A_87 = tpu.memref_squeeze %dma_start3A_86 : memref<1x128xi32, #tpu.memory_space<vmem>> -> memref<128xi32, #tpu.memory_space<vmem>>
    %dma_start3A_88 = arith.constant 0 : i32
    %dma_start3A_89 = arith.constant 0 : i32
    %dma_start3A_90 = tpu.memref_slice %arg2[%dma_start3A_88, %dma_start3A_89] : memref<10000x16xf32, #tpu.memory_space<hbm>> -> memref<10000x16xf32, #tpu.memory_space<hbm>>
    tpu.enqueue_indirect_dma source(%dma_start3A_90 : memref<10000x16xf32, #tpu.memory_space<hbm>>) target(%arg16 : memref<128x16xf32, #tpu.memory_space<vmem>>) offsets(%dma_start3A_87 : memref<128xi32, #tpu.memory_space<vmem>>) semaphore(%arg25 : memref<!tpu.dma_semaphore, #tpu.memory_space<semaphore_mem>>)
    %scan3A = arith.constant 0 : i32
    %scan3A_91 = arith.constant 9 : i32
    %scan3A_92 = arith.addi %scan3A, %scan3A_91 : i32
    %scan3A_93 = arith.constant 1 : i32
    scf.for %scan3A_268 = %scan3A to %scan3A_92 step %scan3A_93  : i32 {
      %mul3A_269 = arith.constant 1 : i32
      %mul3A_270 = arith.muli %scan3A_268, %mul3A_269 : i32
      %add3A_271 = arith.constant 0 : i32
      %add3A_272 = arith.addi %add3A_271, %mul3A_270 : i32
      %mul3A_273 = arith.constant 8 : i32
      %mul3A_274 = arith.muli %mul3A_273, %add3A_272 : i32
      %add3A_275 = arith.constant 0 : i32
      %add3A_276 = arith.addi %mul3A_274, %add3A_275 : i32
      %dma_wait3A_277 = arith.constant 0 : i32
      %dma_wait3A_278 = tpu.memref_slice %arg7[%add3A_276, %dma_wait3A_277] : memref<80x128xi32, #tpu.memory_space<vmem>> -> memref<1x128xi32, #tpu.memory_space<vmem>>
      %dma_wait3A_279 = tpu.memref_squeeze %dma_wait3A_278 : memref<1x128xi32, #tpu.memory_space<vmem>> -> memref<128xi32, #tpu.memory_space<vmem>>
      %dma_wait3A_280 = arith.constant 0 : i32
      %dma_wait3A_281 = arith.constant 0 : i32
      %dma_wait3A_282 = tpu.memref_slice %arg2[%dma_wait3A_280, %dma_wait3A_281] : memref<10000x16xf32, #tpu.memory_space<hbm>> -> memref<10000x16xf32, #tpu.memory_space<hbm>>
      tpu.wait_indirect_dma semaphore(%arg18 : memref<!tpu.dma_semaphore, #tpu.memory_space<semaphore_mem>>) src(%dma_wait3A_282 : memref<10000x16xf32, #tpu.memory_space<hbm>>) dst(%arg9 : memref<128x16xf32, #tpu.memory_space<vmem>>)
      %add3A_283 = arith.constant 0 : i32
      %add3A_284 = arith.addi %mul3A_274, %add3A_283 : i32
      %dma_start3A_285 = arith.constant 0 : i32
      %dma_start3A_286 = tpu.memref_slice %arg8[%add3A_284, %dma_start3A_285] : memref<80x128xi32, #tpu.memory_space<vmem>> -> memref<1x128xi32, #tpu.memory_space<vmem>>
      %dma_start3A_287 = tpu.memref_squeeze %dma_start3A_286 : memref<1x128xi32, #tpu.memory_space<vmem>> -> memref<128xi32, #tpu.memory_space<vmem>>
      %dma_start3A_288 = arith.constant 0 : i32
      %dma_start3A_289 = arith.constant 0 : i32
      %dma_start3A_290 = tpu.memref_slice %arg17[%dma_start3A_288, %dma_start3A_289] : memref<10240x16xf32, #tpu.memory_space<vmem_shared>> -> memref<10240x16xf32, #tpu.memory_space<vmem_shared>>
      tpu.enqueue_indirect_dma source(%arg9 : memref<128x16xf32, #tpu.memory_space<vmem>>) target(%dma_start3A_290 : memref<10240x16xf32, #tpu.memory_space<vmem_shared>>) offsets(%dma_start3A_287 : memref<128xi32, #tpu.memory_space<vmem>>) semaphore(%arg26 : memref<!tpu.dma_semaphore, #tpu.memory_space<semaphore_mem>>) {add = true}
      %add3A_291 = arith.constant 1 : i32
      %add3A_292 = arith.addi %mul3A_274, %add3A_291 : i32
      %dma_wait3A_293 = arith.constant 0 : i32
      %dma_wait3A_294 = tpu.memref_slice %arg7[%add3A_292, %dma_wait3A_293] : memref<80x128xi32, #tpu.memory_space<vmem>> -> memref<1x128xi32, #tpu.memory_space<vmem>>
      %dma_wait3A_295 = tpu.memref_squeeze %dma_wait3A_294 : memref<1x128xi32, #tpu.memory_space<vmem>> -> memref<128xi32, #tpu.memory_space<vmem>>
      %dma_wait3A_296 = arith.constant 0 : i32
      %dma_wait3A_297 = arith.constant 0 : i32
      %dma_wait3A_298 = tpu.memref_slice %arg2[%dma_wait3A_296, %dma_wait3A_297] : memref<10000x16xf32, #tpu.memory_space<hbm>> -> memref<10000x16xf32, #tpu.memory_space<hbm>>
      tpu.wait_indirect_dma semaphore(%arg19 : memref<!tpu.dma_semaphore, #tpu.memory_space<semaphore_mem>>) src(%dma_wait3A_298 : memref<10000x16xf32, #tpu.memory_space<hbm>>) dst(%arg10 : memref<128x16xf32, #tpu.memory_space<vmem>>)
      %add3A_299 = arith.constant 1 : i32
      %add3A_300 = arith.addi %mul3A_274, %add3A_299 : i32
      %dma_start3A_301 = arith.constant 0 : i32
      %dma_start3A_302 = tpu.memref_slice %arg8[%add3A_300, %dma_start3A_301] : memref<80x128xi32, #tpu.memory_space<vmem>> -> memref<1x128xi32, #tpu.memory_space<vmem>>
      %dma_start3A_303 = tpu.memref_squeeze %dma_start3A_302 : memref<1x128xi32, #tpu.memory_space<vmem>> -> memref<128xi32, #tpu.memory_space<vmem>>
      %dma_start3A_304 = arith.constant 0 : i32
      %dma_start3A_305 = arith.constant 0 : i32
      %dma_start3A_306 = tpu.memref_slice %arg17[%dma_start3A_304, %dma_start3A_305] : memref<10240x16xf32, #tpu.memory_space<vmem_shared>> -> memref<10240x16xf32, #tpu.memory_space<vmem_shared>>
      tpu.enqueue_indirect_dma source(%arg10 : memref<128x16xf32, #tpu.memory_space<vmem>>) target(%dma_start3A_306 : memref<10240x16xf32, #tpu.memory_space<vmem_shared>>) offsets(%dma_start3A_303 : memref<128xi32, #tpu.memory_space<vmem>>) semaphore(%arg27 : memref<!tpu.dma_semaphore, #tpu.memory_space<semaphore_mem>>) {add = true}
      %add3A_307 = arith.constant 2 : i32
      %add3A_308 = arith.addi %mul3A_274, %add3A_307 : i32
      %dma_wait3A_309 = arith.constant 0 : i32
      %dma_wait3A_310 = tpu.memref_slice %arg7[%add3A_308, %dma_wait3A_309] : memref<80x128xi32, #tpu.memory_space<vmem>> -> memref<1x128xi32, #tpu.memory_space<vmem>>
      %dma_wait3A_311 = tpu.memref_squeeze %dma_wait3A_310 : memref<1x128xi32, #tpu.memory_space<vmem>> -> memref<128xi32, #tpu.memory_space<vmem>>
      %dma_wait3A_312 = arith.constant 0 : i32
      %dma_wait3A_313 = arith.constant 0 : i32
      %dma_wait3A_314 = tpu.memref_slice %arg2[%dma_wait3A_312, %dma_wait3A_313] : memref<10000x16xf32, #tpu.memory_space<hbm>> -> memref<10000x16xf32, #tpu.memory_space<hbm>>
      tpu.wait_indirect_dma semaphore(%arg20 : memref<!tpu.dma_semaphore, #tpu.memory_space<semaphore_mem>>) src(%dma_wait3A_314 : memref<10000x16xf32, #tpu.memory_space<hbm>>) dst(%arg11 : memref<128x16xf32, #tpu.memory_space<vmem>>)
      %add3A_315 = arith.constant 2 : i32
      %add3A_316 = arith.addi %mul3A_274, %add3A_315 : i32
      %dma_start3A_317 = arith.constant 0 : i32
      %dma_start3A_318 = tpu.memref_slice %arg8[%add3A_316, %dma_start3A_317] : memref<80x128xi32, #tpu.memory_space<vmem>> -> memref<1x128xi32, #tpu.memory_space<vmem>>
      %dma_start3A_319 = tpu.memref_squeeze %dma_start3A_318 : memref<1x128xi32, #tpu.memory_space<vmem>> -> memref<128xi32, #tpu.memory_space<vmem>>
      %dma_start3A_320 = arith.constant 0 : i32
      %dma_start3A_321 = arith.constant 0 : i32
      %dma_start3A_322 = tpu.memref_slice %arg17[%dma_start3A_320, %dma_start3A_321] : memref<10240x16xf32, #tpu.memory_space<vmem_shared>> -> memref<10240x16xf32, #tpu.memory_space<vmem_shared>>
      tpu.enqueue_indirect_dma source(%arg11 : memref<128x16xf32, #tpu.memory_space<vmem>>) target(%dma_start3A_322 : memref<10240x16xf32, #tpu.memory_space<vmem_shared>>) offsets(%dma_start3A_319 : memref<128xi32, #tpu.memory_space<vmem>>) semaphore(%arg28 : memref<!tpu.dma_semaphore, #tpu.memory_space<semaphore_mem>>) {add = true}
      %add3A_323 = arith.constant 3 : i32
      %add3A_324 = arith.addi %mul3A_274, %add3A_323 : i32
      %dma_wait3A_325 = arith.constant 0 : i32
      %dma_wait3A_326 = tpu.memref_slice %arg7[%add3A_324, %dma_wait3A_325] : memref<80x128xi32, #tpu.memory_space<vmem>> -> memref<1x128xi32, #tpu.memory_space<vmem>>
      %dma_wait3A_327 = tpu.memref_squeeze %dma_wait3A_326 : memref<1x128xi32, #tpu.memory_space<vmem>> -> memref<128xi32, #tpu.memory_space<vmem>>
      %dma_wait3A_328 = arith.constant 0 : i32
      %dma_wait3A_329 = arith.constant 0 : i32
      %dma_wait3A_330 = tpu.memref_slice %arg2[%dma_wait3A_328, %dma_wait3A_329] : memref<10000x16xf32, #tpu.memory_space<hbm>> -> memref<10000x16xf32, #tpu.memory_space<hbm>>
      tpu.wait_indirect_dma semaphore(%arg21 : memref<!tpu.dma_semaphore, #tpu.memory_space<semaphore_mem>>) src(%dma_wait3A_330 : memref<10000x16xf32, #tpu.memory_space<hbm>>) dst(%arg12 : memref<128x16xf32, #tpu.memory_space<vmem>>)
      %add3A_331 = arith.constant 3 : i32
      %add3A_332 = arith.addi %mul3A_274, %add3A_331 : i32
      %dma_start3A_333 = arith.constant 0 : i32
      %dma_start3A_334 = tpu.memref_slice %arg8[%add3A_332, %dma_start3A_333] : memref<80x128xi32, #tpu.memory_space<vmem>> -> memref<1x128xi32, #tpu.memory_space<vmem>>
      %dma_start3A_335 = tpu.memref_squeeze %dma_start3A_334 : memref<1x128xi32, #tpu.memory_space<vmem>> -> memref<128xi32, #tpu.memory_space<vmem>>
      %dma_start3A_336 = arith.constant 0 : i32
      %dma_start3A_337 = arith.constant 0 : i32
      %dma_start3A_338 = tpu.memref_slice %arg17[%dma_start3A_336, %dma_start3A_337] : memref<10240x16xf32, #tpu.memory_space<vmem_shared>> -> memref<10240x16xf32, #tpu.memory_space<vmem_shared>>
      tpu.enqueue_indirect_dma source(%arg12 : memref<128x16xf32, #tpu.memory_space<vmem>>) target(%dma_start3A_338 : memref<10240x16xf32, #tpu.memory_space<vmem_shared>>) offsets(%dma_start3A_335 : memref<128xi32, #tpu.memory_space<vmem>>) semaphore(%arg29 : memref<!tpu.dma_semaphore, #tpu.memory_space<semaphore_mem>>) {add = true}
      %add3A_339 = arith.constant 4 : i32
      %add3A_340 = arith.addi %mul3A_274, %add3A_339 : i32
      %dma_wait3A_341 = arith.constant 0 : i32
      %dma_wait3A_342 = tpu.memref_slice %arg7[%add3A_340, %dma_wait3A_341] : memref<80x128xi32, #tpu.memory_space<vmem>> -> memref<1x128xi32, #tpu.memory_space<vmem>>
      %dma_wait3A_343 = tpu.memref_squeeze %dma_wait3A_342 : memref<1x128xi32, #tpu.memory_space<vmem>> -> memref<128xi32, #tpu.memory_space<vmem>>
      %dma_wait3A_344 = arith.constant 0 : i32
      %dma_wait3A_345 = arith.constant 0 : i32
      %dma_wait3A_346 = tpu.memref_slice %arg2[%dma_wait3A_344, %dma_wait3A_345] : memref<10000x16xf32, #tpu.memory_space<hbm>> -> memref<10000x16xf32, #tpu.memory_space<hbm>>
      tpu.wait_indirect_dma semaphore(%arg22 : memref<!tpu.dma_semaphore, #tpu.memory_space<semaphore_mem>>) src(%dma_wait3A_346 : memref<10000x16xf32, #tpu.memory_space<hbm>>) dst(%arg13 : memref<128x16xf32, #tpu.memory_space<vmem>>)
      %add3A_347 = arith.constant 4 : i32
      %add3A_348 = arith.addi %mul3A_274, %add3A_347 : i32
      %dma_start3A_349 = arith.constant 0 : i32
      %dma_start3A_350 = tpu.memref_slice %arg8[%add3A_348, %dma_start3A_349] : memref<80x128xi32, #tpu.memory_space<vmem>> -> memref<1x128xi32, #tpu.memory_space<vmem>>
      %dma_start3A_351 = tpu.memref_squeeze %dma_start3A_350 : memref<1x128xi32, #tpu.memory_space<vmem>> -> memref<128xi32, #tpu.memory_space<vmem>>
      %dma_start3A_352 = arith.constant 0 : i32
      %dma_start3A_353 = arith.constant 0 : i32
      %dma_start3A_354 = tpu.memref_slice %arg17[%dma_start3A_352, %dma_start3A_353] : memref<10240x16xf32, #tpu.memory_space<vmem_shared>> -> memref<10240x16xf32, #tpu.memory_space<vmem_shared>>
      tpu.enqueue_indirect_dma source(%arg13 : memref<128x16xf32, #tpu.memory_space<vmem>>) target(%dma_start3A_354 : memref<10240x16xf32, #tpu.memory_space<vmem_shared>>) offsets(%dma_start3A_351 : memref<128xi32, #tpu.memory_space<vmem>>) semaphore(%arg30 : memref<!tpu.dma_semaphore, #tpu.memory_space<semaphore_mem>>) {add = true}
      %add3A_355 = arith.constant 5 : i32
      %add3A_356 = arith.addi %mul3A_274, %add3A_355 : i32
      %dma_wait3A_357 = arith.constant 0 : i32
      %dma_wait3A_358 = tpu.memref_slice %arg7[%add3A_356, %dma_wait3A_357] : memref<80x128xi32, #tpu.memory_space<vmem>> -> memref<1x128xi32, #tpu.memory_space<vmem>>
      %dma_wait3A_359 = tpu.memref_squeeze %dma_wait3A_358 : memref<1x128xi32, #tpu.memory_space<vmem>> -> memref<128xi32, #tpu.memory_space<vmem>>
      %dma_wait3A_360 = arith.constant 0 : i32
      %dma_wait3A_361 = arith.constant 0 : i32
      %dma_wait3A_362 = tpu.memref_slice %arg2[%dma_wait3A_360, %dma_wait3A_361] : memref<10000x16xf32, #tpu.memory_space<hbm>> -> memref<10000x16xf32, #tpu.memory_space<hbm>>
      tpu.wait_indirect_dma semaphore(%arg23 : memref<!tpu.dma_semaphore, #tpu.memory_space<semaphore_mem>>) src(%dma_wait3A_362 : memref<10000x16xf32, #tpu.memory_space<hbm>>) dst(%arg14 : memref<128x16xf32, #tpu.memory_space<vmem>>)
      %add3A_363 = arith.constant 5 : i32
      %add3A_364 = arith.addi %mul3A_274, %add3A_363 : i32
      %dma_start3A_365 = arith.constant 0 : i32
      %dma_start3A_366 = tpu.memref_slice %arg8[%add3A_364, %dma_start3A_365] : memref<80x128xi32, #tpu.memory_space<vmem>> -> memref<1x128xi32, #tpu.memory_space<vmem>>
      %dma_start3A_367 = tpu.memref_squeeze %dma_start3A_366 : memref<1x128xi32, #tpu.memory_space<vmem>> -> memref<128xi32, #tpu.memory_space<vmem>>
      %dma_start3A_368 = arith.constant 0 : i32
      %dma_start3A_369 = arith.constant 0 : i32
      %dma_start3A_370 = tpu.memref_slice %arg17[%dma_start3A_368, %dma_start3A_369] : memref<10240x16xf32, #tpu.memory_space<vmem_shared>> -> memref<10240x16xf32, #tpu.memory_space<vmem_shared>>
      tpu.enqueue_indirect_dma source(%arg14 : memref<128x16xf32, #tpu.memory_space<vmem>>) target(%dma_start3A_370 : memref<10240x16xf32, #tpu.memory_space<vmem_shared>>) offsets(%dma_start3A_367 : memref<128xi32, #tpu.memory_space<vmem>>) semaphore(%arg31 : memref<!tpu.dma_semaphore, #tpu.memory_space<semaphore_mem>>) {add = true}
      %add3A_371 = arith.constant 6 : i32
      %add3A_372 = arith.addi %mul3A_274, %add3A_371 : i32
      %dma_wait3A_373 = arith.constant 0 : i32
      %dma_wait3A_374 = tpu.memref_slice %arg7[%add3A_372, %dma_wait3A_373] : memref<80x128xi32, #tpu.memory_space<vmem>> -> memref<1x128xi32, #tpu.memory_space<vmem>>
      %dma_wait3A_375 = tpu.memref_squeeze %dma_wait3A_374 : memref<1x128xi32, #tpu.memory_space<vmem>> -> memref<128xi32, #tpu.memory_space<vmem>>
      %dma_wait3A_376 = arith.constant 0 : i32
      %dma_wait3A_377 = arith.constant 0 : i32
      %dma_wait3A_378 = tpu.memref_slice %arg2[%dma_wait3A_376, %dma_wait3A_377] : memref<10000x16xf32, #tpu.memory_space<hbm>> -> memref<10000x16xf32, #tpu.memory_space<hbm>>
      tpu.wait_indirect_dma semaphore(%arg24 : memref<!tpu.dma_semaphore, #tpu.memory_space<semaphore_mem>>) src(%dma_wait3A_378 : memref<10000x16xf32, #tpu.memory_space<hbm>>) dst(%arg15 : memref<128x16xf32, #tpu.memory_space<vmem>>)
      %add3A_379 = arith.constant 6 : i32
      %add3A_380 = arith.addi %mul3A_274, %add3A_379 : i32
      %dma_start3A_381 = arith.constant 0 : i32
      %dma_start3A_382 = tpu.memref_slice %arg8[%add3A_380, %dma_start3A_381] : memref<80x128xi32, #tpu.memory_space<vmem>> -> memref<1x128xi32, #tpu.memory_space<vmem>>
      %dma_start3A_383 = tpu.memref_squeeze %dma_start3A_382 : memref<1x128xi32, #tpu.memory_space<vmem>> -> memref<128xi32, #tpu.memory_space<vmem>>
      %dma_start3A_384 = arith.constant 0 : i32
      %dma_start3A_385 = arith.constant 0 : i32
      %dma_start3A_386 = tpu.memref_slice %arg17[%dma_start3A_384, %dma_start3A_385] : memref<10240x16xf32, #tpu.memory_space<vmem_shared>> -> memref<10240x16xf32, #tpu.memory_space<vmem_shared>>
      tpu.enqueue_indirect_dma source(%arg15 : memref<128x16xf32, #tpu.memory_space<vmem>>) target(%dma_start3A_386 : memref<10240x16xf32, #tpu.memory_space<vmem_shared>>) offsets(%dma_start3A_383 : memref<128xi32, #tpu.memory_space<vmem>>) semaphore(%arg32 : memref<!tpu.dma_semaphore, #tpu.memory_space<semaphore_mem>>) {add = true}
      %add3A_387 = arith.constant 7 : i32
      %add3A_388 = arith.addi %mul3A_274, %add3A_387 : i32
      %dma_wait3A_389 = arith.constant 0 : i32
      %dma_wait3A_390 = tpu.memref_slice %arg7[%add3A_388, %dma_wait3A_389] : memref<80x128xi32, #tpu.memory_space<vmem>> -> memref<1x128xi32, #tpu.memory_space<vmem>>
      %dma_wait3A_391 = tpu.memref_squeeze %dma_wait3A_390 : memref<1x128xi32, #tpu.memory_space<vmem>> -> memref<128xi32, #tpu.memory_space<vmem>>
      %dma_wait3A_392 = arith.constant 0 : i32
      %dma_wait3A_393 = arith.constant 0 : i32
      %dma_wait3A_394 = tpu.memref_slice %arg2[%dma_wait3A_392, %dma_wait3A_393] : memref<10000x16xf32, #tpu.memory_space<hbm>> -> memref<10000x16xf32, #tpu.memory_space<hbm>>
      tpu.wait_indirect_dma semaphore(%arg25 : memref<!tpu.dma_semaphore, #tpu.memory_space<semaphore_mem>>) src(%dma_wait3A_394 : memref<10000x16xf32, #tpu.memory_space<hbm>>) dst(%arg16 : memref<128x16xf32, #tpu.memory_space<vmem>>)
      %add3A_395 = arith.constant 7 : i32
      %add3A_396 = arith.addi %mul3A_274, %add3A_395 : i32
      %dma_start3A_397 = arith.constant 0 : i32
      %dma_start3A_398 = tpu.memref_slice %arg8[%add3A_396, %dma_start3A_397] : memref<80x128xi32, #tpu.memory_space<vmem>> -> memref<1x128xi32, #tpu.memory_space<vmem>>
      %dma_start3A_399 = tpu.memref_squeeze %dma_start3A_398 : memref<1x128xi32, #tpu.memory_space<vmem>> -> memref<128xi32, #tpu.memory_space<vmem>>
      %dma_start3A_400 = arith.constant 0 : i32
      %dma_start3A_401 = arith.constant 0 : i32
      %dma_start3A_402 = tpu.memref_slice %arg17[%dma_start3A_400, %dma_start3A_401] : memref<10240x16xf32, #tpu.memory_space<vmem_shared>> -> memref<10240x16xf32, #tpu.memory_space<vmem_shared>>
      tpu.enqueue_indirect_dma source(%arg16 : memref<128x16xf32, #tpu.memory_space<vmem>>) target(%dma_start3A_402 : memref<10240x16xf32, #tpu.memory_space<vmem_shared>>) offsets(%dma_start3A_399 : memref<128xi32, #tpu.memory_space<vmem>>) semaphore(%arg33 : memref<!tpu.dma_semaphore, #tpu.memory_space<semaphore_mem>>) {add = true}
      %add3A_403 = arith.constant 0 : i32
      %add3A_404 = arith.addi %mul3A_274, %add3A_403 : i32
      %dma_wait3A_405 = arith.constant 0 : i32
      %dma_wait3A_406 = tpu.memref_slice %arg8[%add3A_404, %dma_wait3A_405] : memref<80x128xi32, #tpu.memory_space<vmem>> -> memref<1x128xi32, #tpu.memory_space<vmem>>
      %dma_wait3A_407 = tpu.memref_squeeze %dma_wait3A_406 : memref<1x128xi32, #tpu.memory_space<vmem>> -> memref<128xi32, #tpu.memory_space<vmem>>
      %dma_wait3A_408 = arith.constant 0 : i32
      %dma_wait3A_409 = arith.constant 0 : i32
      %dma_wait3A_410 = tpu.memref_slice %arg17[%dma_wait3A_408, %dma_wait3A_409] : memref<10240x16xf32, #tpu.memory_space<vmem_shared>> -> memref<10240x16xf32, #tpu.memory_space<vmem_shared>>
      tpu.wait_indirect_dma semaphore(%arg26 : memref<!tpu.dma_semaphore, #tpu.memory_space<semaphore_mem>>) src(%arg9 : memref<128x16xf32, #tpu.memory_space<vmem>>) dst(%dma_wait3A_410 : memref<10240x16xf32, #tpu.memory_space<vmem_shared>>)
      %add3A_411 = arith.constant 8 : i32
      %add3A_412 = arith.addi %mul3A_274, %add3A_411 : i32
      %add3A_413 = arith.constant 0 : i32
      %add3A_414 = arith.addi %add3A_412, %add3A_413 : i32
      %dma_start3A_415 = arith.constant 0 : i32
      %dma_start3A_416 = tpu.memref_slice %arg7[%add3A_414, %dma_start3A_415] : memref<80x128xi32, #tpu.memory_space<vmem>> -> memref<1x128xi32, #tpu.memory_space<vmem>>
      %dma_start3A_417 = tpu.memref_squeeze %dma_start3A_416 : memref<1x128xi32, #tpu.memory_space<vmem>> -> memref<128xi32, #tpu.memory_space<vmem>>
      %dma_start3A_418 = arith.constant 0 : i32
      %dma_start3A_419 = arith.constant 0 : i32
      %dma_start3A_420 = tpu.memref_slice %arg2[%dma_start3A_418, %dma_start3A_419] : memref<10000x16xf32, #tpu.memory_space<hbm>> -> memref<10000x16xf32, #tpu.memory_space<hbm>>
      tpu.enqueue_indirect_dma source(%dma_start3A_420 : memref<10000x16xf32, #tpu.memory_space<hbm>>) target(%arg9 : memref<128x16xf32, #tpu.memory_space<vmem>>) offsets(%dma_start3A_417 : memref<128xi32, #tpu.memory_space<vmem>>) semaphore(%arg18 : memref<!tpu.dma_semaphore, #tpu.memory_space<semaphore_mem>>)
      %add3A_421 = arith.constant 1 : i32
      %add3A_422 = arith.addi %mul3A_274, %add3A_421 : i32
      %dma_wait3A_423 = arith.constant 0 : i32
      %dma_wait3A_424 = tpu.memref_slice %arg8[%add3A_422, %dma_wait3A_423] : memref<80x128xi32, #tpu.memory_space<vmem>> -> memref<1x128xi32, #tpu.memory_space<vmem>>
      %dma_wait3A_425 = tpu.memref_squeeze %dma_wait3A_424 : memref<1x128xi32, #tpu.memory_space<vmem>> -> memref<128xi32, #tpu.memory_space<vmem>>
      %dma_wait3A_426 = arith.constant 0 : i32
      %dma_wait3A_427 = arith.constant 0 : i32
      %dma_wait3A_428 = tpu.memref_slice %arg17[%dma_wait3A_426, %dma_wait3A_427] : memref<10240x16xf32, #tpu.memory_space<vmem_shared>> -> memref<10240x16xf32, #tpu.memory_space<vmem_shared>>
      tpu.wait_indirect_dma semaphore(%arg27 : memref<!tpu.dma_semaphore, #tpu.memory_space<semaphore_mem>>) src(%arg10 : memref<128x16xf32, #tpu.memory_space<vmem>>) dst(%dma_wait3A_428 : memref<10240x16xf32, #tpu.memory_space<vmem_shared>>)
      %add3A_429 = arith.constant 8 : i32
      %add3A_430 = arith.addi %mul3A_274, %add3A_429 : i32
      %add3A_431 = arith.constant 1 : i32
      %add3A_432 = arith.addi %add3A_430, %add3A_431 : i32
      %dma_start3A_433 = arith.constant 0 : i32
      %dma_start3A_434 = tpu.memref_slice %arg7[%add3A_432, %dma_start3A_433] : memref<80x128xi32, #tpu.memory_space<vmem>> -> memref<1x128xi32, #tpu.memory_space<vmem>>
      %dma_start3A_435 = tpu.memref_squeeze %dma_start3A_434 : memref<1x128xi32, #tpu.memory_space<vmem>> -> memref<128xi32, #tpu.memory_space<vmem>>
      %dma_start3A_436 = arith.constant 0 : i32
      %dma_start3A_437 = arith.constant 0 : i32
      %dma_start3A_438 = tpu.memref_slice %arg2[%dma_start3A_436, %dma_start3A_437] : memref<10000x16xf32, #tpu.memory_space<hbm>> -> memref<10000x16xf32, #tpu.memory_space<hbm>>
      tpu.enqueue_indirect_dma source(%dma_start3A_438 : memref<10000x16xf32, #tpu.memory_space<hbm>>) target(%arg10 : memref<128x16xf32, #tpu.memory_space<vmem>>) offsets(%dma_start3A_435 : memref<128xi32, #tpu.memory_space<vmem>>) semaphore(%arg19 : memref<!tpu.dma_semaphore, #tpu.memory_space<semaphore_mem>>)
      %add3A_439 = arith.constant 2 : i32
      %add3A_440 = arith.addi %mul3A_274, %add3A_439 : i32
      %dma_wait3A_441 = arith.constant 0 : i32
      %dma_wait3A_442 = tpu.memref_slice %arg8[%add3A_440, %dma_wait3A_441] : memref<80x128xi32, #tpu.memory_space<vmem>> -> memref<1x128xi32, #tpu.memory_space<vmem>>
      %dma_wait3A_443 = tpu.memref_squeeze %dma_wait3A_442 : memref<1x128xi32, #tpu.memory_space<vmem>> -> memref<128xi32, #tpu.memory_space<vmem>>
      %dma_wait3A_444 = arith.constant 0 : i32
      %dma_wait3A_445 = arith.constant 0 : i32
      %dma_wait3A_446 = tpu.memref_slice %arg17[%dma_wait3A_444, %dma_wait3A_445] : memref<10240x16xf32, #tpu.memory_space<vmem_shared>> -> memref<10240x16xf32, #tpu.memory_space<vmem_shared>>
      tpu.wait_indirect_dma semaphore(%arg28 : memref<!tpu.dma_semaphore, #tpu.memory_space<semaphore_mem>>) src(%arg11 : memref<128x16xf32, #tpu.memory_space<vmem>>) dst(%dma_wait3A_446 : memref<10240x16xf32, #tpu.memory_space<vmem_shared>>)
      %add3A_447 = arith.constant 8 : i32
      %add3A_448 = arith.addi %mul3A_274, %add3A_447 : i32
      %add3A_449 = arith.constant 2 : i32
      %add3A_450 = arith.addi %add3A_448, %add3A_449 : i32
      %dma_start3A_451 = arith.constant 0 : i32
      %dma_start3A_452 = tpu.memref_slice %arg7[%add3A_450, %dma_start3A_451] : memref<80x128xi32, #tpu.memory_space<vmem>> -> memref<1x128xi32, #tpu.memory_space<vmem>>
      %dma_start3A_453 = tpu.memref_squeeze %dma_start3A_452 : memref<1x128xi32, #tpu.memory_space<vmem>> -> memref<128xi32, #tpu.memory_space<vmem>>
      %dma_start3A_454 = arith.constant 0 : i32
      %dma_start3A_455 = arith.constant 0 : i32
      %dma_start3A_456 = tpu.memref_slice %arg2[%dma_start3A_454, %dma_start3A_455] : memref<10000x16xf32, #tpu.memory_space<hbm>> -> memref<10000x16xf32, #tpu.memory_space<hbm>>
      tpu.enqueue_indirect_dma source(%dma_start3A_456 : memref<10000x16xf32, #tpu.memory_space<hbm>>) target(%arg11 : memref<128x16xf32, #tpu.memory_space<vmem>>) offsets(%dma_start3A_453 : memref<128xi32, #tpu.memory_space<vmem>>) semaphore(%arg20 : memref<!tpu.dma_semaphore, #tpu.memory_space<semaphore_mem>>)
      %add3A_457 = arith.constant 3 : i32
      %add3A_458 = arith.addi %mul3A_274, %add3A_457 : i32
      %dma_wait3A_459 = arith.constant 0 : i32
      %dma_wait3A_460 = tpu.memref_slice %arg8[%add3A_458, %dma_wait3A_459] : memref<80x128xi32, #tpu.memory_space<vmem>> -> memref<1x128xi32, #tpu.memory_space<vmem>>
      %dma_wait3A_461 = tpu.memref_squeeze %dma_wait3A_460 : memref<1x128xi32, #tpu.memory_space<vmem>> -> memref<128xi32, #tpu.memory_space<vmem>>
      %dma_wait3A_462 = arith.constant 0 : i32
      %dma_wait3A_463 = arith.constant 0 : i32
      %dma_wait3A_464 = tpu.memref_slice %arg17[%dma_wait3A_462, %dma_wait3A_463] : memref<10240x16xf32, #tpu.memory_space<vmem_shared>> -> memref<10240x16xf32, #tpu.memory_space<vmem_shared>>
      tpu.wait_indirect_dma semaphore(%arg29 : memref<!tpu.dma_semaphore, #tpu.memory_space<semaphore_mem>>) src(%arg12 : memref<128x16xf32, #tpu.memory_space<vmem>>) dst(%dma_wait3A_464 : memref<10240x16xf32, #tpu.memory_space<vmem_shared>>)
      %add3A_465 = arith.constant 8 : i32
      %add3A_466 = arith.addi %mul3A_274, %add3A_465 : i32
      %add3A_467 = arith.constant 3 : i32
      %add3A_468 = arith.addi %add3A_466, %add3A_467 : i32
      %dma_start3A_469 = arith.constant 0 : i32
      %dma_start3A_470 = tpu.memref_slice %arg7[%add3A_468, %dma_start3A_469] : memref<80x128xi32, #tpu.memory_space<vmem>> -> memref<1x128xi32, #tpu.memory_space<vmem>>
      %dma_start3A_471 = tpu.memref_squeeze %dma_start3A_470 : memref<1x128xi32, #tpu.memory_space<vmem>> -> memref<128xi32, #tpu.memory_space<vmem>>
      %dma_start3A_472 = arith.constant 0 : i32
      %dma_start3A_473 = arith.constant 0 : i32
      %dma_start3A_474 = tpu.memref_slice %arg2[%dma_start3A_472, %dma_start3A_473] : memref<10000x16xf32, #tpu.memory_space<hbm>> -> memref<10000x16xf32, #tpu.memory_space<hbm>>
      tpu.enqueue_indirect_dma source(%dma_start3A_474 : memref<10000x16xf32, #tpu.memory_space<hbm>>) target(%arg12 : memref<128x16xf32, #tpu.memory_space<vmem>>) offsets(%dma_start3A_471 : memref<128xi32, #tpu.memory_space<vmem>>) semaphore(%arg21 : memref<!tpu.dma_semaphore, #tpu.memory_space<semaphore_mem>>)
      %add3A_475 = arith.constant 4 : i32
      %add3A_476 = arith.addi %mul3A_274, %add3A_475 : i32
      %dma_wait3A_477 = arith.constant 0 : i32
      %dma_wait3A_478 = tpu.memref_slice %arg8[%add3A_476, %dma_wait3A_477] : memref<80x128xi32, #tpu.memory_space<vmem>> -> memref<1x128xi32, #tpu.memory_space<vmem>>
      %dma_wait3A_479 = tpu.memref_squeeze %dma_wait3A_478 : memref<1x128xi32, #tpu.memory_space<vmem>> -> memref<128xi32, #tpu.memory_space<vmem>>
      %dma_wait3A_480 = arith.constant 0 : i32
      %dma_wait3A_481 = arith.constant 0 : i32
      %dma_wait3A_482 = tpu.memref_slice %arg17[%dma_wait3A_480, %dma_wait3A_481] : memref<10240x16xf32, #tpu.memory_space<vmem_shared>> -> memref<10240x16xf32, #tpu.memory_space<vmem_shared>>
      tpu.wait_indirect_dma semaphore(%arg30 : memref<!tpu.dma_semaphore, #tpu.memory_space<semaphore_mem>>) src(%arg13 : memref<128x16xf32, #tpu.memory_space<vmem>>) dst(%dma_wait3A_482 : memref<10240x16xf32, #tpu.memory_space<vmem_shared>>)
      %add3A_483 = arith.constant 8 : i32
      %add3A_484 = arith.addi %mul3A_274, %add3A_483 : i32
      %add3A_485 = arith.constant 4 : i32
      %add3A_486 = arith.addi %add3A_484, %add3A_485 : i32
      %dma_start3A_487 = arith.constant 0 : i32
      %dma_start3A_488 = tpu.memref_slice %arg7[%add3A_486, %dma_start3A_487] : memref<80x128xi32, #tpu.memory_space<vmem>> -> memref<1x128xi32, #tpu.memory_space<vmem>>
      %dma_start3A_489 = tpu.memref_squeeze %dma_start3A_488 : memref<1x128xi32, #tpu.memory_space<vmem>> -> memref<128xi32, #tpu.memory_space<vmem>>
      %dma_start3A_490 = arith.constant 0 : i32
      %dma_start3A_491 = arith.constant 0 : i32
      %dma_start3A_492 = tpu.memref_slice %arg2[%dma_start3A_490, %dma_start3A_491] : memref<10000x16xf32, #tpu.memory_space<hbm>> -> memref<10000x16xf32, #tpu.memory_space<hbm>>
      tpu.enqueue_indirect_dma source(%dma_start3A_492 : memref<10000x16xf32, #tpu.memory_space<hbm>>) target(%arg13 : memref<128x16xf32, #tpu.memory_space<vmem>>) offsets(%dma_start3A_489 : memref<128xi32, #tpu.memory_space<vmem>>) semaphore(%arg22 : memref<!tpu.dma_semaphore, #tpu.memory_space<semaphore_mem>>)
      %add3A_493 = arith.constant 5 : i32
      %add3A_494 = arith.addi %mul3A_274, %add3A_493 : i32
      %dma_wait3A_495 = arith.constant 0 : i32
      %dma_wait3A_496 = tpu.memref_slice %arg8[%add3A_494, %dma_wait3A_495] : memref<80x128xi32, #tpu.memory_space<vmem>> -> memref<1x128xi32, #tpu.memory_space<vmem>>
      %dma_wait3A_497 = tpu.memref_squeeze %dma_wait3A_496 : memref<1x128xi32, #tpu.memory_space<vmem>> -> memref<128xi32, #tpu.memory_space<vmem>>
      %dma_wait3A_498 = arith.constant 0 : i32
      %dma_wait3A_499 = arith.constant 0 : i32
      %dma_wait3A_500 = tpu.memref_slice %arg17[%dma_wait3A_498, %dma_wait3A_499] : memref<10240x16xf32, #tpu.memory_space<vmem_shared>> -> memref<10240x16xf32, #tpu.memory_space<vmem_shared>>
      tpu.wait_indirect_dma semaphore(%arg31 : memref<!tpu.dma_semaphore, #tpu.memory_space<semaphore_mem>>) src(%arg14 : memref<128x16xf32, #tpu.memory_space<vmem>>) dst(%dma_wait3A_500 : memref<10240x16xf32, #tpu.memory_space<vmem_shared>>)
      %add3A_501 = arith.constant 8 : i32
      %add3A_502 = arith.addi %mul3A_274, %add3A_501 : i32
      %add3A_503 = arith.constant 5 : i32
      %add3A_504 = arith.addi %add3A_502, %add3A_503 : i32
      %dma_start3A_505 = arith.constant 0 : i32
      %dma_start3A_506 = tpu.memref_slice %arg7[%add3A_504, %dma_start3A_505] : memref<80x128xi32, #tpu.memory_space<vmem>> -> memref<1x128xi32, #tpu.memory_space<vmem>>
      %dma_start3A_507 = tpu.memref_squeeze %dma_start3A_506 : memref<1x128xi32, #tpu.memory_space<vmem>> -> memref<128xi32, #tpu.memory_space<vmem>>
      %dma_start3A_508 = arith.constant 0 : i32
      %dma_start3A_509 = arith.constant 0 : i32
      %dma_start3A_510 = tpu.memref_slice %arg2[%dma_start3A_508, %dma_start3A_509] : memref<10000x16xf32, #tpu.memory_space<hbm>> -> memref<10000x16xf32, #tpu.memory_space<hbm>>
      tpu.enqueue_indirect_dma source(%dma_start3A_510 : memref<10000x16xf32, #tpu.memory_space<hbm>>) target(%arg14 : memref<128x16xf32, #tpu.memory_space<vmem>>) offsets(%dma_start3A_507 : memref<128xi32, #tpu.memory_space<vmem>>) semaphore(%arg23 : memref<!tpu.dma_semaphore, #tpu.memory_space<semaphore_mem>>)
      %add3A_511 = arith.constant 6 : i32
      %add3A_512 = arith.addi %mul3A_274, %add3A_511 : i32
      %dma_wait3A_513 = arith.constant 0 : i32
      %dma_wait3A_514 = tpu.memref_slice %arg8[%add3A_512, %dma_wait3A_513] : memref<80x128xi32, #tpu.memory_space<vmem>> -> memref<1x128xi32, #tpu.memory_space<vmem>>
      %dma_wait3A_515 = tpu.memref_squeeze %dma_wait3A_514 : memref<1x128xi32, #tpu.memory_space<vmem>> -> memref<128xi32, #tpu.memory_space<vmem>>
      %dma_wait3A_516 = arith.constant 0 : i32
      %dma_wait3A_517 = arith.constant 0 : i32
      %dma_wait3A_518 = tpu.memref_slice %arg17[%dma_wait3A_516, %dma_wait3A_517] : memref<10240x16xf32, #tpu.memory_space<vmem_shared>> -> memref<10240x16xf32, #tpu.memory_space<vmem_shared>>
      tpu.wait_indirect_dma semaphore(%arg32 : memref<!tpu.dma_semaphore, #tpu.memory_space<semaphore_mem>>) src(%arg15 : memref<128x16xf32, #tpu.memory_space<vmem>>) dst(%dma_wait3A_518 : memref<10240x16xf32, #tpu.memory_space<vmem_shared>>)
      %add3A_519 = arith.constant 8 : i32
      %add3A_520 = arith.addi %mul3A_274, %add3A_519 : i32
      %add3A_521 = arith.constant 6 : i32
      %add3A_522 = arith.addi %add3A_520, %add3A_521 : i32
      %dma_start3A_523 = arith.constant 0 : i32
      %dma_start3A_524 = tpu.memref_slice %arg7[%add3A_522, %dma_start3A_523] : memref<80x128xi32, #tpu.memory_space<vmem>> -> memref<1x128xi32, #tpu.memory_space<vmem>>
      %dma_start3A_525 = tpu.memref_squeeze %dma_start3A_524 : memref<1x128xi32, #tpu.memory_space<vmem>> -> memref<128xi32, #tpu.memory_space<vmem>>
      %dma_start3A_526 = arith.constant 0 : i32
      %dma_start3A_527 = arith.constant 0 : i32
      %dma_start3A_528 = tpu.memref_slice %arg2[%dma_start3A_526, %dma_start3A_527] : memref<10000x16xf32, #tpu.memory_space<hbm>> -> memref<10000x16xf32, #tpu.memory_space<hbm>>
      tpu.enqueue_indirect_dma source(%dma_start3A_528 : memref<10000x16xf32, #tpu.memory_space<hbm>>) target(%arg15 : memref<128x16xf32, #tpu.memory_space<vmem>>) offsets(%dma_start3A_525 : memref<128xi32, #tpu.memory_space<vmem>>) semaphore(%arg24 : memref<!tpu.dma_semaphore, #tpu.memory_space<semaphore_mem>>)
      %add3A_529 = arith.constant 7 : i32
      %add3A_530 = arith.addi %mul3A_274, %add3A_529 : i32
      %dma_wait3A_531 = arith.constant 0 : i32
      %dma_wait3A_532 = tpu.memref_slice %arg8[%add3A_530, %dma_wait3A_531] : memref<80x128xi32, #tpu.memory_space<vmem>> -> memref<1x128xi32, #tpu.memory_space<vmem>>
      %dma_wait3A_533 = tpu.memref_squeeze %dma_wait3A_532 : memref<1x128xi32, #tpu.memory_space<vmem>> -> memref<128xi32, #tpu.memory_space<vmem>>
      %dma_wait3A_534 = arith.constant 0 : i32
      %dma_wait3A_535 = arith.constant 0 : i32
      %dma_wait3A_536 = tpu.memref_slice %arg17[%dma_wait3A_534, %dma_wait3A_535] : memref<10240x16xf32, #tpu.memory_space<vmem_shared>> -> memref<10240x16xf32, #tpu.memory_space<vmem_shared>>
      tpu.wait_indirect_dma semaphore(%arg33 : memref<!tpu.dma_semaphore, #tpu.memory_space<semaphore_mem>>) src(%arg16 : memref<128x16xf32, #tpu.memory_space<vmem>>) dst(%dma_wait3A_536 : memref<10240x16xf32, #tpu.memory_space<vmem_shared>>)
      %add3A_537 = arith.constant 8 : i32
      %add3A_538 = arith.addi %mul3A_274, %add3A_537 : i32
      %add3A_539 = arith.constant 7 : i32
      %add3A_540 = arith.addi %add3A_538, %add3A_539 : i32
      %dma_start3A_541 = arith.constant 0 : i32
      %dma_start3A_542 = tpu.memref_slice %arg7[%add3A_540, %dma_start3A_541] : memref<80x128xi32, #tpu.memory_space<vmem>> -> memref<1x128xi32, #tpu.memory_space<vmem>>
      %dma_start3A_543 = tpu.memref_squeeze %dma_start3A_542 : memref<1x128xi32, #tpu.memory_space<vmem>> -> memref<128xi32, #tpu.memory_space<vmem>>
      %dma_start3A_544 = arith.constant 0 : i32
      %dma_start3A_545 = arith.constant 0 : i32
      %dma_start3A_546 = tpu.memref_slice %arg2[%dma_start3A_544, %dma_start3A_545] : memref<10000x16xf32, #tpu.memory_space<hbm>> -> memref<10000x16xf32, #tpu.memory_space<hbm>>
      tpu.enqueue_indirect_dma source(%dma_start3A_546 : memref<10000x16xf32, #tpu.memory_space<hbm>>) target(%arg16 : memref<128x16xf32, #tpu.memory_space<vmem>>) offsets(%dma_start3A_543 : memref<128xi32, #tpu.memory_space<vmem>>) semaphore(%arg25 : memref<!tpu.dma_semaphore, #tpu.memory_space<semaphore_mem>>)
    }
    %scan3A_94 = arith.constant 9 : i32
    %dma_wait3A_95 = arith.constant 72 : i32
    %dma_wait3A_96 = arith.constant 0 : i32
    %dma_wait3A_97 = tpu.memref_slice %arg7[%dma_wait3A_95, %dma_wait3A_96] : memref<80x128xi32, #tpu.memory_space<vmem>> -> memref<1x128xi32, #tpu.memory_space<vmem>>
    %dma_wait3A_98 = tpu.memref_squeeze %dma_wait3A_97 : memref<1x128xi32, #tpu.memory_space<vmem>> -> memref<128xi32, #tpu.memory_space<vmem>>
    %dma_wait3A_99 = arith.constant 0 : i32
    %dma_wait3A_100 = arith.constant 0 : i32
    %dma_wait3A_101 = tpu.memref_slice %arg2[%dma_wait3A_99, %dma_wait3A_100] : memref<10000x16xf32, #tpu.memory_space<hbm>> -> memref<10000x16xf32, #tpu.memory_space<hbm>>
    tpu.wait_indirect_dma semaphore(%arg18 : memref<!tpu.dma_semaphore, #tpu.memory_space<semaphore_mem>>) src(%dma_wait3A_101 : memref<10000x16xf32, #tpu.memory_space<hbm>>) dst(%arg9 : memref<128x16xf32, #tpu.memory_space<vmem>>)
    %dma_start3A_102 = arith.constant 72 : i32
    %dma_start3A_103 = arith.constant 0 : i32
    %dma_start3A_104 = tpu.memref_slice %arg8[%dma_start3A_102, %dma_start3A_103] : memref<80x128xi32, #tpu.memory_space<vmem>> -> memref<1x128xi32, #tpu.memory_space<vmem>>
    %dma_start3A_105 = tpu.memref_squeeze %dma_start3A_104 : memref<1x128xi32, #tpu.memory_space<vmem>> -> memref<128xi32, #tpu.memory_space<vmem>>
    %dma_start3A_106 = arith.constant 0 : i32
    %dma_start3A_107 = arith.constant 0 : i32
    %dma_start3A_108 = tpu.memref_slice %arg17[%dma_start3A_106, %dma_start3A_107] : memref<10240x16xf32, #tpu.memory_space<vmem_shared>> -> memref<10240x16xf32, #tpu.memory_space<vmem_shared>>
    tpu.enqueue_indirect_dma source(%arg9 : memref<128x16xf32, #tpu.memory_space<vmem>>) target(%dma_start3A_108 : memref<10240x16xf32, #tpu.memory_space<vmem_shared>>) offsets(%dma_start3A_105 : memref<128xi32, #tpu.memory_space<vmem>>) semaphore(%arg26 : memref<!tpu.dma_semaphore, #tpu.memory_space<semaphore_mem>>) {add = true}
    %dma_wait3A_109 = arith.constant 73 : i32
    %dma_wait3A_110 = arith.constant 0 : i32
    %dma_wait3A_111 = tpu.memref_slice %arg7[%dma_wait3A_109, %dma_wait3A_110] : memref<80x128xi32, #tpu.memory_space<vmem>> -> memref<1x128xi32, #tpu.memory_space<vmem>>
    %dma_wait3A_112 = tpu.memref_squeeze %dma_wait3A_111 : memref<1x128xi32, #tpu.memory_space<vmem>> -> memref<128xi32, #tpu.memory_space<vmem>>
    %dma_wait3A_113 = arith.constant 0 : i32
    %dma_wait3A_114 = arith.constant 0 : i32
    %dma_wait3A_115 = tpu.memref_slice %arg2[%dma_wait3A_113, %dma_wait3A_114] : memref<10000x16xf32, #tpu.memory_space<hbm>> -> memref<10000x16xf32, #tpu.memory_space<hbm>>
    tpu.wait_indirect_dma semaphore(%arg19 : memref<!tpu.dma_semaphore, #tpu.memory_space<semaphore_mem>>) src(%dma_wait3A_115 : memref<10000x16xf32, #tpu.memory_space<hbm>>) dst(%arg10 : memref<128x16xf32, #tpu.memory_space<vmem>>)
    %dma_start3A_116 = arith.constant 73 : i32
    %dma_start3A_117 = arith.constant 0 : i32
    %dma_start3A_118 = tpu.memref_slice %arg8[%dma_start3A_116, %dma_start3A_117] : memref<80x128xi32, #tpu.memory_space<vmem>> -> memref<1x128xi32, #tpu.memory_space<vmem>>
    %dma_start3A_119 = tpu.memref_squeeze %dma_start3A_118 : memref<1x128xi32, #tpu.memory_space<vmem>> -> memref<128xi32, #tpu.memory_space<vmem>>
    %dma_start3A_120 = arith.constant 0 : i32
    %dma_start3A_121 = arith.constant 0 : i32
    %dma_start3A_122 = tpu.memref_slice %arg17[%dma_start3A_120, %dma_start3A_121] : memref<10240x16xf32, #tpu.memory_space<vmem_shared>> -> memref<10240x16xf32, #tpu.memory_space<vmem_shared>>
    tpu.enqueue_indirect_dma source(%arg10 : memref<128x16xf32, #tpu.memory_space<vmem>>) target(%dma_start3A_122 : memref<10240x16xf32, #tpu.memory_space<vmem_shared>>) offsets(%dma_start3A_119 : memref<128xi32, #tpu.memory_space<vmem>>) semaphore(%arg27 : memref<!tpu.dma_semaphore, #tpu.memory_space<semaphore_mem>>) {add = true}
    %dma_wait3A_123 = arith.constant 74 : i32
    %dma_wait3A_124 = arith.constant 0 : i32
    %dma_wait3A_125 = tpu.memref_slice %arg7[%dma_wait3A_123, %dma_wait3A_124] : memref<80x128xi32, #tpu.memory_space<vmem>> -> memref<1x128xi32, #tpu.memory_space<vmem>>
    %dma_wait3A_126 = tpu.memref_squeeze %dma_wait3A_125 : memref<1x128xi32, #tpu.memory_space<vmem>> -> memref<128xi32, #tpu.memory_space<vmem>>
    %dma_wait3A_127 = arith.constant 0 : i32
    %dma_wait3A_128 = arith.constant 0 : i32
    %dma_wait3A_129 = tpu.memref_slice %arg2[%dma_wait3A_127, %dma_wait3A_128] : memref<10000x16xf32, #tpu.memory_space<hbm>> -> memref<10000x16xf32, #tpu.memory_space<hbm>>
    tpu.wait_indirect_dma semaphore(%arg20 : memref<!tpu.dma_semaphore, #tpu.memory_space<semaphore_mem>>) src(%dma_wait3A_129 : memref<10000x16xf32, #tpu.memory_space<hbm>>) dst(%arg11 : memref<128x16xf32, #tpu.memory_space<vmem>>)
    %dma_start3A_130 = arith.constant 74 : i32
    %dma_start3A_131 = arith.constant 0 : i32
    %dma_start3A_132 = tpu.memref_slice %arg8[%dma_start3A_130, %dma_start3A_131] : memref<80x128xi32, #tpu.memory_space<vmem>> -> memref<1x128xi32, #tpu.memory_space<vmem>>
    %dma_start3A_133 = tpu.memref_squeeze %dma_start3A_132 : memref<1x128xi32, #tpu.memory_space<vmem>> -> memref<128xi32, #tpu.memory_space<vmem>>
    %dma_start3A_134 = arith.constant 0 : i32
    %dma_start3A_135 = arith.constant 0 : i32
    %dma_start3A_136 = tpu.memref_slice %arg17[%dma_start3A_134, %dma_start3A_135] : memref<10240x16xf32, #tpu.memory_space<vmem_shared>> -> memref<10240x16xf32, #tpu.memory_space<vmem_shared>>
    tpu.enqueue_indirect_dma source(%arg11 : memref<128x16xf32, #tpu.memory_space<vmem>>) target(%dma_start3A_136 : memref<10240x16xf32, #tpu.memory_space<vmem_shared>>) offsets(%dma_start3A_133 : memref<128xi32, #tpu.memory_space<vmem>>) semaphore(%arg28 : memref<!tpu.dma_semaphore, #tpu.memory_space<semaphore_mem>>) {add = true}
    %dma_wait3A_137 = arith.constant 75 : i32
    %dma_wait3A_138 = arith.constant 0 : i32
    %dma_wait3A_139 = tpu.memref_slice %arg7[%dma_wait3A_137, %dma_wait3A_138] : memref<80x128xi32, #tpu.memory_space<vmem>> -> memref<1x128xi32, #tpu.memory_space<vmem>>
    %dma_wait3A_140 = tpu.memref_squeeze %dma_wait3A_139 : memref<1x128xi32, #tpu.memory_space<vmem>> -> memref<128xi32, #tpu.memory_space<vmem>>
    %dma_wait3A_141 = arith.constant 0 : i32
    %dma_wait3A_142 = arith.constant 0 : i32
    %dma_wait3A_143 = tpu.memref_slice %arg2[%dma_wait3A_141, %dma_wait3A_142] : memref<10000x16xf32, #tpu.memory_space<hbm>> -> memref<10000x16xf32, #tpu.memory_space<hbm>>
    tpu.wait_indirect_dma semaphore(%arg21 : memref<!tpu.dma_semaphore, #tpu.memory_space<semaphore_mem>>) src(%dma_wait3A_143 : memref<10000x16xf32, #tpu.memory_space<hbm>>) dst(%arg12 : memref<128x16xf32, #tpu.memory_space<vmem>>)
    %dma_start3A_144 = arith.constant 75 : i32
    %dma_start3A_145 = arith.constant 0 : i32
    %dma_start3A_146 = tpu.memref_slice %arg8[%dma_start3A_144, %dma_start3A_145] : memref<80x128xi32, #tpu.memory_space<vmem>> -> memref<1x128xi32, #tpu.memory_space<vmem>>
    %dma_start3A_147 = tpu.memref_squeeze %dma_start3A_146 : memref<1x128xi32, #tpu.memory_space<vmem>> -> memref<128xi32, #tpu.memory_space<vmem>>
    %dma_start3A_148 = arith.constant 0 : i32
    %dma_start3A_149 = arith.constant 0 : i32
    %dma_start3A_150 = tpu.memref_slice %arg17[%dma_start3A_148, %dma_start3A_149] : memref<10240x16xf32, #tpu.memory_space<vmem_shared>> -> memref<10240x16xf32, #tpu.memory_space<vmem_shared>>
    tpu.enqueue_indirect_dma source(%arg12 : memref<128x16xf32, #tpu.memory_space<vmem>>) target(%dma_start3A_150 : memref<10240x16xf32, #tpu.memory_space<vmem_shared>>) offsets(%dma_start3A_147 : memref<128xi32, #tpu.memory_space<vmem>>) semaphore(%arg29 : memref<!tpu.dma_semaphore, #tpu.memory_space<semaphore_mem>>) {add = true}
    %dma_wait3A_151 = arith.constant 76 : i32
    %dma_wait3A_152 = arith.constant 0 : i32
    %dma_wait3A_153 = tpu.memref_slice %arg7[%dma_wait3A_151, %dma_wait3A_152] : memref<80x128xi32, #tpu.memory_space<vmem>> -> memref<1x128xi32, #tpu.memory_space<vmem>>
    %dma_wait3A_154 = tpu.memref_squeeze %dma_wait3A_153 : memref<1x128xi32, #tpu.memory_space<vmem>> -> memref<128xi32, #tpu.memory_space<vmem>>
    %dma_wait3A_155 = arith.constant 0 : i32
    %dma_wait3A_156 = arith.constant 0 : i32
    %dma_wait3A_157 = tpu.memref_slice %arg2[%dma_wait3A_155, %dma_wait3A_156] : memref<10000x16xf32, #tpu.memory_space<hbm>> -> memref<10000x16xf32, #tpu.memory_space<hbm>>
    tpu.wait_indirect_dma semaphore(%arg22 : memref<!tpu.dma_semaphore, #tpu.memory_space<semaphore_mem>>) src(%dma_wait3A_157 : memref<10000x16xf32, #tpu.memory_space<hbm>>) dst(%arg13 : memref<128x16xf32, #tpu.memory_space<vmem>>)
    %dma_start3A_158 = arith.constant 76 : i32
    %dma_start3A_159 = arith.constant 0 : i32
    %dma_start3A_160 = tpu.memref_slice %arg8[%dma_start3A_158, %dma_start3A_159] : memref<80x128xi32, #tpu.memory_space<vmem>> -> memref<1x128xi32, #tpu.memory_space<vmem>>
    %dma_start3A_161 = tpu.memref_squeeze %dma_start3A_160 : memref<1x128xi32, #tpu.memory_space<vmem>> -> memref<128xi32, #tpu.memory_space<vmem>>
    %dma_start3A_162 = arith.constant 0 : i32
    %dma_start3A_163 = arith.constant 0 : i32
    %dma_start3A_164 = tpu.memref_slice %arg17[%dma_start3A_162, %dma_start3A_163] : memref<10240x16xf32, #tpu.memory_space<vmem_shared>> -> memref<10240x16xf32, #tpu.memory_space<vmem_shared>>
    tpu.enqueue_indirect_dma source(%arg13 : memref<128x16xf32, #tpu.memory_space<vmem>>) target(%dma_start3A_164 : memref<10240x16xf32, #tpu.memory_space<vmem_shared>>) offsets(%dma_start3A_161 : memref<128xi32, #tpu.memory_space<vmem>>) semaphore(%arg30 : memref<!tpu.dma_semaphore, #tpu.memory_space<semaphore_mem>>) {add = true}
    %dma_wait3A_165 = arith.constant 77 : i32
    %dma_wait3A_166 = arith.constant 0 : i32
    %dma_wait3A_167 = tpu.memref_slice %arg7[%dma_wait3A_165, %dma_wait3A_166] : memref<80x128xi32, #tpu.memory_space<vmem>> -> memref<1x128xi32, #tpu.memory_space<vmem>>
    %dma_wait3A_168 = tpu.memref_squeeze %dma_wait3A_167 : memref<1x128xi32, #tpu.memory_space<vmem>> -> memref<128xi32, #tpu.memory_space<vmem>>
    %dma_wait3A_169 = arith.constant 0 : i32
    %dma_wait3A_170 = arith.constant 0 : i32
    %dma_wait3A_171 = tpu.memref_slice %arg2[%dma_wait3A_169, %dma_wait3A_170] : memref<10000x16xf32, #tpu.memory_space<hbm>> -> memref<10000x16xf32, #tpu.memory_space<hbm>>
    tpu.wait_indirect_dma semaphore(%arg23 : memref<!tpu.dma_semaphore, #tpu.memory_space<semaphore_mem>>) src(%dma_wait3A_171 : memref<10000x16xf32, #tpu.memory_space<hbm>>) dst(%arg14 : memref<128x16xf32, #tpu.memory_space<vmem>>)
    %dma_start3A_172 = arith.constant 77 : i32
    %dma_start3A_173 = arith.constant 0 : i32
    %dma_start3A_174 = tpu.memref_slice %arg8[%dma_start3A_172, %dma_start3A_173] : memref<80x128xi32, #tpu.memory_space<vmem>> -> memref<1x128xi32, #tpu.memory_space<vmem>>
    %dma_start3A_175 = tpu.memref_squeeze %dma_start3A_174 : memref<1x128xi32, #tpu.memory_space<vmem>> -> memref<128xi32, #tpu.memory_space<vmem>>
    %dma_start3A_176 = arith.constant 0 : i32
    %dma_start3A_177 = arith.constant 0 : i32
    %dma_start3A_178 = tpu.memref_slice %arg17[%dma_start3A_176, %dma_start3A_177] : memref<10240x16xf32, #tpu.memory_space<vmem_shared>> -> memref<10240x16xf32, #tpu.memory_space<vmem_shared>>
    tpu.enqueue_indirect_dma source(%arg14 : memref<128x16xf32, #tpu.memory_space<vmem>>) target(%dma_start3A_178 : memref<10240x16xf32, #tpu.memory_space<vmem_shared>>) offsets(%dma_start3A_175 : memref<128xi32, #tpu.memory_space<vmem>>) semaphore(%arg31 : memref<!tpu.dma_semaphore, #tpu.memory_space<semaphore_mem>>) {add = true}
    %dma_wait3A_179 = arith.constant 78 : i32
    %dma_wait3A_180 = arith.constant 0 : i32
    %dma_wait3A_181 = tpu.memref_slice %arg7[%dma_wait3A_179, %dma_wait3A_180] : memref<80x128xi32, #tpu.memory_space<vmem>> -> memref<1x128xi32, #tpu.memory_space<vmem>>
    %dma_wait3A_182 = tpu.memref_squeeze %dma_wait3A_181 : memref<1x128xi32, #tpu.memory_space<vmem>> -> memref<128xi32, #tpu.memory_space<vmem>>
    %dma_wait3A_183 = arith.constant 0 : i32
    %dma_wait3A_184 = arith.constant 0 : i32
    %dma_wait3A_185 = tpu.memref_slice %arg2[%dma_wait3A_183, %dma_wait3A_184] : memref<10000x16xf32, #tpu.memory_space<hbm>> -> memref<10000x16xf32, #tpu.memory_space<hbm>>
    tpu.wait_indirect_dma semaphore(%arg24 : memref<!tpu.dma_semaphore, #tpu.memory_space<semaphore_mem>>) src(%dma_wait3A_185 : memref<10000x16xf32, #tpu.memory_space<hbm>>) dst(%arg15 : memref<128x16xf32, #tpu.memory_space<vmem>>)
    %dma_start3A_186 = arith.constant 78 : i32
    %dma_start3A_187 = arith.constant 0 : i32
    %dma_start3A_188 = tpu.memref_slice %arg8[%dma_start3A_186, %dma_start3A_187] : memref<80x128xi32, #tpu.memory_space<vmem>> -> memref<1x128xi32, #tpu.memory_space<vmem>>
    %dma_start3A_189 = tpu.memref_squeeze %dma_start3A_188 : memref<1x128xi32, #tpu.memory_space<vmem>> -> memref<128xi32, #tpu.memory_space<vmem>>
    %dma_start3A_190 = arith.constant 0 : i32
    %dma_start3A_191 = arith.constant 0 : i32
    %dma_start3A_192 = tpu.memref_slice %arg17[%dma_start3A_190, %dma_start3A_191] : memref<10240x16xf32, #tpu.memory_space<vmem_shared>> -> memref<10240x16xf32, #tpu.memory_space<vmem_shared>>
    tpu.enqueue_indirect_dma source(%arg15 : memref<128x16xf32, #tpu.memory_space<vmem>>) target(%dma_start3A_192 : memref<10240x16xf32, #tpu.memory_space<vmem_shared>>) offsets(%dma_start3A_189 : memref<128xi32, #tpu.memory_space<vmem>>) semaphore(%arg32 : memref<!tpu.dma_semaphore, #tpu.memory_space<semaphore_mem>>) {add = true}
    %dma_wait3A_193 = arith.constant 79 : i32
    %dma_wait3A_194 = arith.constant 0 : i32
    %dma_wait3A_195 = tpu.memref_slice %arg7[%dma_wait3A_193, %dma_wait3A_194] : memref<80x128xi32, #tpu.memory_space<vmem>> -> memref<1x128xi32, #tpu.memory_space<vmem>>
    %dma_wait3A_196 = tpu.memref_squeeze %dma_wait3A_195 : memref<1x128xi32, #tpu.memory_space<vmem>> -> memref<128xi32, #tpu.memory_space<vmem>>
    %dma_wait3A_197 = arith.constant 0 : i32
    %dma_wait3A_198 = arith.constant 0 : i32
    %dma_wait3A_199 = tpu.memref_slice %arg2[%dma_wait3A_197, %dma_wait3A_198] : memref<10000x16xf32, #tpu.memory_space<hbm>> -> memref<10000x16xf32, #tpu.memory_space<hbm>>
    tpu.wait_indirect_dma semaphore(%arg25 : memref<!tpu.dma_semaphore, #tpu.memory_space<semaphore_mem>>) src(%dma_wait3A_199 : memref<10000x16xf32, #tpu.memory_space<hbm>>) dst(%arg16 : memref<128x16xf32, #tpu.memory_space<vmem>>)
    %dma_start3A_200 = arith.constant 79 : i32
    %dma_start3A_201 = arith.constant 0 : i32
    %dma_start3A_202 = tpu.memref_slice %arg8[%dma_start3A_200, %dma_start3A_201] : memref<80x128xi32, #tpu.memory_space<vmem>> -> memref<1x128xi32, #tpu.memory_space<vmem>>
    %dma_start3A_203 = tpu.memref_squeeze %dma_start3A_202 : memref<1x128xi32, #tpu.memory_space<vmem>> -> memref<128xi32, #tpu.memory_space<vmem>>
    %dma_start3A_204 = arith.constant 0 : i32
    %dma_start3A_205 = arith.constant 0 : i32
    %dma_start3A_206 = tpu.memref_slice %arg17[%dma_start3A_204, %dma_start3A_205] : memref<10240x16xf32, #tpu.memory_space<vmem_shared>> -> memref<10240x16xf32, #tpu.memory_space<vmem_shared>>
    tpu.enqueue_indirect_dma source(%arg16 : memref<128x16xf32, #tpu.memory_space<vmem>>) target(%dma_start3A_206 : memref<10240x16xf32, #tpu.memory_space<vmem_shared>>) offsets(%dma_start3A_203 : memref<128xi32, #tpu.memory_space<vmem>>) semaphore(%arg33 : memref<!tpu.dma_semaphore, #tpu.memory_space<semaphore_mem>>) {add = true}
    %dma_wait3A_207 = arith.constant 72 : i32
    %dma_wait3A_208 = arith.constant 0 : i32
    %dma_wait3A_209 = tpu.memref_slice %arg8[%dma_wait3A_207, %dma_wait3A_208] : memref<80x128xi32, #tpu.memory_space<vmem>> -> memref<1x128xi32, #tpu.memory_space<vmem>>
    %dma_wait3A_210 = tpu.memref_squeeze %dma_wait3A_209 : memref<1x128xi32, #tpu.memory_space<vmem>> -> memref<128xi32, #tpu.memory_space<vmem>>
    %dma_wait3A_211 = arith.constant 0 : i32
    %dma_wait3A_212 = arith.constant 0 : i32
    %dma_wait3A_213 = tpu.memref_slice %arg17[%dma_wait3A_211, %dma_wait3A_212] : memref<10240x16xf32, #tpu.memory_space<vmem_shared>> -> memref<10240x16xf32, #tpu.memory_space<vmem_shared>>
    tpu.wait_indirect_dma semaphore(%arg26 : memref<!tpu.dma_semaphore, #tpu.memory_space<semaphore_mem>>) src(%arg9 : memref<128x16xf32, #tpu.memory_space<vmem>>) dst(%dma_wait3A_213 : memref<10240x16xf32, #tpu.memory_space<vmem_shared>>)
    %dma_wait3A_214 = arith.constant 73 : i32
    %dma_wait3A_215 = arith.constant 0 : i32
    %dma_wait3A_216 = tpu.memref_slice %arg8[%dma_wait3A_214, %dma_wait3A_215] : memref<80x128xi32, #tpu.memory_space<vmem>> -> memref<1x128xi32, #tpu.memory_space<vmem>>
    %dma_wait3A_217 = tpu.memref_squeeze %dma_wait3A_216 : memref<1x128xi32, #tpu.memory_space<vmem>> -> memref<128xi32, #tpu.memory_space<vmem>>
    %dma_wait3A_218 = arith.constant 0 : i32
    %dma_wait3A_219 = arith.constant 0 : i32
    %dma_wait3A_220 = tpu.memref_slice %arg17[%dma_wait3A_218, %dma_wait3A_219] : memref<10240x16xf32, #tpu.memory_space<vmem_shared>> -> memref<10240x16xf32, #tpu.memory_space<vmem_shared>>
    tpu.wait_indirect_dma semaphore(%arg27 : memref<!tpu.dma_semaphore, #tpu.memory_space<semaphore_mem>>) src(%arg10 : memref<128x16xf32, #tpu.memory_space<vmem>>) dst(%dma_wait3A_220 : memref<10240x16xf32, #tpu.memory_space<vmem_shared>>)
    %dma_wait3A_221 = arith.constant 74 : i32
    %dma_wait3A_222 = arith.constant 0 : i32
    %dma_wait3A_223 = tpu.memref_slice %arg8[%dma_wait3A_221, %dma_wait3A_222] : memref<80x128xi32, #tpu.memory_space<vmem>> -> memref<1x128xi32, #tpu.memory_space<vmem>>
    %dma_wait3A_224 = tpu.memref_squeeze %dma_wait3A_223 : memref<1x128xi32, #tpu.memory_space<vmem>> -> memref<128xi32, #tpu.memory_space<vmem>>
    %dma_wait3A_225 = arith.constant 0 : i32
    %dma_wait3A_226 = arith.constant 0 : i32
    %dma_wait3A_227 = tpu.memref_slice %arg17[%dma_wait3A_225, %dma_wait3A_226] : memref<10240x16xf32, #tpu.memory_space<vmem_shared>> -> memref<10240x16xf32, #tpu.memory_space<vmem_shared>>
    tpu.wait_indirect_dma semaphore(%arg28 : memref<!tpu.dma_semaphore, #tpu.memory_space<semaphore_mem>>) src(%arg11 : memref<128x16xf32, #tpu.memory_space<vmem>>) dst(%dma_wait3A_227 : memref<10240x16xf32, #tpu.memory_space<vmem_shared>>)
    %dma_wait3A_228 = arith.constant 75 : i32
    %dma_wait3A_229 = arith.constant 0 : i32
    %dma_wait3A_230 = tpu.memref_slice %arg8[%dma_wait3A_228, %dma_wait3A_229] : memref<80x128xi32, #tpu.memory_space<vmem>> -> memref<1x128xi32, #tpu.memory_space<vmem>>
    %dma_wait3A_231 = tpu.memref_squeeze %dma_wait3A_230 : memref<1x128xi32, #tpu.memory_space<vmem>> -> memref<128xi32, #tpu.memory_space<vmem>>
    %dma_wait3A_232 = arith.constant 0 : i32
    %dma_wait3A_233 = arith.constant 0 : i32
    %dma_wait3A_234 = tpu.memref_slice %arg17[%dma_wait3A_232, %dma_wait3A_233] : memref<10240x16xf32, #tpu.memory_space<vmem_shared>> -> memref<10240x16xf32, #tpu.memory_space<vmem_shared>>
    tpu.wait_indirect_dma semaphore(%arg29 : memref<!tpu.dma_semaphore, #tpu.memory_space<semaphore_mem>>) src(%arg12 : memref<128x16xf32, #tpu.memory_space<vmem>>) dst(%dma_wait3A_234 : memref<10240x16xf32, #tpu.memory_space<vmem_shared>>)
    %dma_wait3A_235 = arith.constant 76 : i32
    %dma_wait3A_236 = arith.constant 0 : i32
    %dma_wait3A_237 = tpu.memref_slice %arg8[%dma_wait3A_235, %dma_wait3A_236] : memref<80x128xi32, #tpu.memory_space<vmem>> -> memref<1x128xi32, #tpu.memory_space<vmem>>
    %dma_wait3A_238 = tpu.memref_squeeze %dma_wait3A_237 : memref<1x128xi32, #tpu.memory_space<vmem>> -> memref<128xi32, #tpu.memory_space<vmem>>
    %dma_wait3A_239 = arith.constant 0 : i32
    %dma_wait3A_240 = arith.constant 0 : i32
    %dma_wait3A_241 = tpu.memref_slice %arg17[%dma_wait3A_239, %dma_wait3A_240] : memref<10240x16xf32, #tpu.memory_space<vmem_shared>> -> memref<10240x16xf32, #tpu.memory_space<vmem_shared>>
    tpu.wait_indirect_dma semaphore(%arg30 : memref<!tpu.dma_semaphore, #tpu.memory_space<semaphore_mem>>) src(%arg13 : memref<128x16xf32, #tpu.memory_space<vmem>>) dst(%dma_wait3A_241 : memref<10240x16xf32, #tpu.memory_space<vmem_shared>>)
    %dma_wait3A_242 = arith.constant 77 : i32
    %dma_wait3A_243 = arith.constant 0 : i32
    %dma_wait3A_244 = tpu.memref_slice %arg8[%dma_wait3A_242, %dma_wait3A_243] : memref<80x128xi32, #tpu.memory_space<vmem>> -> memref<1x128xi32, #tpu.memory_space<vmem>>
    %dma_wait3A_245 = tpu.memref_squeeze %dma_wait3A_244 : memref<1x128xi32, #tpu.memory_space<vmem>> -> memref<128xi32, #tpu.memory_space<vmem>>
    %dma_wait3A_246 = arith.constant 0 : i32
    %dma_wait3A_247 = arith.constant 0 : i32
    %dma_wait3A_248 = tpu.memref_slice %arg17[%dma_wait3A_246, %dma_wait3A_247] : memref<10240x16xf32, #tpu.memory_space<vmem_shared>> -> memref<10240x16xf32, #tpu.memory_space<vmem_shared>>
    tpu.wait_indirect_dma semaphore(%arg31 : memref<!tpu.dma_semaphore, #tpu.memory_space<semaphore_mem>>) src(%arg14 : memref<128x16xf32, #tpu.memory_space<vmem>>) dst(%dma_wait3A_248 : memref<10240x16xf32, #tpu.memory_space<vmem_shared>>)
    %dma_wait3A_249 = arith.constant 78 : i32
    %dma_wait3A_250 = arith.constant 0 : i32
    %dma_wait3A_251 = tpu.memref_slice %arg8[%dma_wait3A_249, %dma_wait3A_250] : memref<80x128xi32, #tpu.memory_space<vmem>> -> memref<1x128xi32, #tpu.memory_space<vmem>>
    %dma_wait3A_252 = tpu.memref_squeeze %dma_wait3A_251 : memref<1x128xi32, #tpu.memory_space<vmem>> -> memref<128xi32, #tpu.memory_space<vmem>>
    %dma_wait3A_253 = arith.constant 0 : i32
    %dma_wait3A_254 = arith.constant 0 : i32
    %dma_wait3A_255 = tpu.memref_slice %arg17[%dma_wait3A_253, %dma_wait3A_254] : memref<10240x16xf32, #tpu.memory_space<vmem_shared>> -> memref<10240x16xf32, #tpu.memory_space<vmem_shared>>
    tpu.wait_indirect_dma semaphore(%arg32 : memref<!tpu.dma_semaphore, #tpu.memory_space<semaphore_mem>>) src(%arg15 : memref<128x16xf32, #tpu.memory_space<vmem>>) dst(%dma_wait3A_255 : memref<10240x16xf32, #tpu.memory_space<vmem_shared>>)
    %dma_wait3A_256 = arith.constant 79 : i32
    %dma_wait3A_257 = arith.constant 0 : i32
    %dma_wait3A_258 = tpu.memref_slice %arg8[%dma_wait3A_256, %dma_wait3A_257] : memref<80x128xi32, #tpu.memory_space<vmem>> -> memref<1x128xi32, #tpu.memory_space<vmem>>
    %dma_wait3A_259 = tpu.memref_squeeze %dma_wait3A_258 : memref<1x128xi32, #tpu.memory_space<vmem>> -> memref<128xi32, #tpu.memory_space<vmem>>
    %dma_wait3A_260 = arith.constant 0 : i32
    %dma_wait3A_261 = arith.constant 0 : i32
    %dma_wait3A_262 = tpu.memref_slice %arg17[%dma_wait3A_260, %dma_wait3A_261] : memref<10240x16xf32, #tpu.memory_space<vmem_shared>> -> memref<10240x16xf32, #tpu.memory_space<vmem_shared>>
    tpu.wait_indirect_dma semaphore(%arg33 : memref<!tpu.dma_semaphore, #tpu.memory_space<semaphore_mem>>) src(%arg16 : memref<128x16xf32, #tpu.memory_space<vmem>>) dst(%dma_wait3A_262 : memref<10240x16xf32, #tpu.memory_space<vmem_shared>>)
    %barrier3A_263 = arith.constant 0 : index
    tpu.barrier barrier_id(%barrier3A_263)
    %mul3A_264 = arith.constant 640 : i32
    %mul3A_265 = arith.muli %arg1, %mul3A_264 : i32
    %mul3A_266 = arith.constant 640 : i32
    %mul3A_267 = arith.muli %arg1, %mul3A_266 : i32
    "tpu.region"() ({
      %run_scoped3A = tpu.sem_alloc : memref<!tpu.dma_semaphore, #tpu.memory_space<semaphore_mem>>
      %dma_start3A_268 = arith.constant 0 : i32
      %dma_start3A_269 = tpu.memref_slice %arg6[%arg0, %mul3A_267, %dma_start3A_268] : memref<2x10240x16xf32, #tpu.memory_space<hbm>> -> memref<1x640x16xf32, #tpu.memory_space<hbm>>
      %dma_start3A_270 = tpu.memref_squeeze %dma_start3A_269 : memref<1x640x16xf32, #tpu.memory_space<hbm>> -> memref<640x16xf32, #tpu.memory_space<hbm>>
      %dma_start3A_271 = arith.constant 0 : i32
      %dma_start3A_272 = tpu.memref_slice %arg17[%mul3A_265, %dma_start3A_271] : memref<10240x16xf32, #tpu.memory_space<vmem_shared>> -> memref<640x16xf32, #tpu.memory_space<vmem_shared>>
      tpu.enqueue_dma source(%dma_start3A_272 : memref<640x16xf32, #tpu.memory_space<vmem_shared>>) target(%dma_start3A_270 : memref<640x16xf32, #tpu.memory_space<hbm>>) target_semaphore(%run_scoped3A : memref<!tpu.dma_semaphore, #tpu.memory_space<semaphore_mem>>)
      %dma_wait3A_273 = arith.constant 0 : i32
      %dma_wait3A_274 = tpu.memref_slice %arg6[%arg0, %mul3A_267, %dma_wait3A_273] : memref<2x10240x16xf32, #tpu.memory_space<hbm>> -> memref<1x640x16xf32, #tpu.memory_space<hbm>>
      %dma_wait3A_275 = tpu.memref_squeeze %dma_wait3A_274 : memref<1x640x16xf32, #tpu.memory_space<hbm>> -> memref<640x16xf32, #tpu.memory_space<hbm>>
      %dma_wait3A_276 = arith.constant 0 : i32
      %dma_wait3A_277 = tpu.memref_slice %arg17[%mul3A_265, %dma_wait3A_276] : memref<10240x16xf32, #tpu.memory_space<vmem_shared>> -> memref<640x16xf32, #tpu.memory_space<vmem_shared>>
      tpu.wait_dma2 semaphore(%run_scoped3A : memref<!tpu.dma_semaphore, #tpu.memory_space<semaphore_mem>>) src(%dma_wait3A_277 : memref<640x16xf32, #tpu.memory_space<vmem_shared>>) dst(%dma_wait3A_275 : memref<640x16xf32, #tpu.memory_space<hbm>>)
      tpu.yield
    }) : () -> ()
    return
  }
}

module attributes {stable_mosaic.version = 14 : i64} {
  func.func @body(%arg0: memref<10000x128xf32, #tpu.memory_space<vmem>>, %arg1: memref<128x32xf32, #tpu.memory_space<vmem>>, %arg2: memref<10000x2xf32, #tpu.memory_space<vmem>>, %arg3: memref<10000x32xf32, #tpu.memory_space<any>>, %arg4: memref<10000x1xf32, #tpu.memory_space<vmem>>, %arg5: memref<10000x32xf32, #tpu.memory_space<vmem>>) attributes {dimension_semantics = [], scalar_prefetch = 0 : i64, scratch_operands = 1 : i64, tpu.core_type = #tpu.core_type<tc>} {
    %get3A = arith.constant 0 : index
    %get3A_0 = arith.constant 0 : index
    %get3A_1 = vector.load %arg2[%get3A, %get3A_0] : memref<10000x2xf32, #tpu.memory_space<vmem>>, vector<10000x1xf32>
    %add3A = arith.constant 1.000000e+00 : f32
    %add3A_2 = vector.broadcast %add3A : f32 to vector<10000x1xf32>
    %add3A_3 = arith.addf %add3A_2, %get3A_1 : vector<10000x1xf32>
    %get3A_4 = arith.constant 0 : index
    %get3A_5 = arith.constant 1 : index
    %get3A_6 = vector.load %arg2[%get3A_4, %get3A_5] : memref<10000x2xf32, #tpu.memory_space<vmem>>, vector<10000x1xf32>
    %add3A_7 = arith.addf %add3A_3, %get3A_6 : vector<10000x1xf32>
    %rsqrt3A = math.rsqrt %add3A_7 : vector<10000x1xf32>
    %get3A_8 = arith.constant 0 : index
    %get3A_9 = arith.constant 0 : index
    %get3A_10 = vector.load %arg0[%get3A_8, %get3A_9] : memref<10000x128xf32, #tpu.memory_space<vmem>>, vector<10000x128xf32>
    %get3A_11 = arith.constant 0 : index
    %get3A_12 = arith.constant 0 : index
    %get3A_13 = vector.load %arg1[%get3A_11, %get3A_12] : memref<128x32xf32, #tpu.memory_space<vmem>>, vector<128x32xf32>
    %dot_general3A = arith.constant dense<0.000000e+00> : vector<10000x32xf32>
    %dot_general3A_14 = tpu.matmul %get3A_10, %get3A_13, %dot_general3A {dimension_numbers = #tpu.dot_dimension_numbers<[1], [0], [0], [1], [0, 0, 1, 1], [], []>, transpose_lhs_hint = false} : vector<10000x128xf32>, vector<128x32xf32>, vector<10000x32xf32> -> vector<10000x32xf32>
    %mul3A = vector.broadcast %rsqrt3A : vector<10000x1xf32> to vector<10000x32xf32>
    %mul3A_15 = arith.mulf %mul3A, %dot_general3A_14 : vector<10000x32xf32>
    %swap3A = arith.constant 0 : index
    %swap3A_16 = arith.constant 0 : index
    %swap3A_17 = vector.load %arg5[%swap3A, %swap3A_16] : memref<10000x32xf32, #tpu.memory_space<vmem>>, vector<10000x32xf32>
    tpu.vector_store %arg5[%swap3A, %swap3A_16], %mul3A_15 {strides = array<i32>} : memref<10000x32xf32, #tpu.memory_space<vmem>>, vector<10000x32xf32>,
    %swap3A_18 = arith.constant 0 : index
    %swap3A_19 = arith.constant 0 : index
    %swap3A_20 = vector.load %arg4[%swap3A_18, %swap3A_19] : memref<10000x1xf32, #tpu.memory_space<vmem>>, vector<10000x1xf32>
    tpu.vector_store %arg4[%swap3A_18, %swap3A_19], %rsqrt3A {strides = array<i32>} : memref<10000x1xf32, #tpu.memory_space<vmem>>, vector<10000x1xf32>,
    "tpu.region"() ({
      %run_scoped3A = tpu.sem_alloc : memref<!tpu.dma_semaphore, #tpu.memory_space<semaphore_mem>>
      tpu.enqueue_dma source(%arg5 : memref<10000x32xf32, #tpu.memory_space<vmem>>) target(%arg3 : memref<10000x32xf32, #tpu.memory_space<any>>) target_semaphore(%run_scoped3A : memref<!tpu.dma_semaphore, #tpu.memory_space<semaphore_mem>>)
      tpu.wait_dma2 semaphore(%run_scoped3A : memref<!tpu.dma_semaphore, #tpu.memory_space<semaphore_mem>>) src(%arg5 : memref<10000x32xf32, #tpu.memory_space<vmem>>) dst(%arg3 : memref<10000x32xf32, #tpu.memory_space<any>>)
      tpu.yield
    }) : () -> ()
    return
  }
}

module attributes {stable_mosaic.version = 14 : i64} {
  func.func @body(%arg0: memref<2x10240x32xf32, #tpu.memory_space<any>>, %arg1: memref<10000x32xf32, #tpu.memory_space<any>>, %arg2: memref<10000x1xf32, #tpu.memory_space<vmem>>, %arg3: memref<32x16xf32, #tpu.memory_space<vmem>>, %arg4: memref<1x32xf32, #tpu.memory_space<vmem>>, %arg5: memref<10000x16xf32, #tpu.memory_space<any>>, %arg6: memref<2x10240x32xf32, #tpu.memory_space<vmem>>, %arg7: memref<10000x32xf32, #tpu.memory_space<vmem>>, %arg8: memref<10000x16xf32, #tpu.memory_space<vmem>>) attributes {dimension_semantics = [], scalar_prefetch = 0 : i64, scratch_operands = 3 : i64, tpu.core_type = #tpu.core_type<tc>} {
    "tpu.region"() ({
      %run_scoped3A = tpu.sem_alloc : memref<!tpu.dma_semaphore, #tpu.memory_space<semaphore_mem>>
      tpu.enqueue_dma source(%arg0 : memref<2x10240x32xf32, #tpu.memory_space<any>>) target(%arg6 : memref<2x10240x32xf32, #tpu.memory_space<vmem>>) target_semaphore(%run_scoped3A : memref<!tpu.dma_semaphore, #tpu.memory_space<semaphore_mem>>)
      tpu.wait_dma2 semaphore(%run_scoped3A : memref<!tpu.dma_semaphore, #tpu.memory_space<semaphore_mem>>) src(%arg0 : memref<2x10240x32xf32, #tpu.memory_space<any>>) dst(%arg6 : memref<2x10240x32xf32, #tpu.memory_space<vmem>>)
      tpu.yield
    }) : () -> ()
    "tpu.region"() ({
      %run_scoped3A = tpu.sem_alloc : memref<!tpu.dma_semaphore, #tpu.memory_space<semaphore_mem>>
      tpu.enqueue_dma source(%arg1 : memref<10000x32xf32, #tpu.memory_space<any>>) target(%arg7 : memref<10000x32xf32, #tpu.memory_space<vmem>>) target_semaphore(%run_scoped3A : memref<!tpu.dma_semaphore, #tpu.memory_space<semaphore_mem>>)
      tpu.wait_dma2 semaphore(%run_scoped3A : memref<!tpu.dma_semaphore, #tpu.memory_space<semaphore_mem>>) src(%arg1 : memref<10000x32xf32, #tpu.memory_space<any>>) dst(%arg7 : memref<10000x32xf32, #tpu.memory_space<vmem>>)
      tpu.yield
    }) : () -> ()
    %get3A = arith.constant 0 : index
    %get3A_0 = arith.constant 0 : index
    %get3A_1 = arith.constant 0 : index
    %get3A_2 = vector.load %arg6[%get3A, %get3A_0, %get3A_1] : memref<2x10240x32xf32, #tpu.memory_space<vmem>>, vector<1x10000x32xf32>
    %get3A_3 = vector.shape_cast %get3A_2 : vector<1x10000x32xf32> to vector<10000x32xf32>
    %get3A_4 = arith.constant 1 : index
    %get3A_5 = arith.constant 0 : index
    %get3A_6 = arith.constant 0 : index
    %get3A_7 = vector.load %arg6[%get3A_4, %get3A_5, %get3A_6] : memref<2x10240x32xf32, #tpu.memory_space<vmem>>, vector<1x10000x32xf32>
    %get3A_8 = vector.shape_cast %get3A_7 : vector<1x10000x32xf32> to vector<10000x32xf32>
    %add3A = arith.addf %get3A_3, %get3A_8 : vector<10000x32xf32>
    %get3A_9 = arith.constant 0 : index
    %get3A_10 = arith.constant 0 : index
    %get3A_11 = vector.load %arg7[%get3A_9, %get3A_10] : memref<10000x32xf32, #tpu.memory_space<vmem>>, vector<10000x32xf32>
    %add3A_12 = arith.addf %add3A, %get3A_11 : vector<10000x32xf32>
    %get3A_13 = arith.constant 0 : index
    %get3A_14 = arith.constant 0 : index
    %get3A_15 = vector.load %arg2[%get3A_13, %get3A_14] : memref<10000x1xf32, #tpu.memory_space<vmem>>, vector<10000x1xf32>
    %mul3A = vector.broadcast %get3A_15 : vector<10000x1xf32> to vector<10000x32xf32>
    %mul3A_16 = arith.mulf %mul3A, %add3A_12 : vector<10000x32xf32>
    %get3A_17 = arith.constant 0 : index
    %get3A_18 = arith.constant 0 : index
    %get3A_19 = vector.load %arg4[%get3A_17, %get3A_18] : memref<1x32xf32, #tpu.memory_space<vmem>>, vector<1x32xf32>
    %add3A_20 = vector.broadcast %get3A_19 : vector<1x32xf32> to vector<10000x32xf32>
    %add3A_21 = arith.addf %mul3A_16, %add3A_20 : vector<10000x32xf32>
    %max3A = arith.constant 0.000000e+00 : f32
    %max3A_22 = vector.broadcast %max3A : f32 to vector<10000x32xf32>
    %max3A_23 = arith.maximumf %add3A_21, %max3A_22 : vector<10000x32xf32>
    %get3A_24 = arith.constant 0 : index
    %get3A_25 = arith.constant 0 : index
    %get3A_26 = vector.load %arg3[%get3A_24, %get3A_25] : memref<32x16xf32, #tpu.memory_space<vmem>>, vector<32x16xf32>
    %dot_general3A = arith.constant dense<0.000000e+00> : vector<10000x16xf32>
    %dot_general3A_27 = tpu.matmul %max3A_23, %get3A_26, %dot_general3A {dimension_numbers = #tpu.dot_dimension_numbers<[1], [0], [0], [1], [0, 0, 1, 1], [], []>, transpose_lhs_hint = false} : vector<10000x32xf32>, vector<32x16xf32>, vector<10000x16xf32> -> vector<10000x16xf32>
    %get3A_28 = arith.constant 0 : index
    %get3A_29 = arith.constant 0 : index
    %get3A_30 = vector.load %arg2[%get3A_28, %get3A_29] : memref<10000x1xf32, #tpu.memory_space<vmem>>, vector<10000x1xf32>
    %mul3A_31 = vector.broadcast %get3A_30 : vector<10000x1xf32> to vector<10000x16xf32>
    %mul3A_32 = arith.mulf %mul3A_31, %dot_general3A_27 : vector<10000x16xf32>
    %swap3A = arith.constant 0 : index
    %swap3A_33 = arith.constant 0 : index
    %swap3A_34 = vector.load %arg8[%swap3A, %swap3A_33] : memref<10000x16xf32, #tpu.memory_space<vmem>>, vector<10000x16xf32>
    tpu.vector_store %arg8[%swap3A, %swap3A_33], %mul3A_32 {strides = array<i32>} : memref<10000x16xf32, #tpu.memory_space<vmem>>, vector<10000x16xf32>,
    "tpu.region"() ({
      %run_scoped3A = tpu.sem_alloc : memref<!tpu.dma_semaphore, #tpu.memory_space<semaphore_mem>>
      tpu.enqueue_dma source(%arg8 : memref<10000x16xf32, #tpu.memory_space<vmem>>) target(%arg5 : memref<10000x16xf32, #tpu.memory_space<any>>) target_semaphore(%run_scoped3A : memref<!tpu.dma_semaphore, #tpu.memory_space<semaphore_mem>>)
      tpu.wait_dma2 semaphore(%run_scoped3A : memref<!tpu.dma_semaphore, #tpu.memory_space<semaphore_mem>>) src(%arg8 : memref<10000x16xf32, #tpu.memory_space<vmem>>) dst(%arg5 : memref<10000x16xf32, #tpu.memory_space<any>>)
      tpu.yield
    }) : () -> ()
    return
  }
}

module attributes {stable_mosaic.version = 14 : i64} {
  func.func @body(%arg0: memref<2x10240x16xf32, #tpu.memory_space<any>>, %arg1: memref<10000x16xf32, #tpu.memory_space<any>>, %arg2: memref<10000x1xf32, #tpu.memory_space<vmem>>, %arg3: memref<1x16xf32, #tpu.memory_space<vmem>>, %arg4: memref<10000x16xf32, #tpu.memory_space<vmem>>, %arg5: memref<2x10240x16xf32, #tpu.memory_space<vmem>>, %arg6: memref<10000x16xf32, #tpu.memory_space<vmem>>) attributes {dimension_semantics = [], scalar_prefetch = 0 : i64, scratch_operands = 2 : i64, tpu.core_type = #tpu.core_type<tc>} {
    "tpu.region"() ({
      %run_scoped3A = tpu.sem_alloc : memref<!tpu.dma_semaphore, #tpu.memory_space<semaphore_mem>>
      tpu.enqueue_dma source(%arg0 : memref<2x10240x16xf32, #tpu.memory_space<any>>) target(%arg5 : memref<2x10240x16xf32, #tpu.memory_space<vmem>>) target_semaphore(%run_scoped3A : memref<!tpu.dma_semaphore, #tpu.memory_space<semaphore_mem>>)
      tpu.wait_dma2 semaphore(%run_scoped3A : memref<!tpu.dma_semaphore, #tpu.memory_space<semaphore_mem>>) src(%arg0 : memref<2x10240x16xf32, #tpu.memory_space<any>>) dst(%arg5 : memref<2x10240x16xf32, #tpu.memory_space<vmem>>)
      tpu.yield
    }) : () -> ()
    "tpu.region"() ({
      %run_scoped3A = tpu.sem_alloc : memref<!tpu.dma_semaphore, #tpu.memory_space<semaphore_mem>>
      tpu.enqueue_dma source(%arg1 : memref<10000x16xf32, #tpu.memory_space<any>>) target(%arg6 : memref<10000x16xf32, #tpu.memory_space<vmem>>) target_semaphore(%run_scoped3A : memref<!tpu.dma_semaphore, #tpu.memory_space<semaphore_mem>>)
      tpu.wait_dma2 semaphore(%run_scoped3A : memref<!tpu.dma_semaphore, #tpu.memory_space<semaphore_mem>>) src(%arg1 : memref<10000x16xf32, #tpu.memory_space<any>>) dst(%arg6 : memref<10000x16xf32, #tpu.memory_space<vmem>>)
      tpu.yield
    }) : () -> ()
    %get3A = arith.constant 0 : index
    %get3A_0 = arith.constant 0 : index
    %get3A_1 = arith.constant 0 : index
    %get3A_2 = vector.load %arg5[%get3A, %get3A_0, %get3A_1] : memref<2x10240x16xf32, #tpu.memory_space<vmem>>, vector<1x10000x16xf32>
    %get3A_3 = vector.shape_cast %get3A_2 : vector<1x10000x16xf32> to vector<10000x16xf32>
    %get3A_4 = arith.constant 1 : index
    %get3A_5 = arith.constant 0 : index
    %get3A_6 = arith.constant 0 : index
    %get3A_7 = vector.load %arg5[%get3A_4, %get3A_5, %get3A_6] : memref<2x10240x16xf32, #tpu.memory_space<vmem>>, vector<1x10000x16xf32>
    %get3A_8 = vector.shape_cast %get3A_7 : vector<1x10000x16xf32> to vector<10000x16xf32>
    %add3A = arith.addf %get3A_3, %get3A_8 : vector<10000x16xf32>
    %get3A_9 = arith.constant 0 : index
    %get3A_10 = arith.constant 0 : index
    %get3A_11 = vector.load %arg6[%get3A_9, %get3A_10] : memref<10000x16xf32, #tpu.memory_space<vmem>>, vector<10000x16xf32>
    %add3A_12 = arith.addf %add3A, %get3A_11 : vector<10000x16xf32>
    %get3A_13 = arith.constant 0 : index
    %get3A_14 = arith.constant 0 : index
    %get3A_15 = vector.load %arg2[%get3A_13, %get3A_14] : memref<10000x1xf32, #tpu.memory_space<vmem>>, vector<10000x1xf32>
    %mul3A = vector.broadcast %get3A_15 : vector<10000x1xf32> to vector<10000x16xf32>
    %mul3A_16 = arith.mulf %mul3A, %add3A_12 : vector<10000x16xf32>
    %get3A_17 = arith.constant 0 : index
    %get3A_18 = arith.constant 0 : index
    %get3A_19 = vector.load %arg3[%get3A_17, %get3A_18] : memref<1x16xf32, #tpu.memory_space<vmem>>, vector<1x16xf32>
    %add3A_20 = vector.broadcast %get3A_19 : vector<1x16xf32> to vector<10000x16xf32>
    %add3A_21 = arith.addf %mul3A_16, %add3A_20 : vector<10000x16xf32>
    %swap3A = arith.constant 0 : index
    %swap3A_22 = arith.constant 0 : index
    %swap3A_23 = vector.load %arg4[%swap3A, %swap3A_22] : memref<10000x16xf32, #tpu.memory_space<vmem>>, vector<10000x16xf32>
    tpu.vector_store %arg4[%swap3A, %swap3A_22], %add3A_21 {strides = array<i32>} : memref<10000x16xf32, #tpu.memory_space<vmem>>, vector<10000x16xf32>,
    return
  }
}

</mosaic_0001>

<sc_bundles>
// kernel: kernel.11.cloned.1.call-start
scs
__scs_entry_jumppad:
0x0: {  	(pc) =	sbr.rel $0x88, $3  }
0x1: {  	(tag) =	ssettag $0x0;
	lr =	simm.s32 $0x1  }
0x2: {  	[smem:$0x3F9B] =	sst lr;
	_ =	strace $0xD0000000  }
0x3: {  	_ = 	snop  }
0x4: {  	_ = 	snop  }
0x5: {  	_ = 	snop  }
0x6: {  	_ = 	snop  }
0x7: {  	_ = 	snop  }
__scs_overlays_trampoline_lowered:
0x8: {  	[smem:$0x3FAA] =	sst s0  }
0x9: {  	[smem:$0x3FAB] =	sst s1  }
0xa: {  	[smem:$0x3FAC] =	sst s2  }
0xb: {  	[smem:$0x3FAD] =	sst s3  }
0xc: {  	[smem:$0x3FAE] =	sst s4  }
0xd: {  	[smem:$0x3FAF] =	sst s5  }
0xe: {  	[smem:$0x3FB0] =	sst s6  }
0xf: {  	[smem:$0x3FB1] =	sst s7  }
0x10: {  	[smem:$0x3FB2] =	sst s8  }
0x11: {  	[smem:$0x3FB3] =	sst s9;
	s0 =	simm.s32 @!p0 $0x0  }
0x12: {  	s1 =	sld [smem:$0x3F99];
	s0 =	simm.s32 @p0 $0x1  }
0x13: {  	[smem:$0x3FB4] =	sst s0;
	s0 =	simm.s32 @!p1 $0x0  }
0x14: {  	s2 =	sld [smem:$0x3F98];
	s0 =	simm.s32 @p1 $0x1  }
0x15: {  	[smem:$0x3FB5] =	sst s0;
	s0 =	simm.s32 @!p2 $0x0  }
0x16: {  	s3 =	sld [smem:$0x3FDB];
	s0 =	simm.s32 @p2 $0x1  }
0x17: {  	s4 =	simm.s32 $0x1BF5;
	[smem:$0x3FB7] =	sst s0  }
0x18: {  	s0 =	sld [smem:$0x3F9A];
	_ =	swait.ge [sflag:s4], $0x0  }
0x19: {  	s7 =	sld [smem:$0x3F9B]  }
0x1a: {  	s8 =	sadd.s32 $0xFFFFE003, lr  }
0x1b: {  	s9 =	sadd.s32 $0xFFFFFEF7, lr;
	s5 =	simm.s32 $0xFFFFFFFF;
	p2 =	slt.u32 s8, $0xFFFFF086  }
0x1c: {  	p1 =	slt.u32 s9, $0xF7A;
	s5 =	simm.s32 @!p2 $0x0  }
0x1d: {  	s5 =	simm.s32 @p1 $0x1;
	p0 =	seq.s32 s7, s2  }
0x1e: {  	s7 =	smul.u32 @!p0 $0xF7A, s2;
	p2 =	seq.s32 @!p0 s5, $0x0  }
0x1f: {  	s9 =	smul.u32 $0xF7A, s1;
	s8 =	simm.s32 @!p0 $0x1BF5;
	p2 =	por !p2, p0  }
0x20: {  	[sflag:s8] =	ssyncset.s32 @!p0 $0xFFFFF086;
	s6 =	sadd.s32 @!p0 s3, s7;
	s7 =	simm.s32 @!p0 $0x108  }
0x21: {  	s3 =	sadd.s32 s3, s9;
	s6 =	sadd.s32 @!p0 $0x88, s6;
	s7 =	simm.s32 @p2 $0x1082  }
0x22: {  	[simem:s7], [sflag:s8] =	dma.local @!p0 [hbm:s6], $0xF7A  }
0x23: {  	s9 =	sor.u32 $0xD0000000, s2;
	s6 =	simm.s32 $0x108;
	_ =	swait.ge @!p0 [sflag:s8], $0x0  }
0x24: {  	s3 =	sadd.s32 $0x88, s3;
	s6 =	simm.s32 @!p1 $0x1082;
	[sflag:s4] =	ssyncset.s32 $0xFFFFF086  }
0x25: {  	[simem:s6], [sflag:s4] =	dma.local [hbm:s3], $0xF7A  }
0x26: {  	[smem:$0x3F9B] =	sst s1;
	(tag) =	ssettag s2;
	_ =	strace s9  }
0x27: {  	s1 =	sld [smem:$0x3FAB]  }
0x28: {  	s2 =	sld [smem:$0x3FAC]  }
0x29: {  	s4 =	sld [smem:$0x3FAE]  }
0x2a: {  	p0 =	seq.s32 s5, $0x0;
	s5 =	sld [smem:$0x3FAF]  }
0x2b: {  	s6 =	sld [smem:$0x3FB0]  }
0x2c: {  	s7 =	sld [smem:$0x3FB1]  }
0x2d: {  	s3 =	simm.s32 $0x108;
	s8 =	sld [smem:$0x3FB2]  }
0x2e: {  	s3 =	simm.s32 @!p0 $0x1082;
	s9 =	sld [smem:$0x3FB3]  }
0x2f: {  	lr =	sadd.s32 s0, s3;
	s0 =	sld [smem:$0x3FAA]  }
0x30: {  	s3 =	sld [smem:$0x3FAD]  }
0x31: {  	[smem:$0x3FB6] =	sst s10  }
0x32: {  	s10 =	sld [smem:$0x3FB4];
	_ =	sdelay $0x3  }
0x33: {  	p0 =	seq.s32 s10, $0x1;
	s10 =	sld [smem:$0x3FB6];
	_ =	sdelay $0x3  }
0x34: {  	[smem:$0x3FB6] =	sst s10  }
0x35: {  	s10 =	sld [smem:$0x3FB5];
	_ =	sdelay $0x3  }
0x36: {  	p1 =	seq.s32 s10, $0x1;
	s10 =	sld [smem:$0x3FB6];
	_ =	sdelay $0x3  }
0x37: {  	[smem:$0x3FB6] =	sst s10  }
0x38: {  	s10 =	sld [smem:$0x3FB7]  }
0x39: {  	_ = 	snop;
	(pc) =	sbr.ind lr, $3  }
0x3a: {  	_ = 	snop  }
0x3b: {  	_ = 	snop  }
0x3c: {  	p2 =	seq.s32 s10, $0x1;
	s10 =	sld [smem:$0x3FB6]  }
0x3d: {  	_ =	shalt  }
0x3e: {  	_ =	shalt  }
0x3f: {  	_ =	shalt  }
0x40: {  	_ =	shalt  }
0x41: {  	_ =	shalt  }
0x42: {  	_ =	shalt  }
0x43: {  	_ =	shalt  }
0x44: {  	_ =	shalt  }
0x45: {  	_ =	shalt  }
0x46: {  	_ =	shalt  }
0x47: {  	_ =	shalt  }
0x48: {  	_ =	shalt  }
0x49: {  	_ =	shalt  }
0x4a: {  	_ =	shalt  }
0x4b: {  	_ =	shalt  }
0x4c: {  	_ =	shalt  }
0x4d: {  	_ =	shalt  }
0x4e: {  	_ =	shalt  }
0x4f: {  	_ =	shalt  }
0x50: {  	_ =	shalt  }
0x51: {  	_ =	shalt  }
0x52: {  	_ =	shalt  }
0x53: {  	_ =	shalt  }
0x54: {  	_ =	shalt  }
0x55: {  	_ =	shalt  }
0x56: {  	_ =	shalt  }
0x57: {  	_ =	shalt  }
0x58: {  	_ =	shalt  }
0x59: {  	_ =	shalt  }
0x5a: {  	_ =	shalt  }
0x5b: {  	_ =	shalt  }
0x5c: {  	_ =	shalt  }
0x5d: {  	_ =	shalt  }
0x5e: {  	_ =	shalt  }
0x5f: {  	_ =	shalt  }
0x60: {  	_ =	shalt  }
0x61: {  	_ =	shalt  }
0x62: {  	_ =	shalt  }
0x63: {  	_ =	shalt  }
0x64: {  	_ =	shalt  }
0x65: {  	_ =	shalt  }
0x66: {  	_ =	shalt  }
0x67: {  	_ =	shalt  }
0x68: {  	_ =	shalt  }
0x69: {  	_ =	shalt  }
0x6a: {  	_ =	shalt  }
0x6b: {  	_ =	shalt  }
0x6c: {  	_ =	shalt  }
0x6d: {  	_ =	shalt  }
0x6e: {  	_ =	shalt  }
0x6f: {  	_ =	shalt  }
0x70: {  	_ =	shalt  }
0x71: {  	_ =	shalt  }
0x72: {  	_ =	shalt  }
0x73: {  	_ =	shalt  }
0x74: {  	_ =	shalt  }
0x75: {  	_ =	shalt  }
0x76: {  	_ =	shalt  }
0x77: {  	_ =	shalt  }
0x78: {  	_ =	shalt  }
0x79: {  	_ =	shalt  }
0x7a: {  	_ =	shalt  }
0x7b: {  	_ =	shalt  }
0x7c: {  	_ =	shalt  }
0x7d: {  	_ =	shalt  }
0x7e: {  	_ =	shalt  }
0x7f: {  	_ =	shalt  }
0x80: {  	_ =	shalt  }
0x81: {  	_ =	shalt  }
0x82: {  	_ =	shalt  }
0x83: {  	_ =	shalt  }
0x84: {  	_ =	shalt  }
0x85: {  	_ =	shalt  }
0x86: {  	_ =	shalt  }
0x87: {  	_ =	shalt  }
.Lfunc_end0:
.L_simem_size_0:
called_computation.1_lowered:
.L_overlay_start_0:
0x88: {  	s2 =	sld [smem:$0x3FD9]  }
0x89: {  	s3 =	sld [smem:$0x3FFE];
	_ =	sdelay $0x1  }
0x8a: {  	s1 =	srdreg.scid  }
0x8b: {  	s0 =	sand.u32 $0x1, s1  }
0x8c: {  	s16 =	sshll.u32 s0, $0xA;
	s2 =	sadd.s32 s3, s2  }
0x8d: {  	s2 =	sadd.s32 s2, s16  }
0x8e: {  	[smem:$0x3FC2] =	sst s2  }
0x8f: {  	_ = 	snop  }
0x90: {  	(tm) =	ssettm $0x1  }
0x91: {  	s17 =	sld [smem:$0x3FFB];
	_ =	sdelay $0x3  }
0x92: {  	_ =	strace s17  }
0x93: {  	s2 =	sld [smem:$0x3FFC];
	_ =	sdelay $0x3  }
0x94: {  	_ =	strace s2  }
0x95: {  	s2 =	sld [smem:$0x3FFD];
	_ =	sdelay $0x3  }
0x96: {  	_ =	strace s2  }
0x97: {  	_ =	strace $0x8FFFFFFF  }
0x98: {  	s18 =	sld [smem:$0x3FDB];
	_ =	sdelay $0x1  }
0x99: {  	s19 =	simm.s32 $_scs_section_size  }
0x9a: {  	s4 =	simm.s32 $_size__tile_overlayer_lowered;
	s5 =	simm.s32 $_tile_overlayer_lowered  }
0x9b: {  	s22 =	simm.s32 $0x1BFF;
	s21 =	sshll.u32 s5, $0x1;
	s2 =	sadd.s32 s19, s18  }
0x9c: {  	s6 =	simm.s32 $0x0;
	s20 =	sshll.u32 s4, $0x1;
	s4 =	sadd.s32 s21, s2  }
0x9d: {  	[timem:s6], [sflag:s22] =	dma.local [hbm:s4], s20  }
0x9e: {  	_ =	swait.ge [sflag:s22], s20  }
0x9f: {  	s3 =	ssub.s32 $0x0, s20;
	[sflag:s22] =	ssyncset.done $0x0  }
0xa0: {  	[sflag:s22] =	ssyncadd.s32 s3;
	_ =	sdelay $0x1  }
0xa1: {  	s23 =	simm.s32 $0x1B8B  }
0xa2: {  	_ =	swait.ge [sflag:s23], $0x1  }
0xa3: {  	[sflag:s23] =	ssyncset.done $0x0  }
0xa4: {  	s25 =	simm.s32 $0x1B8E;
	s24 =	sld [smem:$0x3FFE];
	[sflag:s23] =	ssyncadd.s32 $0xFFFFFFFF  }
0xa5: {  	s26 =	simm.s32 $execute0_lowered;
	[smem:$0x3FD2] =	sst s25  }
0xa6: {  	s4 =	sshll.u32 s26, $0x1;
	_ =	strace $0x80000049;
	[dreg:$0x1] =	wrdreg $0xFFFFFFFF  }
0xa7: {  	s28 =	simm.s32 $_size_execute0_lowered;
	s2 =	sadd.s32 s2, s4;
	[dreg:$0x0] =	wrdreg $0x0  }
0xa8: {  	s4 =	sshll.u32 s28, $0x1;
	[dreg:$0x2] =	wrdreg s2  }
0xa9: {  	[dreg:$0x3] =	wrdreg s4  }
0xaa: {  	[dreg:$0x4] =	wrdreg $0xC0  }
0xab: {  	_ =	task [dreg:s6], $0x5FFFF  }
0xac: {  	[dreg:$0x1] =	wrdreg $0xFFFFFFFF  }
0xad: {  	[dreg:$0x0] =	wrdreg $0x60  }
0xae: {  	[dreg:$0x2] =	wrdreg s24  }
0xaf: {  	[dreg:$0x3] =	wrdreg $0xD0000  }
0xb0: {  	[dreg:$0x4] =	wrdreg $0x9  }
0xb1: {  	_ =	task.clear_ibuf [dreg:s6], $0x5FFFF;
	_ =	strace $0x90000049  }
0xb2: {  	s29 =	simm.s32 $0x9;
	_ =	strace $0x8000004B  }
0xb3: {  	_ =	swait.ge [sflag:s29], $0x1  }
0xb4: {  	[sflag:s29] =	ssyncadd.s32 $0xFFFFFFFF  }
0xb5: {  	_ =	strace $0x9000004B  }
0xb6: {  	_ =	sfence  }
0xb7: {  	s30 =	sld [smem:$0x0];
	_ =	sdelay $0x2  }
0xb8: {  	s31 =	sshll.u32 s1, $0xD;
	s1 =	sshrl.u32 s1, $0x2  }
0xb9: {  	s3 =	sand.u32 $0x4000, s31;
	s1 =	sadd.s32 s1, s30  }
0xba: {  	s0 =	sor.u32 s3, s0;
	s1 =	sshll.u32 s1, $0x11  }
0xbb: {  	s0 =	sor.u32 s1, s0  }
0xbc: {  	s0 =	sadd.s32 $0x8F2B, s0  }
0xbd: {  	[sflag:s0] =	ssyncadd.remote.s32 $0x1  }
0xbe: {  	_ =	sfence.sel $0xFFFF  }
0xbf: {  	[dreg:$0x0] =	wrdreg $0xFFFFFFFF;
	(pc) =	sbr.abs _section_cstart, $3  }
0xc0: {  	[dreg:$0x1] =	wrdreg $0xFFFFFFFF  }
0xc1: {  	_ =	task.clear_ibuf [dreg:s6], $0x2FFFF;
	_ =	strace $0x9FFFFFFF  }
0xc2: {  	(tm) =	ssettm $0x7FFFFFFF  }
0xc3: {  	_ =	shalt  }
tec
execute0_lowered:
.L_overlay_start_1:
0x0: {  	(tag) =	ssettag $0x1  }
0x1: {  	s0 =	rddreg [dreg:$0x0]  }
0x2: {  	s2 =	rddreg [dreg:$0x1];
	s3 =	simm.s32 $0x0  }
0x3: {  	s9 =	stileid.u32;
	s1 =	srdreg.scid;
	s14 =	simm.s32 $0x1  }
0x4: {  	s15 =	simm.s32 $0x2;
	s16 =	simm.s32 $0x80;
	s17 =	simm.s32 $0x5000  }
0x5: {  	s18 =	simm.s32 $0x6000;
	s20 =	simm.s32 $0x7000;
	s22 =	simm.s32 $0x8000  }
0x6: {  	s24 =	simm.s32 $0x9000;
	s29 =	simm.s32 $0xB000;
	s31 =	simm.s32 $0xC000  }
0x7: {  	s19 =	simm.s32 $0x6;
	s21 =	simm.s32 $0x7;
	s23 =	simm.s32 $0x8  }
0x8: {  	s28 =	simm.s32 $0xA;
	s30 =	simm.s32 $0xB;
	s12 =	simm.s32 $0x0  }
0x9: {  	[smem:$0x7FF] =	sst s3;
	s25 =	smul.u32 $0x5000, s9;
	s1 =	sand.u32 $0x1, s1  }
0xa: {  	s4 =	sadd.s32 $0x15800, s0;
	_ =	strace $0x8000004A;
	s5 =	sshll.u32 s1, $0x4  }
0xb: {  	s6 =	smul.u32 $0x50000, s1;
	s1 =	ssub.s32 $0x2, s1;
	[dreg:$0x9] =	wrdreg s12  }
0xc: {  	s7 =	sshrl.u32 s25, $0x3;
	s5 =	sor.u32 s9, s5;
	s8 =	sshrl.u32 s1, $0x1  }
0xd: {  	s3 =	sadd.s32 s25, s2;
	s5 =	smul.u32 $0x500, s5;
	s6 =	sadd.s32 s25, s6  }
0xe: {  	s7 =	sadd.s32 s7, s0;
	s1 =	ssub.s32 s1, s8;
	s8 =	sshll.u32 s9, $0x6  }
0xf: {  	s11 =	sshrl.u32 s3, $0x3;
	s25 =	simm.s32 $0x9;
	s6 =	sshrl.u32 s6, $0x3  }
0x10: {  	s9 =	sadd.s32 $0x1F600, s7;
	s13 =	sor.u32 $0x1C11, s8;
	[dreg:$0xa] =	wrdreg s11  }
0x11: {  	s10 =	smax.u32 s1, $0x1;
	s1 =	simm.s32 $0x4;
	[dreg:$0x5] =	wrdreg s9  }
0x12: {  	s11 =	simm.s32 $0x5;
	s5 =	sadd.s32 s5, s0;
	[dreg:$0x8] =	wrdreg s10  }
0x13: {  	s7 =	simm.s32 $0xE;
	[dreg:$0x6] =	wrdreg s13;
	s26 =	sadd.s32 $0xB800, s5  }
0x14: {  	s0 =	sadd.s32 s6, s0;
	s5 =	sadd.s32 $0x1800, s5;
	[dreg:$0x3] =	wrdreg s26  }
0x15: {  	s6 =	simm.s32 $0xD;
	s0 =	sadd.s32 $0x29600, s0;
	[dreg:$0x4] =	wrdreg s5  }
0x16: {  	s9 =	simm.s32 $0xF;
	s10 =	simm.s32 $0x10;
	[dreg:$0x7] =	wrdreg s0  }
0x17: {  	s26 =	simm.s32 $0xA000;
	s0 =	simm.s32 $0x3;
	s5 =	simm.s32 $0xC  }
.LBB2_1:
0x18: {  	s8 =	simm.s32 $0x0;
	s12 =	rddreg [dreg:$0x3]  }
0x19: {  	[tilespmem:s8], [sflag:$0x1] =	stream.linear.gather [hbm4b:s12+s8], $0x2800, $0x38;
	[tilespmem:$0x12000] =	vst v63  }
0x1a: {  	s3 =	simm.s32 $0x2800;
	s12 =	rddreg [dreg:$0x4]  }
0x1b: {  	[tilespmem:s3], [sflag:$0x2] =	stream.linear.gather [hbm4b:s12+s8], $0x2800, $0x38;
	[tilespmem:$0x12000] =	vst v63  }
0x1c: {  	s3 =	rddreg [dreg:$0xa]  }
0x1d: {  	s12 =	rddreg [dreg:$0x5]  }
0x1e: {  	[spmem:s3], [sflag:s13] =	dma.local [hbm:s12], $0xA00  }
0x1f: {  	s13 =	simm.s32 $0x11  }
0x20: {  	_ =	swait.ge [sflag:s13], $0xA00  }
0x21: {  	[sflag:s13] =	ssyncset.done $0x0  }
0x22: {  	[sflag:s13] =	ssyncadd.s32 $0xFFFFF600  }
0x23: {  	_ =	swait.ge [sflag:s14], $0x2800  }
0x24: {  	[sflag:s14] =	ssyncset.done $0x0  }
0x25: {  	[sflag:s14] =	ssyncadd.s32 $0xFFFFD800  }
0x26: {  	_ =	swait.ge [sflag:s15], $0x2800  }
0x27: {  	[sflag:s15] =	ssyncset.done $0x0  }
0x28: {  	[sflag:s15] =	ssyncadd.s32 $0xFFFFD800  }
0x29: {  	[bflag:$0x0] =	sbarrier.arrive $0xFFFF  }
0x2a: {  	[tilespmem:s17], [sflag:$0x1] =	stream.indirect.gather [hbm4b:s4+s16], $0x20, s8, s16, $0xb8;
	[tilespmem:$0x12000] =	vst v63  }
0x2b: {  	_ = 	snop  }
0x2c: {  	[tilespmem:s18], [sflag:$0x2] =	stream.indirect.gather [hbm4b:s4+s16], $0x20, s16, s16, $0xb8;
	[tilespmem:$0x12000] =	vst v63  }
0x2d: {  	s3 =	simm.s32 $0x100  }
0x2e: {  	[tilespmem:s20], [sflag:$0x3] =	stream.indirect.gather [hbm4b:s4+s16], $0x20, s3, s16, $0xb8;
	[tilespmem:$0x12000] =	vst v63  }
0x2f: {  	s12 =	simm.s32 $0x180  }
0x30: {  	[tilespmem:s22], [sflag:$0x4] =	stream.indirect.gather [hbm4b:s4+s16], $0x20, s12, s16, $0xb8;
	[tilespmem:$0x12000] =	vst v63  }
0x31: {  	s13 =	simm.s32 $0x200  }
0x32: {  	[tilespmem:s24], [sflag:$0x5] =	stream.indirect.gather [hbm4b:s4+s16], $0x20, s13, s16, $0xb8;
	[tilespmem:$0x12000] =	vst v63  }
0x33: {  	s3 =	simm.s32 $0x280  }
0x34: {  	[tilespmem:s26], [sflag:$0x6] =	stream.indirect.gather [hbm4b:s4+s16], $0x20, s3, s16, $0xb8;
	[tilespmem:$0x12000] =	vst v63  }
0x35: {  	s12 =	simm.s32 $0x300  }
0x36: {  	[tilespmem:s29], [sflag:$0x7] =	stream.indirect.gather [hbm4b:s4+s16], $0x20, s12, s16, $0xb8;
	[tilespmem:$0x12000] =	vst v63  }
0x37: {  	s13 =	simm.s32 $0x380  }
0x38: {  	[tilespmem:s31], [sflag:$0x8] =	stream.indirect.gather [hbm4b:s4+s16], $0x20, s13, s16, $0xb8;
	[tilespmem:$0x12000] =	vst v63  }
0x39: {  	_ =	swait.ge [sflag:s14], $0x1000  }
0x3a: {  	[sflag:s14] =	ssyncset.done $0x0  }
0x3b: {  	s3 =	simm.s32 $0x2800;
	[sflag:s14] =	ssyncadd.s32 $0xFFFFF000  }
0x3c: {  	[spmem:s2] =	stream.indirect.scatter.add.f32 [tilespmem:s17], [sflag:$0x9], $0x20, s3, s16, $0xb8;
	[tilespmem:$0x12000] =	vst v63  }
0x3d: {  	_ =	swait.ge [sflag:s15], $0x1000  }
0x3e: {  	[sflag:s15] =	ssyncset.done $0x0  }
0x3f: {  	s12 =	simm.s32 $0x2880;
	[sflag:s15] =	ssyncadd.s32 $0xFFFFF000  }
0x40: {  	[spmem:s2] =	stream.indirect.scatter.add.f32 [tilespmem:s18], [sflag:$0xA], $0x20, s12, s16, $0xb8;
	[tilespmem:$0x12000] =	vst v63  }
0x41: {  	_ =	swait.ge [sflag:s0], $0x1000  }
0x42: {  	[sflag:s0] =	ssyncset.done $0x0  }
0x43: {  	s13 =	simm.s32 $0x2900;
	[sflag:s0] =	ssyncadd.s32 $0xFFFFF000  }
0x44: {  	[spmem:s2] =	stream.indirect.scatter.add.f32 [tilespmem:s20], [sflag:$0xB], $0x20, s13, s16, $0xb8;
	[tilespmem:$0x12000] =	vst v63  }
0x45: {  	_ =	swait.ge [sflag:s1], $0x1000  }
0x46: {  	[sflag:s1] =	ssyncset.done $0x0  }
0x47: {  	s3 =	simm.s32 $0x2980;
	[sflag:s1] =	ssyncadd.s32 $0xFFFFF000  }
0x48: {  	[spmem:s2] =	stream.indirect.scatter.add.f32 [tilespmem:s22], [sflag:$0xC], $0x20, s3, s16, $0xb8;
	[tilespmem:$0x12000] =	vst v63  }
0x49: {  	_ =	swait.ge [sflag:s11], $0x1000  }
0x4a: {  	[sflag:s11] =	ssyncset.done $0x0  }
0x4b: {  	s12 =	simm.s32 $0x2A00;
	[sflag:s11] =	ssyncadd.s32 $0xFFFFF000  }
0x4c: {  	[spmem:s2] =	stream.indirect.scatter.add.f32 [tilespmem:s24], [sflag:$0xD], $0x20, s12, s16, $0xb8;
	[tilespmem:$0x12000] =	vst v63  }
0x4d: {  	_ =	swait.ge [sflag:s19], $0x1000  }
0x4e: {  	[sflag:s19] =	ssyncset.done $0x0  }
0x4f: {  	s13 =	simm.s32 $0x2A80;
	[sflag:s19] =	ssyncadd.s32 $0xFFFFF000  }
0x50: {  	[spmem:s2] =	stream.indirect.scatter.add.f32 [tilespmem:s26], [sflag:$0xE], $0x20, s13, s16, $0xb8;
	[tilespmem:$0x12000] =	vst v63  }
0x51: {  	_ =	swait.ge [sflag:s21], $0x1000  }
0x52: {  	[sflag:s21] =	ssyncset.done $0x0  }
0x53: {  	s3 =	simm.s32 $0x2B00;
	[sflag:s21] =	ssyncadd.s32 $0xFFFFF000  }
0x54: {  	[spmem:s2] =	stream.indirect.scatter.add.f32 [tilespmem:s29], [sflag:$0xF], $0x20, s3, s16, $0xb8;
	[tilespmem:$0x12000] =	vst v63  }
0x55: {  	_ =	swait.ge [sflag:s23], $0x1000  }
0x56: {  	[sflag:s23] =	ssyncset.done $0x0  }
0x57: {  	s12 =	simm.s32 $0x2B80;
	[sflag:s23] =	ssyncadd.s32 $0xFFFFF000  }
0x58: {  	[spmem:s2] =	stream.indirect.scatter.add.f32 [tilespmem:s31], [sflag:$0x10], $0x20, s12, s16, $0xb8;
	[tilespmem:$0x12000] =	vst v63  }
0x59: {  	_ =	swait.ge [sflag:s25], $0x1000  }
0x5a: {  	[sflag:s25] =	ssyncset.done $0x0  }
0x5b: {  	s13 =	simm.s32 $0x400;
	[sflag:s25] =	ssyncadd.s32 $0xFFFFF000  }
0x5c: {  	[tilespmem:s17], [sflag:$0x1] =	stream.indirect.gather [hbm4b:s4+s16], $0x20, s13, s16, $0xb8;
	[tilespmem:$0x12000] =	vst v63  }
0x5d: {  	_ =	swait.ge [sflag:s28], $0x1000  }
0x5e: {  	[sflag:s28] =	ssyncset.done $0x0  }
0x5f: {  	s3 =	simm.s32 $0x480;
	[sflag:s28] =	ssyncadd.s32 $0xFFFFF000  }
0x60: {  	[tilespmem:s18], [sflag:$0x2] =	stream.indirect.gather [hbm4b:s4+s16], $0x20, s3, s16, $0xb8;
	[tilespmem:$0x12000] =	vst v63  }
0x61: {  	_ =	swait.ge [sflag:s30], $0x1000  }
0x62: {  	[sflag:s30] =	ssyncset.done $0x0  }
0x63: {  	s12 =	simm.s32 $0x500;
	[sflag:s30] =	ssyncadd.s32 $0xFFFFF000  }
0x64: {  	[tilespmem:s20], [sflag:$0x3] =	stream.indirect.gather [hbm4b:s4+s16], $0x20, s12, s16, $0xb8;
	[tilespmem:$0x12000] =	vst v63  }
0x65: {  	_ =	swait.ge [sflag:s5], $0x1000  }
0x66: {  	[sflag:s5] =	ssyncset.done $0x0  }
0x67: {  	s13 =	simm.s32 $0x580;
	[sflag:s5] =	ssyncadd.s32 $0xFFFFF000  }
0x68: {  	[tilespmem:s22], [sflag:$0x4] =	stream.indirect.gather [hbm4b:s4+s16], $0x20, s13, s16, $0xb8;
	[tilespmem:$0x12000] =	vst v63  }
0x69: {  	_ =	swait.ge [sflag:s6], $0x1000  }
0x6a: {  	[sflag:s6] =	ssyncset.done $0x0  }
0x6b: {  	s3 =	simm.s32 $0x600;
	[sflag:s6] =	ssyncadd.s32 $0xFFFFF000  }
0x6c: {  	[tilespmem:s24], [sflag:$0x5] =	stream.indirect.gather [hbm4b:s4+s16], $0x20, s3, s16, $0xb8;
	[tilespmem:$0x12000] =	vst v63  }
0x6d: {  	_ =	swait.ge [sflag:s7], $0x1000  }
0x6e: {  	[sflag:s7] =	ssyncset.done $0x0  }
0x6f: {  	s12 =	simm.s32 $0x680;
	[sflag:s7] =	ssyncadd.s32 $0xFFFFF000  }
0x70: {  	[tilespmem:s26], [sflag:$0x6] =	stream.indirect.gather [hbm4b:s4+s16], $0x20, s12, s16, $0xb8;
	[tilespmem:$0x12000] =	vst v63  }
0x71: {  	_ =	swait.ge [sflag:s9], $0x1000  }
0x72: {  	[sflag:s9] =	ssyncset.done $0x0  }
0x73: {  	s13 =	simm.s32 $0x700;
	[sflag:s9] =	ssyncadd.s32 $0xFFFFF000  }
0x74: {  	[tilespmem:s29], [sflag:$0x7] =	stream.indirect.gather [hbm4b:s4+s16], $0x20, s13, s16, $0xb8;
	[tilespmem:$0x12000] =	vst v63  }
0x75: {  	_ =	swait.ge [sflag:s10], $0x1000  }
0x76: {  	[sflag:s10] =	ssyncset.done $0x0  }
0x77: {  	s8 =	simm.s32 $0x1000;
	s12 =	simm.s32 $0x780;
	[sflag:s10] =	ssyncadd.s32 $0xFFFFF000  }
.LBB2_2:
0x78: {  	[tilespmem:s31], [sflag:$0x8] =	stream.indirect.gather [hbm4b:s4+s16], $0x20, s12, s16, $0xb8;
	[tilespmem:$0x12000] =	vst v63  }
0x79: {  	s12 =	smov.u32 s8  }
0x7a: {  	p0 =	sne.s32 s8, $0x8000;
	s8 =	sadd.s32 $0x1000, s8;
	_ =	swait.ge [sflag:s14], $0x1000  }
0x7b: {  	s12 =	sshra.s32 s12, $0x2;
	[sflag:s14] =	ssyncset.done $0x0  }
0x7c: {  	s13 =	sadd.s32 $0x2800, s12;
	[sflag:s14] =	ssyncadd.s32 $0xFFFFF000  }
0x7d: {  	[spmem:s2] =	stream.indirect.scatter.add.f32 [tilespmem:s17], [sflag:$0x9], $0x20, s13, s16, $0xb8;
	[tilespmem:$0x12000] =	vst v63  }
0x7e: {  	_ =	swait.ge [sflag:s15], $0x1000  }
0x7f: {  	[sflag:s15] =	ssyncset.done $0x0  }
0x80: {  	s13 =	sadd.s32 $0x2880, s12;
	[sflag:s15] =	ssyncadd.s32 $0xFFFFF000  }
0x81: {  	[spmem:s2] =	stream.indirect.scatter.add.f32 [tilespmem:s18], [sflag:$0xA], $0x20, s13, s16, $0xb8;
	[tilespmem:$0x12000] =	vst v63  }
0x82: {  	_ =	swait.ge [sflag:s0], $0x1000  }
0x83: {  	[sflag:s0] =	ssyncset.done $0x0  }
0x84: {  	s13 =	sadd.s32 $0x2900, s12;
	[sflag:s0] =	ssyncadd.s32 $0xFFFFF000  }
0x85: {  	[spmem:s2] =	stream.indirect.scatter.add.f32 [tilespmem:s20], [sflag:$0xB], $0x20, s13, s16, $0xb8;
	[tilespmem:$0x12000] =	vst v63  }
0x86: {  	_ =	swait.ge [sflag:s1], $0x1000  }
0x87: {  	[sflag:s1] =	ssyncset.done $0x0  }
0x88: {  	s13 =	sadd.s32 $0x2980, s12;
	[sflag:s1] =	ssyncadd.s32 $0xFFFFF000  }
0x89: {  	[spmem:s2] =	stream.indirect.scatter.add.f32 [tilespmem:s22], [sflag:$0xC], $0x20, s13, s16, $0xb8;
	[tilespmem:$0x12000] =	vst v63  }
0x8a: {  	_ =	swait.ge [sflag:s11], $0x1000  }
0x8b: {  	[sflag:s11] =	ssyncset.done $0x0  }
0x8c: {  	s13 =	sadd.s32 $0x2A00, s12;
	[sflag:s11] =	ssyncadd.s32 $0xFFFFF000  }
0x8d: {  	[spmem:s2] =	stream.indirect.scatter.add.f32 [tilespmem:s24], [sflag:$0xD], $0x20, s13, s16, $0xb8;
	[tilespmem:$0x12000] =	vst v63  }
0x8e: {  	_ =	swait.ge [sflag:s19], $0x1000  }
0x8f: {  	[sflag:s19] =	ssyncset.done $0x0  }
0x90: {  	s13 =	sadd.s32 $0x2A80, s12;
	[sflag:s19] =	ssyncadd.s32 $0xFFFFF000  }
0x91: {  	[spmem:s2] =	stream.indirect.scatter.add.f32 [tilespmem:s26], [sflag:$0xE], $0x20, s13, s16, $0xb8;
	[tilespmem:$0x12000] =	vst v63  }
0x92: {  	_ =	swait.ge [sflag:s21], $0x1000  }
0x93: {  	[sflag:s21] =	ssyncset.done $0x0  }
0x94: {  	s13 =	sadd.s32 $0x2B00, s12;
	[sflag:s21] =	ssyncadd.s32 $0xFFFFF000  }
0x95: {  	[spmem:s2] =	stream.indirect.scatter.add.f32 [tilespmem:s29], [sflag:$0xF], $0x20, s13, s16, $0xb8;
	[tilespmem:$0x12000] =	vst v63  }
0x96: {  	_ =	swait.ge [sflag:s23], $0x1000  }
0x97: {  	[sflag:s23] =	ssyncset.done $0x0  }
0x98: {  	s13 =	sadd.s32 $0x2B80, s12;
	[sflag:s23] =	ssyncadd.s32 $0xFFFFF000  }
0x99: {  	[spmem:s2] =	stream.indirect.scatter.add.f32 [tilespmem:s31], [sflag:$0x10], $0x20, s13, s16, $0xb8;
	[tilespmem:$0x12000] =	vst v63  }
0x9a: {  	_ =	swait.ge [sflag:s25], $0x1000  }
0x9b: {  	[sflag:s25] =	ssyncset.done $0x0  }
0x9c: {  	s13 =	sadd.s32 $0x400, s12;
	[sflag:s25] =	ssyncadd.s32 $0xFFFFF000  }
0x9d: {  	[tilespmem:s17], [sflag:$0x1] =	stream.indirect.gather [hbm4b:s4+s16], $0x20, s13, s16, $0xb8;
	[tilespmem:$0x12000] =	vst v63  }
0x9e: {  	_ =	swait.ge [sflag:s28], $0x1000  }
0x9f: {  	[sflag:s28] =	ssyncset.done $0x0  }
0xa0: {  	s13 =	sadd.s32 $0x480, s12;
	[sflag:s28] =	ssyncadd.s32 $0xFFFFF000  }
0xa1: {  	[tilespmem:s18], [sflag:$0x2] =	stream.indirect.gather [hbm4b:s4+s16], $0x20, s13, s16, $0xb8;
	[tilespmem:$0x12000] =	vst v63  }
0xa2: {  	_ =	swait.ge [sflag:s30], $0x1000  }
0xa3: {  	[sflag:s30] =	ssyncset.done $0x0  }
0xa4: {  	s13 =	sadd.s32 $0x500, s12;
	[sflag:s30] =	ssyncadd.s32 $0xFFFFF000  }
0xa5: {  	[tilespmem:s20], [sflag:$0x3] =	stream.indirect.gather [hbm4b:s4+s16], $0x20, s13, s16, $0xb8;
	[tilespmem:$0x12000] =	vst v63  }
0xa6: {  	_ =	swait.ge [sflag:s5], $0x1000  }
0xa7: {  	[sflag:s5] =	ssyncset.done $0x0  }
0xa8: {  	s13 =	sadd.s32 $0x580, s12;
	[sflag:s5] =	ssyncadd.s32 $0xFFFFF000  }
0xa9: {  	[tilespmem:s22], [sflag:$0x4] =	stream.indirect.gather [hbm4b:s4+s16], $0x20, s13, s16, $0xb8;
	[tilespmem:$0x12000] =	vst v63  }
0xaa: {  	_ =	swait.ge [sflag:s6], $0x1000  }
0xab: {  	[sflag:s6] =	ssyncset.done $0x0  }
0xac: {  	s13 =	sadd.s32 $0x600, s12;
	[sflag:s6] =	ssyncadd.s32 $0xFFFFF000  }
0xad: {  	[tilespmem:s24], [sflag:$0x5] =	stream.indirect.gather [hbm4b:s4+s16], $0x20, s13, s16, $0xb8;
	[tilespmem:$0x12000] =	vst v63  }
0xae: {  	_ =	swait.ge [sflag:s7], $0x1000  }
0xaf: {  	[sflag:s7] =	ssyncset.done $0x0  }
0xb0: {  	s13 =	sadd.s32 $0x680, s12;
	[sflag:s7] =	ssyncadd.s32 $0xFFFFF000  }
0xb1: {  	[tilespmem:s26], [sflag:$0x6] =	stream.indirect.gather [hbm4b:s4+s16], $0x20, s13, s16, $0xb8;
	[tilespmem:$0x12000] =	vst v63  }
0xb2: {  	_ =	swait.ge [sflag:s9], $0x1000  }
0xb3: {  	[sflag:s9] =	ssyncset.done $0x0  }
.Ltmp0:
0xb4: {  	s13 =	sadd.s32 $0x700, s12;
	[sflag:s9] =	ssyncadd.s32 $0xFFFFF000;
	(pc) =	sbr.rel @p0 .LBB2_2-.Ltmp0, $4  }
0xb5: {  	[tilespmem:s29], [sflag:$0x7] =	stream.indirect.gather [hbm4b:s4+s16], $0x20, s13, s16, $0xb8;
	[tilespmem:$0x12000] =	vst v63  }
0xb6: {  	_ =	swait.ge [sflag:s10], $0x1000  }
0xb7: {  	[sflag:s10] =	ssyncset.done $0x0  }
0xb8: {  	s12 =	sadd.s32 $0x780, s12;
	[sflag:s10] =	ssyncadd.s32 $0xFFFFF000  }
0xb9: {  	[tilespmem:s31], [sflag:$0x8] =	stream.indirect.gather [hbm4b:s4+s16], $0x20, s12, s16, $0xb8;
	[tilespmem:$0x12000] =	vst v63  }
0xba: {  	_ =	swait.ge [sflag:s14], $0x1000  }
0xbb: {  	[sflag:s14] =	ssyncset.done $0x0  }
0xbc: {  	s8 =	simm.s32 $0x4C00;
	[sflag:s14] =	ssyncadd.s32 $0xFFFFF000  }
0xbd: {  	[spmem:s2] =	stream.indirect.scatter.add.f32 [tilespmem:s17], [sflag:$0x9], $0x20, s8, s16, $0xb8;
	[tilespmem:$0x12000] =	vst v63  }
0xbe: {  	_ =	swait.ge [sflag:s15], $0x1000  }
0xbf: {  	[sflag:s15] =	ssyncset.done $0x0  }
0xc0: {  	s3 =	simm.s32 $0x4C80;
	[sflag:s15] =	ssyncadd.s32 $0xFFFFF000  }
0xc1: {  	[spmem:s2] =	stream.indirect.scatter.add.f32 [tilespmem:s18], [sflag:$0xA], $0x20, s3, s16, $0xb8;
	[tilespmem:$0x12000] =	vst v63  }
0xc2: {  	_ =	swait.ge [sflag:s0], $0x1000  }
0xc3: {  	[sflag:s0] =	ssyncset.done $0x0  }
0xc4: {  	s12 =	simm.s32 $0x4D00;
	[sflag:s0] =	ssyncadd.s32 $0xFFFFF000  }
0xc5: {  	[spmem:s2] =	stream.indirect.scatter.add.f32 [tilespmem:s20], [sflag:$0xB], $0x20, s12, s16, $0xb8;
	[tilespmem:$0x12000] =	vst v63  }
0xc6: {  	_ =	swait.ge [sflag:s1], $0x1000  }
0xc7: {  	[sflag:s1] =	ssyncset.done $0x0  }
0xc8: {  	s13 =	simm.s32 $0x4D80;
	[sflag:s1] =	ssyncadd.s32 $0xFFFFF000  }
0xc9: {  	[spmem:s2] =	stream.indirect.scatter.add.f32 [tilespmem:s22], [sflag:$0xC], $0x20, s13, s16, $0xb8;
	[tilespmem:$0x12000] =	vst v63  }
0xca: {  	_ =	swait.ge [sflag:s11], $0x1000  }
0xcb: {  	[sflag:s11] =	ssyncset.done $0x0  }
0xcc: {  	s3 =	simm.s32 $0x4E00;
	[sflag:s11] =	ssyncadd.s32 $0xFFFFF000  }
0xcd: {  	[spmem:s2] =	stream.indirect.scatter.add.f32 [tilespmem:s24], [sflag:$0xD], $0x20, s3, s16, $0xb8;
	[tilespmem:$0x12000] =	vst v63  }
0xce: {  	_ =	swait.ge [sflag:s19], $0x1000  }
0xcf: {  	[sflag:s19] =	ssyncset.done $0x0  }
0xd0: {  	s12 =	simm.s32 $0x4E80;
	[sflag:s19] =	ssyncadd.s32 $0xFFFFF000  }
0xd1: {  	[spmem:s2] =	stream.indirect.scatter.add.f32 [tilespmem:s26], [sflag:$0xE], $0x20, s12, s16, $0xb8;
	[tilespmem:$0x12000] =	vst v63  }
0xd2: {  	_ =	swait.ge [sflag:s21], $0x1000  }
0xd3: {  	[sflag:s21] =	ssyncset.done $0x0  }
0xd4: {  	s13 =	simm.s32 $0x4F00;
	[sflag:s21] =	ssyncadd.s32 $0xFFFFF000  }
0xd5: {  	[spmem:s2] =	stream.indirect.scatter.add.f32 [tilespmem:s29], [sflag:$0xF], $0x20, s13, s16, $0xb8;
	[tilespmem:$0x12000] =	vst v63  }
0xd6: {  	_ =	swait.ge [sflag:s23], $0x1000  }
0xd7: {  	[sflag:s23] =	ssyncset.done $0x0  }
0xd8: {  	s3 =	simm.s32 $0x4F80;
	[sflag:s23] =	ssyncadd.s32 $0xFFFFF000  }
0xd9: {  	[spmem:s2] =	stream.indirect.scatter.add.f32 [tilespmem:s31], [sflag:$0x10], $0x20, s3, s16, $0xb8;
	[tilespmem:$0x12000] =	vst v63  }
0xda: {  	_ =	swait.ge [sflag:s25], $0x1000  }
0xdb: {  	[sflag:s25] =	ssyncset.done $0x0  }
0xdc: {  	[sflag:s25] =	ssyncadd.s32 $0xFFFFF000  }
0xdd: {  	_ =	swait.ge [sflag:s28], $0x1000  }
0xde: {  	[sflag:s28] =	ssyncset.done $0x0  }
0xdf: {  	[sflag:s28] =	ssyncadd.s32 $0xFFFFF000  }
0xe0: {  	_ =	swait.ge [sflag:s30], $0x1000  }
0xe1: {  	[sflag:s30] =	ssyncset.done $0x0  }
0xe2: {  	[sflag:s30] =	ssyncadd.s32 $0xFFFFF000  }
0xe3: {  	_ =	swait.ge [sflag:s5], $0x1000  }
0xe4: {  	[sflag:s5] =	ssyncset.done $0x0  }
0xe5: {  	[sflag:s5] =	ssyncadd.s32 $0xFFFFF000  }
0xe6: {  	_ =	swait.ge [sflag:s6], $0x1000  }
0xe7: {  	[sflag:s6] =	ssyncset.done $0x0  }
0xe8: {  	[sflag:s6] =	ssyncadd.s32 $0xFFFFF000  }
0xe9: {  	_ =	swait.ge [sflag:s7], $0x1000  }
0xea: {  	[sflag:s7] =	ssyncset.done $0x0  }
0xeb: {  	[sflag:s7] =	ssyncadd.s32 $0xFFFFF000  }
0xec: {  	_ =	swait.ge [sflag:s9], $0x1000  }
0xed: {  	[sflag:s9] =	ssyncset.done $0x0  }
0xee: {  	[sflag:s9] =	ssyncadd.s32 $0xFFFFF000  }
0xef: {  	_ =	swait.ge [sflag:s10], $0x1000  }
0xf0: {  	[sflag:s10] =	ssyncset.done $0x0  }
0xf1: {  	[sflag:s10] =	ssyncadd.s32 $0xFFFFF000  }
0xf2: {  	[bflag:$0x0] =	sbarrier.arrive $0xFFFF  }
0xf3: {  	s13 =	rddreg [dreg:$0x6]  }
0xf4: {  	s12 =	rddreg [dreg:$0x7]  }
0xf5: {  	s3 =	rddreg [dreg:$0xa]  }
0xf6: {  	[hbm:s12], [sflag:s13] =	dma.local [spmem:s3], $0xA00  }
0xf7: {  	s12 =	simm.s32 $0x11  }
0xf8: {  	_ =	swait.ge [sflag:s12], $0xA00  }
0xf9: {  	s8 =	rddreg [dreg:$0x9]  }
0xfa: {  	s3 =	sadd.s32 $0x1, s8;
	s8 =	rddreg [dreg:$0x8]  }
0xfb: {  	p0 =	sne.s32 s3, s8  }
.Ltmp1:
0xfc: {  	_ = 	snop;
	(pc) =	sbr.rel @p0 .LBB2_1-.Ltmp1, $3  }
0xfd: {  	_ =	sdelay $0x1  }
0xfe: {  	[sflag:s12] =	ssyncset.done $0x0  }
0xff: {  	[sflag:s12] =	ssyncadd.s32 $0xFFFFF600;
	[dreg:$0x9] =	wrdreg s3  }
0x100: {  	_ =	sfence.sel $0x180000  }
0x101: {  	[bflag:$0x0] =	sbarrier.arrive $0xFFFF  }
0x102: {  	_ =	strace $0x9000004A  }
0x103: {  	s0 =	stileid.u32;
	[bflag:$0x2] =	sbarrier.arrive $0xFFFF  }
0x104: {  	p0 =	sne.s32 s0, $0x0;
	s0 =	rddreg [dreg:$0x2]  }
0x105: {  	s0 =	sadd.s32 @!p0 $0x100000, s0  }
0x106: {  	[sflag:s0] =	ssyncadd.tile.s32 @!p0 $0x1;
	_ =	shalt  }
.Lfunc_end2:
_tile_overlayer_lowered:
.L_overlay_start_2:
0x107: {  	(tag) =	ssettag $0x2  }
0x108: {  	s0 =	rddreg [dreg:$0x0];
	s2 =	stileid.u32  }
0x109: {  	s1 =	rddreg [dreg:$0x1];
	p0 =	sne.s32 s2, $0x0  }
0x10a: {  	s3 =	rddreg [dreg:$0x2];
	[bflag:$0x3] =	sbarrier.arrive $0xFFFF;
	s2 =	simm.s32 @!p0 $0x1C11  }
0x10b: {  	[timem:s3], [sflag:s2] =	dma.local @!p0 [hbm:s0], s1  }
0x10c: {  	s0 =	simm.s32 @!p0 $0x11  }
0x10d: {  	_ =	swait.ge @!p0 [sflag:s0], s1  }
0x10e: {  	s1 =	ssub.s32 @!p0 $0x0, s1;
	[sflag:s0] =	ssyncset.done @!p0 $0x0  }
0x10f: {  	[sflag:s0] =	ssyncadd.s32 @!p0 s1  }
0x110: {  	[bflag:$0x3] =	sbarrier.arrive $0xFFFF  }
0x111: {  	_ =	shalt  }

// kernel: kernel.14.cloned.1.call-start
scs
__scs_entry_jumppad:
0x0: {  	(pc) =	sbr.rel $0x88, $3  }
0x1: {  	(tag) =	ssettag $0x0;
	lr =	simm.s32 $0x1  }
0x2: {  	[smem:$0x3F9B] =	sst lr;
	_ =	strace $0xD0000000  }
0x3: {  	_ = 	snop  }
0x4: {  	_ = 	snop  }
0x5: {  	_ = 	snop  }
0x6: {  	_ = 	snop  }
0x7: {  	_ = 	snop  }
__scs_overlays_trampoline_lowered:
0x8: {  	[smem:$0x3FAA] =	sst s0  }
0x9: {  	[smem:$0x3FAB] =	sst s1  }
0xa: {  	[smem:$0x3FAC] =	sst s2  }
0xb: {  	[smem:$0x3FAD] =	sst s3  }
0xc: {  	[smem:$0x3FAE] =	sst s4  }
0xd: {  	[smem:$0x3FAF] =	sst s5  }
0xe: {  	[smem:$0x3FB0] =	sst s6  }
0xf: {  	[smem:$0x3FB1] =	sst s7  }
0x10: {  	[smem:$0x3FB2] =	sst s8  }
0x11: {  	[smem:$0x3FB3] =	sst s9;
	s0 =	simm.s32 @!p0 $0x0  }
0x12: {  	s1 =	sld [smem:$0x3F99];
	s0 =	simm.s32 @p0 $0x1  }
0x13: {  	[smem:$0x3FB4] =	sst s0;
	s0 =	simm.s32 @!p1 $0x0  }
0x14: {  	s2 =	sld [smem:$0x3F98];
	s0 =	simm.s32 @p1 $0x1  }
0x15: {  	[smem:$0x3FB5] =	sst s0;
	s0 =	simm.s32 @!p2 $0x0  }
0x16: {  	s3 =	sld [smem:$0x3FDB];
	s0 =	simm.s32 @p2 $0x1  }
0x17: {  	s4 =	simm.s32 $0x1BF5;
	[smem:$0x3FB7] =	sst s0  }
0x18: {  	s0 =	sld [smem:$0x3F9A];
	_ =	swait.ge [sflag:s4], $0x0  }
0x19: {  	s7 =	sld [smem:$0x3F9B]  }
0x1a: {  	s8 =	sadd.s32 $0xFFFFE003, lr  }
0x1b: {  	s9 =	sadd.s32 $0xFFFFFEF7, lr;
	s5 =	simm.s32 $0xFFFFFFFF;
	p2 =	slt.u32 s8, $0xFFFFF086  }
0x1c: {  	p1 =	slt.u32 s9, $0xF7A;
	s5 =	simm.s32 @!p2 $0x0  }
0x1d: {  	s5 =	simm.s32 @p1 $0x1;
	p0 =	seq.s32 s7, s2  }
0x1e: {  	s7 =	smul.u32 @!p0 $0xF7A, s2;
	p2 =	seq.s32 @!p0 s5, $0x0  }
0x1f: {  	s9 =	smul.u32 $0xF7A, s1;
	s8 =	simm.s32 @!p0 $0x1BF5;
	p2 =	por !p2, p0  }
0x20: {  	[sflag:s8] =	ssyncset.s32 @!p0 $0xFFFFF086;
	s6 =	sadd.s32 @!p0 s3, s7;
	s7 =	simm.s32 @!p0 $0x108  }
0x21: {  	s3 =	sadd.s32 s3, s9;
	s6 =	sadd.s32 @!p0 $0x88, s6;
	s7 =	simm.s32 @p2 $0x1082  }
0x22: {  	[simem:s7], [sflag:s8] =	dma.local @!p0 [hbm:s6], $0xF7A  }
0x23: {  	s9 =	sor.u32 $0xD0000000, s2;
	s6 =	simm.s32 $0x108;
	_ =	swait.ge @!p0 [sflag:s8], $0x0  }
0x24: {  	s3 =	sadd.s32 $0x88, s3;
	s6 =	simm.s32 @!p1 $0x1082;
	[sflag:s4] =	ssyncset.s32 $0xFFFFF086  }
0x25: {  	[simem:s6], [sflag:s4] =	dma.local [hbm:s3], $0xF7A  }
0x26: {  	[smem:$0x3F9B] =	sst s1;
	(tag) =	ssettag s2;
	_ =	strace s9  }
0x27: {  	s1 =	sld [smem:$0x3FAB]  }
0x28: {  	s2 =	sld [smem:$0x3FAC]  }
0x29: {  	s4 =	sld [smem:$0x3FAE]  }
0x2a: {  	p0 =	seq.s32 s5, $0x0;
	s5 =	sld [smem:$0x3FAF]  }
0x2b: {  	s6 =	sld [smem:$0x3FB0]  }
0x2c: {  	s7 =	sld [smem:$0x3FB1]  }
0x2d: {  	s3 =	simm.s32 $0x108;
	s8 =	sld [smem:$0x3FB2]  }
0x2e: {  	s3 =	simm.s32 @!p0 $0x1082;
	s9 =	sld [smem:$0x3FB3]  }
0x2f: {  	lr =	sadd.s32 s0, s3;
	s0 =	sld [smem:$0x3FAA]  }
0x30: {  	s3 =	sld [smem:$0x3FAD]  }
0x31: {  	[smem:$0x3FB6] =	sst s10  }
0x32: {  	s10 =	sld [smem:$0x3FB4];
	_ =	sdelay $0x3  }
0x33: {  	p0 =	seq.s32 s10, $0x1;
	s10 =	sld [smem:$0x3FB6];
	_ =	sdelay $0x3  }
0x34: {  	[smem:$0x3FB6] =	sst s10  }
0x35: {  	s10 =	sld [smem:$0x3FB5];
	_ =	sdelay $0x3  }
0x36: {  	p1 =	seq.s32 s10, $0x1;
	s10 =	sld [smem:$0x3FB6];
	_ =	sdelay $0x3  }
0x37: {  	[smem:$0x3FB6] =	sst s10  }
0x38: {  	s10 =	sld [smem:$0x3FB7]  }
0x39: {  	_ = 	snop;
	(pc) =	sbr.ind lr, $3  }
0x3a: {  	_ = 	snop  }
0x3b: {  	_ = 	snop  }
0x3c: {  	p2 =	seq.s32 s10, $0x1;
	s10 =	sld [smem:$0x3FB6]  }
0x3d: {  	_ =	shalt  }
0x3e: {  	_ =	shalt  }
0x3f: {  	_ =	shalt  }
0x40: {  	_ =	shalt  }
0x41: {  	_ =	shalt  }
0x42: {  	_ =	shalt  }
0x43: {  	_ =	shalt  }
0x44: {  	_ =	shalt  }
0x45: {  	_ =	shalt  }
0x46: {  	_ =	shalt  }
0x47: {  	_ =	shalt  }
0x48: {  	_ =	shalt  }
0x49: {  	_ =	shalt  }
0x4a: {  	_ =	shalt  }
0x4b: {  	_ =	shalt  }
0x4c: {  	_ =	shalt  }
0x4d: {  	_ =	shalt  }
0x4e: {  	_ =	shalt  }
0x4f: {  	_ =	shalt  }
0x50: {  	_ =	shalt  }
0x51: {  	_ =	shalt  }
0x52: {  	_ =	shalt  }
0x53: {  	_ =	shalt  }
0x54: {  	_ =	shalt  }
0x55: {  	_ =	shalt  }
0x56: {  	_ =	shalt  }
0x57: {  	_ =	shalt  }
0x58: {  	_ =	shalt  }
0x59: {  	_ =	shalt  }
0x5a: {  	_ =	shalt  }
0x5b: {  	_ =	shalt  }
0x5c: {  	_ =	shalt  }
0x5d: {  	_ =	shalt  }
0x5e: {  	_ =	shalt  }
0x5f: {  	_ =	shalt  }
0x60: {  	_ =	shalt  }
0x61: {  	_ =	shalt  }
0x62: {  	_ =	shalt  }
0x63: {  	_ =	shalt  }
0x64: {  	_ =	shalt  }
0x65: {  	_ =	shalt  }
0x66: {  	_ =	shalt  }
0x67: {  	_ =	shalt  }
0x68: {  	_ =	shalt  }
0x69: {  	_ =	shalt  }
0x6a: {  	_ =	shalt  }
0x6b: {  	_ =	shalt  }
0x6c: {  	_ =	shalt  }
0x6d: {  	_ =	shalt  }
0x6e: {  	_ =	shalt  }
0x6f: {  	_ =	shalt  }
0x70: {  	_ =	shalt  }
0x71: {  	_ =	shalt  }
0x72: {  	_ =	shalt  }
0x73: {  	_ =	shalt  }
0x74: {  	_ =	shalt  }
0x75: {  	_ =	shalt  }
0x76: {  	_ =	shalt  }
0x77: {  	_ =	shalt  }
0x78: {  	_ =	shalt  }
0x79: {  	_ =	shalt  }
0x7a: {  	_ =	shalt  }
0x7b: {  	_ =	shalt  }
0x7c: {  	_ =	shalt  }
0x7d: {  	_ =	shalt  }
0x7e: {  	_ =	shalt  }
0x7f: {  	_ =	shalt  }
0x80: {  	_ =	shalt  }
0x81: {  	_ =	shalt  }
0x82: {  	_ =	shalt  }
0x83: {  	_ =	shalt  }
0x84: {  	_ =	shalt  }
0x85: {  	_ =	shalt  }
0x86: {  	_ =	shalt  }
0x87: {  	_ =	shalt  }
.Lfunc_end0:
.L_simem_size_0:
called_computation.2_lowered:
.L_overlay_start_0:
0x88: {  	s2 =	sld [smem:$0x3FD9]  }
0x89: {  	s3 =	sld [smem:$0x3FFE];
	_ =	sdelay $0x1  }
0x8a: {  	s1 =	srdreg.scid  }
0x8b: {  	s0 =	sand.u32 $0x1, s1  }
0x8c: {  	s17 =	sshll.u32 s0, $0xA;
	s2 =	sadd.s32 s3, s2  }
0x8d: {  	s2 =	sadd.s32 s2, s17  }
0x8e: {  	[smem:$0x3FC2] =	sst s2  }
0x8f: {  	_ = 	snop  }
0x90: {  	s2 =	sld [smem:$0x3FD0];
	(tm) =	ssettm $0x1  }
0x91: {  	s18 =	sld [smem:$0x3FFB];
	_ =	sdelay $0x3  }
0x92: {  	_ =	strace s18  }
0x93: {  	s3 =	sld [smem:$0x3FFC];
	_ =	sdelay $0x3  }
0x94: {  	_ =	strace s3  }
0x95: {  	s3 =	sld [smem:$0x3FFD];
	_ =	sdelay $0x3  }
0x96: {  	_ =	strace s3  }
0x97: {  	_ =	strace $0x8FFFFFFF  }
0x98: {  	s19 =	sld [smem:$0x3FDB];
	_ =	sdelay $0x1  }
0x99: {  	s4 =	simm.s32 $_scs_section_size  }
0x9a: {  	s5 =	simm.s32 $_size__tile_overlayer_lowered;
	s6 =	simm.s32 $_tile_overlayer_lowered  }
0x9b: {  	s22 =	simm.s32 $0x1BFF;
	s21 =	sshll.u32 s6, $0x1;
	s3 =	sadd.s32 s4, s19  }
0x9c: {  	s7 =	simm.s32 $0x0;
	s20 =	sshll.u32 s5, $0x1;
	s5 =	sadd.s32 s21, s3  }
0x9d: {  	[timem:s7], [sflag:s22] =	dma.local [hbm:s5], s20  }
0x9e: {  	_ =	swait.ge [sflag:s22], s20  }
0x9f: {  	s4 =	ssub.s32 $0x0, s20;
	[sflag:s22] =	ssyncset.done $0x0  }
0xa0: {  	[sflag:s22] =	ssyncadd.s32 s4;
	_ =	sdelay $0x1  }
0xa1: {  	s23 =	simm.s32 $0x1B8B  }
0xa2: {  	_ =	swait.ge [sflag:s23], $0x1  }
0xa3: {  	[sflag:s23] =	ssyncset.done $0x0  }
0xa4: {  	s25 =	simm.s32 $0x1B8E;
	s24 =	sld [smem:$0x3FFE];
	[sflag:s23] =	ssyncadd.s32 $0xFFFFFFFF  }
0xa5: {  	s26 =	simm.s32 $execute0_lowered;
	[smem:$0x3FD2] =	sst s25  }
0xa6: {  	s5 =	sshll.u32 s26, $0x1;
	_ =	strace $0x8000004C;
	[dreg:$0x1] =	wrdreg $0xFFFFFFFF  }
0xa7: {  	s28 =	simm.s32 $_size_execute0_lowered;
	s3 =	sadd.s32 s3, s5;
	[dreg:$0x0] =	wrdreg $0x0  }
0xa8: {  	s5 =	sshll.u32 s28, $0x1;
	[dreg:$0x2] =	wrdreg s3  }
0xa9: {  	[dreg:$0x3] =	wrdreg s5  }
0xaa: {  	[dreg:$0x4] =	wrdreg $0xC0  }
0xab: {  	_ =	task [dreg:s7], $0x5FFFF  }
0xac: {  	[dreg:$0x1] =	wrdreg $0xFFFFFFFF  }
0xad: {  	[dreg:$0x0] =	wrdreg $0x60  }
0xae: {  	[dreg:$0x2] =	wrdreg s2  }
0xaf: {  	[dreg:$0x3] =	wrdreg s24  }
0xb0: {  	[dreg:$0x4] =	wrdreg $0x90000  }
0xb1: {  	[dreg:$0x5] =	wrdreg $0x9  }
0xb2: {  	_ =	task.clear_ibuf [dreg:s7], $0x6FFFF;
	_ =	strace $0x9000004C  }
0xb3: {  	s29 =	simm.s32 $0x9;
	_ =	strace $0x8000004E  }
0xb4: {  	_ =	swait.ge [sflag:s29], $0x1  }
0xb5: {  	[sflag:s29] =	ssyncadd.s32 $0xFFFFFFFF  }
0xb6: {  	_ =	strace $0x9000004E  }
0xb7: {  	_ =	sfence  }
0xb8: {  	s30 =	sld [smem:$0x0];
	_ =	sdelay $0x2  }
0xb9: {  	s31 =	sshll.u32 s1, $0xD;
	s1 =	sshrl.u32 s1, $0x2  }
0xba: {  	s3 =	sand.u32 $0x4000, s31;
	s1 =	sadd.s32 s1, s30  }
0xbb: {  	s0 =	sor.u32 s3, s0;
	s1 =	sshll.u32 s1, $0x11  }
0xbc: {  	s0 =	sor.u32 s1, s0  }
0xbd: {  	s0 =	sadd.s32 $0x8F2B, s0  }
0xbe: {  	[sflag:s0] =	ssyncadd.remote.s32 $0x1  }
0xbf: {  	_ =	sfence.sel $0xFFFF  }
0xc0: {  	[dreg:$0x0] =	wrdreg $0xFFFFFFFF;
	(pc) =	sbr.abs _section_cstart, $3  }
0xc1: {  	[dreg:$0x1] =	wrdreg $0xFFFFFFFF  }
0xc2: {  	_ =	task.clear_ibuf [dreg:s7], $0x2FFFF;
	_ =	strace $0x9FFFFFFF  }
0xc3: {  	(tm) =	ssettm $0x7FFFFFFF  }
tec
execute0_lowered:
.L_overlay_start_1:
0x0: {  	(tag) =	ssettag $0x1  }
0x1: {  	s2 =	rddreg [dreg:$0x0]  }
0x2: {  	s0 =	rddreg [dreg:$0x1]  }
0x3: {  	s3 =	rddreg [dreg:$0x2]  }
0x4: {  	s9 =	stileid.u32;
	s1 =	srdreg.scid;
	s5 =	simm.s32 $0x0  }
0x5: {  	s14 =	simm.s32 $0x1;
	s15 =	simm.s32 $0x2;
	s16 =	simm.s32 $0x80  }
0x6: {  	s17 =	simm.s32 $0x5000;
	s18 =	simm.s32 $0x5800;
	s20 =	simm.s32 $0x6000  }
0x7: {  	s22 =	simm.s32 $0x6800;
	s24 =	simm.s32 $0x7000;
	s29 =	simm.s32 $0x8000  }
0x8: {  	s31 =	simm.s32 $0x8800;
	s19 =	simm.s32 $0x6;
	s21 =	simm.s32 $0x7  }
0x9: {  	s23 =	simm.s32 $0x8;
	s28 =	simm.s32 $0xA;
	s30 =	simm.s32 $0xB  }
0xa: {  	s12 =	simm.s32 $0x0;
	s4 =	smul.u32 $0x2800, s9;
	s1 =	sand.u32 $0x1, s1  }
0xb: {  	[smem:$0x7FF] =	sst s5;
	s25 =	sshll.u32 s1, $0x4;
	s6 =	smul.u32 $0x28000, s1  }
0xc: {  	_ =	strace $0x8000004D;
	s1 =	ssub.s32 $0x2, s1;
	[dreg:$0xa] =	wrdreg s12  }
0xd: {  	s7 =	sshrl.u32 s4, $0x3;
	s5 =	sor.u32 s9, s25;
	s8 =	sshrl.u32 s1, $0x1  }
0xe: {  	s25 =	simm.s32 $0x9;
	s5 =	smul.u32 $0x500, s5;
	s6 =	sadd.s32 s4, s6  }
0xf: {  	s7 =	sadd.s32 s7, s0;
	s1 =	ssub.s32 s1, s8;
	s8 =	sshll.u32 s9, $0x6  }
0x10: {  	s4 =	sadd.s32 s4, s3;
	s6 =	sshrl.u32 s6, $0x3;
	s9 =	sadd.s32 $0x15800, s7  }
0x11: {  	s13 =	sor.u32 $0x1C11, s8;
	s10 =	smax.u32 s1, $0x1;
	[dreg:$0x6] =	wrdreg s9  }
0x12: {  	s11 =	sshrl.u32 s4, $0x3;
	s1 =	simm.s32 $0x4;
	[dreg:$0x9] =	wrdreg s10  }
0x13: {  	s7 =	simm.s32 $0xE;
	s5 =	sadd.s32 s5, s0;
	[dreg:$0xb] =	wrdreg s11  }
0x14: {  	s0 =	sadd.s32 s6, s0;
	[dreg:$0x7] =	wrdreg s13;
	s26 =	sadd.s32 $0xB800, s5  }
0x15: {  	s11 =	simm.s32 $0x5;
	s5 =	sadd.s32 $0x1800, s5;
	[dreg:$0x4] =	wrdreg s26  }
0x16: {  	s6 =	simm.s32 $0xD;
	s0 =	sadd.s32 $0x1A800, s0;
	[dreg:$0x5] =	wrdreg s5  }
0x17: {  	s9 =	simm.s32 $0xF;
	s10 =	simm.s32 $0x10;
	[dreg:$0x8] =	wrdreg s0  }
0x18: {  	s26 =	simm.s32 $0x7800;
	s0 =	simm.s32 $0x3;
	s5 =	simm.s32 $0xC  }
.LBB2_1:
0x19: {  	s8 =	simm.s32 $0x0;
	s12 =	rddreg [dreg:$0x4]  }
0x1a: {  	[tilespmem:s8], [sflag:$0x1] =	stream.linear.gather [hbm4b:s12+s8], $0x2800, $0x38;
	[tilespmem:$0xB800] =	vst v63  }
0x1b: {  	s4 =	simm.s32 $0x2800;
	s12 =	rddreg [dreg:$0x5]  }
0x1c: {  	[tilespmem:s4], [sflag:$0x2] =	stream.linear.gather [hbm4b:s12+s8], $0x2800, $0x38;
	[tilespmem:$0xB800] =	vst v63  }
0x1d: {  	s4 =	rddreg [dreg:$0xb]  }
0x1e: {  	s12 =	rddreg [dreg:$0x6]  }
0x1f: {  	[spmem:s4], [sflag:s13] =	dma.local [hbm:s12], $0x500  }
0x20: {  	s13 =	simm.s32 $0x11  }
0x21: {  	_ =	swait.ge [sflag:s13], $0x500  }
0x22: {  	[sflag:s13] =	ssyncset.done $0x0  }
0x23: {  	[sflag:s13] =	ssyncadd.s32 $0xFFFFFB00  }
0x24: {  	_ =	swait.ge [sflag:s14], $0x2800  }
0x25: {  	[sflag:s14] =	ssyncset.done $0x0  }
0x26: {  	[sflag:s14] =	ssyncadd.s32 $0xFFFFD800  }
0x27: {  	_ =	swait.ge [sflag:s15], $0x2800  }
0x28: {  	[sflag:s15] =	ssyncset.done $0x0  }
0x29: {  	[sflag:s15] =	ssyncadd.s32 $0xFFFFD800  }
0x2a: {  	[bflag:$0x0] =	sbarrier.arrive $0xFFFF  }
0x2b: {  	[tilespmem:s17], [sflag:$0x1] =	stream.indirect.gather [hbm4b:s2+s16], $0x10, s8, s16, $0xb8;
	[tilespmem:$0xB800] =	vst v63  }
0x2c: {  	_ = 	snop  }
0x2d: {  	[tilespmem:s18], [sflag:$0x2] =	stream.indirect.gather [hbm4b:s2+s16], $0x10, s16, s16, $0xb8;
	[tilespmem:$0xB800] =	vst v63  }
0x2e: {  	s4 =	simm.s32 $0x100  }
0x2f: {  	[tilespmem:s20], [sflag:$0x3] =	stream.indirect.gather [hbm4b:s2+s16], $0x10, s4, s16, $0xb8;
	[tilespmem:$0xB800] =	vst v63  }
0x30: {  	s12 =	simm.s32 $0x180  }
0x31: {  	[tilespmem:s22], [sflag:$0x4] =	stream.indirect.gather [hbm4b:s2+s16], $0x10, s12, s16, $0xb8;
	[tilespmem:$0xB800] =	vst v63  }
0x32: {  	s13 =	simm.s32 $0x200  }
0x33: {  	[tilespmem:s24], [sflag:$0x5] =	stream.indirect.gather [hbm4b:s2+s16], $0x10, s13, s16, $0xb8;
	[tilespmem:$0xB800] =	vst v63  }
0x34: {  	s4 =	simm.s32 $0x280  }
0x35: {  	[tilespmem:s26], [sflag:$0x6] =	stream.indirect.gather [hbm4b:s2+s16], $0x10, s4, s16, $0xb8;
	[tilespmem:$0xB800] =	vst v63  }
0x36: {  	s12 =	simm.s32 $0x300  }
0x37: {  	[tilespmem:s29], [sflag:$0x7] =	stream.indirect.gather [hbm4b:s2+s16], $0x10, s12, s16, $0xb8;
	[tilespmem:$0xB800] =	vst v63  }
0x38: {  	s13 =	simm.s32 $0x380  }
0x39: {  	[tilespmem:s31], [sflag:$0x8] =	stream.indirect.gather [hbm4b:s2+s16], $0x10, s13, s16, $0xb8;
	[tilespmem:$0xB800] =	vst v63  }
0x3a: {  	_ =	swait.ge [sflag:s14], $0x800  }
0x3b: {  	[sflag:s14] =	ssyncset.done $0x0  }
0x3c: {  	s4 =	simm.s32 $0x2800;
	[sflag:s14] =	ssyncadd.s32 $0xFFFFF800  }
0x3d: {  	[spmem:s3] =	stream.indirect.scatter.add.f32 [tilespmem:s17], [sflag:$0x9], $0x10, s4, s16, $0xb8;
	[tilespmem:$0xB800] =	vst v63  }
0x3e: {  	_ =	swait.ge [sflag:s15], $0x800  }
0x3f: {  	[sflag:s15] =	ssyncset.done $0x0  }
0x40: {  	s12 =	simm.s32 $0x2880;
	[sflag:s15] =	ssyncadd.s32 $0xFFFFF800  }
0x41: {  	[spmem:s3] =	stream.indirect.scatter.add.f32 [tilespmem:s18], [sflag:$0xA], $0x10, s12, s16, $0xb8;
	[tilespmem:$0xB800] =	vst v63  }
0x42: {  	_ =	swait.ge [sflag:s0], $0x800  }
0x43: {  	[sflag:s0] =	ssyncset.done $0x0  }
0x44: {  	s13 =	simm.s32 $0x2900;
	[sflag:s0] =	ssyncadd.s32 $0xFFFFF800  }
0x45: {  	[spmem:s3] =	stream.indirect.scatter.add.f32 [tilespmem:s20], [sflag:$0xB], $0x10, s13, s16, $0xb8;
	[tilespmem:$0xB800] =	vst v63  }
0x46: {  	_ =	swait.ge [sflag:s1], $0x800  }
0x47: {  	[sflag:s1] =	ssyncset.done $0x0  }
0x48: {  	s4 =	simm.s32 $0x2980;
	[sflag:s1] =	ssyncadd.s32 $0xFFFFF800  }
0x49: {  	[spmem:s3] =	stream.indirect.scatter.add.f32 [tilespmem:s22], [sflag:$0xC], $0x10, s4, s16, $0xb8;
	[tilespmem:$0xB800] =	vst v63  }
0x4a: {  	_ =	swait.ge [sflag:s11], $0x800  }
0x4b: {  	[sflag:s11] =	ssyncset.done $0x0  }
0x4c: {  	s12 =	simm.s32 $0x2A00;
	[sflag:s11] =	ssyncadd.s32 $0xFFFFF800  }
0x4d: {  	[spmem:s3] =	stream.indirect.scatter.add.f32 [tilespmem:s24], [sflag:$0xD], $0x10, s12, s16, $0xb8;
	[tilespmem:$0xB800] =	vst v63  }
0x4e: {  	_ =	swait.ge [sflag:s19], $0x800  }
0x4f: {  	[sflag:s19] =	ssyncset.done $0x0  }
0x50: {  	s13 =	simm.s32 $0x2A80;
	[sflag:s19] =	ssyncadd.s32 $0xFFFFF800  }
0x51: {  	[spmem:s3] =	stream.indirect.scatter.add.f32 [tilespmem:s26], [sflag:$0xE], $0x10, s13, s16, $0xb8;
	[tilespmem:$0xB800] =	vst v63  }
0x52: {  	_ =	swait.ge [sflag:s21], $0x800  }
0x53: {  	[sflag:s21] =	ssyncset.done $0x0  }
0x54: {  	s4 =	simm.s32 $0x2B00;
	[sflag:s21] =	ssyncadd.s32 $0xFFFFF800  }
0x55: {  	[spmem:s3] =	stream.indirect.scatter.add.f32 [tilespmem:s29], [sflag:$0xF], $0x10, s4, s16, $0xb8;
	[tilespmem:$0xB800] =	vst v63  }
0x56: {  	_ =	swait.ge [sflag:s23], $0x800  }
0x57: {  	[sflag:s23] =	ssyncset.done $0x0  }
0x58: {  	s12 =	simm.s32 $0x2B80;
	[sflag:s23] =	ssyncadd.s32 $0xFFFFF800  }
0x59: {  	[spmem:s3] =	stream.indirect.scatter.add.f32 [tilespmem:s31], [sflag:$0x10], $0x10, s12, s16, $0xb8;
	[tilespmem:$0xB800] =	vst v63  }
0x5a: {  	_ =	swait.ge [sflag:s25], $0x800  }
0x5b: {  	[sflag:s25] =	ssyncset.done $0x0  }
0x5c: {  	s13 =	simm.s32 $0x400;
	[sflag:s25] =	ssyncadd.s32 $0xFFFFF800  }
0x5d: {  	[tilespmem:s17], [sflag:$0x1] =	stream.indirect.gather [hbm4b:s2+s16], $0x10, s13, s16, $0xb8;
	[tilespmem:$0xB800] =	vst v63  }
0x5e: {  	_ =	swait.ge [sflag:s28], $0x800  }
0x5f: {  	[sflag:s28] =	ssyncset.done $0x0  }
0x60: {  	s4 =	simm.s32 $0x480;
	[sflag:s28] =	ssyncadd.s32 $0xFFFFF800  }
0x61: {  	[tilespmem:s18], [sflag:$0x2] =	stream.indirect.gather [hbm4b:s2+s16], $0x10, s4, s16, $0xb8;
	[tilespmem:$0xB800] =	vst v63  }
0x62: {  	_ =	swait.ge [sflag:s30], $0x800  }
0x63: {  	[sflag:s30] =	ssyncset.done $0x0  }
0x64: {  	s12 =	simm.s32 $0x500;
	[sflag:s30] =	ssyncadd.s32 $0xFFFFF800  }
0x65: {  	[tilespmem:s20], [sflag:$0x3] =	stream.indirect.gather [hbm4b:s2+s16], $0x10, s12, s16, $0xb8;
	[tilespmem:$0xB800] =	vst v63  }
0x66: {  	_ =	swait.ge [sflag:s5], $0x800  }
0x67: {  	[sflag:s5] =	ssyncset.done $0x0  }
0x68: {  	s13 =	simm.s32 $0x580;
	[sflag:s5] =	ssyncadd.s32 $0xFFFFF800  }
0x69: {  	[tilespmem:s22], [sflag:$0x4] =	stream.indirect.gather [hbm4b:s2+s16], $0x10, s13, s16, $0xb8;
	[tilespmem:$0xB800] =	vst v63  }
0x6a: {  	_ =	swait.ge [sflag:s6], $0x800  }
0x6b: {  	[sflag:s6] =	ssyncset.done $0x0  }
0x6c: {  	s4 =	simm.s32 $0x600;
	[sflag:s6] =	ssyncadd.s32 $0xFFFFF800  }
0x6d: {  	[tilespmem:s24], [sflag:$0x5] =	stream.indirect.gather [hbm4b:s2+s16], $0x10, s4, s16, $0xb8;
	[tilespmem:$0xB800] =	vst v63  }
0x6e: {  	_ =	swait.ge [sflag:s7], $0x800  }
0x6f: {  	[sflag:s7] =	ssyncset.done $0x0  }
0x70: {  	s12 =	simm.s32 $0x680;
	[sflag:s7] =	ssyncadd.s32 $0xFFFFF800  }
0x71: {  	[tilespmem:s26], [sflag:$0x6] =	stream.indirect.gather [hbm4b:s2+s16], $0x10, s12, s16, $0xb8;
	[tilespmem:$0xB800] =	vst v63  }
0x72: {  	_ =	swait.ge [sflag:s9], $0x800  }
0x73: {  	[sflag:s9] =	ssyncset.done $0x0  }
0x74: {  	s13 =	simm.s32 $0x700;
	[sflag:s9] =	ssyncadd.s32 $0xFFFFF800  }
0x75: {  	[tilespmem:s29], [sflag:$0x7] =	stream.indirect.gather [hbm4b:s2+s16], $0x10, s13, s16, $0xb8;
	[tilespmem:$0xB800] =	vst v63  }
0x76: {  	_ =	swait.ge [sflag:s10], $0x800  }
0x77: {  	[sflag:s10] =	ssyncset.done $0x0  }
0x78: {  	s8 =	simm.s32 $0x1000;
	s12 =	simm.s32 $0x780;
	[sflag:s10] =	ssyncadd.s32 $0xFFFFF800  }
.LBB2_2:
0x79: {  	[tilespmem:s31], [sflag:$0x8] =	stream.indirect.gather [hbm4b:s2+s16], $0x10, s12, s16, $0xb8;
	[tilespmem:$0xB800] =	vst v63  }
0x7a: {  	s12 =	smov.u32 s8  }
0x7b: {  	p0 =	sne.s32 s8, $0x8000;
	s8 =	sadd.s32 $0x1000, s8;
	_ =	swait.ge [sflag:s14], $0x800  }
0x7c: {  	s12 =	sshra.s32 s12, $0x2;
	[sflag:s14] =	ssyncset.done $0x0  }
0x7d: {  	s13 =	sadd.s32 $0x2800, s12;
	[sflag:s14] =	ssyncadd.s32 $0xFFFFF800  }
0x7e: {  	[spmem:s3] =	stream.indirect.scatter.add.f32 [tilespmem:s17], [sflag:$0x9], $0x10, s13, s16, $0xb8;
	[tilespmem:$0xB800] =	vst v63  }
0x7f: {  	_ =	swait.ge [sflag:s15], $0x800  }
0x80: {  	[sflag:s15] =	ssyncset.done $0x0  }
0x81: {  	s13 =	sadd.s32 $0x2880, s12;
	[sflag:s15] =	ssyncadd.s32 $0xFFFFF800  }
0x82: {  	[spmem:s3] =	stream.indirect.scatter.add.f32 [tilespmem:s18], [sflag:$0xA], $0x10, s13, s16, $0xb8;
	[tilespmem:$0xB800] =	vst v63  }
0x83: {  	_ =	swait.ge [sflag:s0], $0x800  }
0x84: {  	[sflag:s0] =	ssyncset.done $0x0  }
0x85: {  	s13 =	sadd.s32 $0x2900, s12;
	[sflag:s0] =	ssyncadd.s32 $0xFFFFF800  }
0x86: {  	[spmem:s3] =	stream.indirect.scatter.add.f32 [tilespmem:s20], [sflag:$0xB], $0x10, s13, s16, $0xb8;
	[tilespmem:$0xB800] =	vst v63  }
0x87: {  	_ =	swait.ge [sflag:s1], $0x800  }
0x88: {  	[sflag:s1] =	ssyncset.done $0x0  }
0x89: {  	s13 =	sadd.s32 $0x2980, s12;
	[sflag:s1] =	ssyncadd.s32 $0xFFFFF800  }
0x8a: {  	[spmem:s3] =	stream.indirect.scatter.add.f32 [tilespmem:s22], [sflag:$0xC], $0x10, s13, s16, $0xb8;
	[tilespmem:$0xB800] =	vst v63  }
0x8b: {  	_ =	swait.ge [sflag:s11], $0x800  }
0x8c: {  	[sflag:s11] =	ssyncset.done $0x0  }
0x8d: {  	s13 =	sadd.s32 $0x2A00, s12;
	[sflag:s11] =	ssyncadd.s32 $0xFFFFF800  }
0x8e: {  	[spmem:s3] =	stream.indirect.scatter.add.f32 [tilespmem:s24], [sflag:$0xD], $0x10, s13, s16, $0xb8;
	[tilespmem:$0xB800] =	vst v63  }
0x8f: {  	_ =	swait.ge [sflag:s19], $0x800  }
0x90: {  	[sflag:s19] =	ssyncset.done $0x0  }
0x91: {  	s13 =	sadd.s32 $0x2A80, s12;
	[sflag:s19] =	ssyncadd.s32 $0xFFFFF800  }
0x92: {  	[spmem:s3] =	stream.indirect.scatter.add.f32 [tilespmem:s26], [sflag:$0xE], $0x10, s13, s16, $0xb8;
	[tilespmem:$0xB800] =	vst v63  }
0x93: {  	_ =	swait.ge [sflag:s21], $0x800  }
0x94: {  	[sflag:s21] =	ssyncset.done $0x0  }
0x95: {  	s13 =	sadd.s32 $0x2B00, s12;
	[sflag:s21] =	ssyncadd.s32 $0xFFFFF800  }
0x96: {  	[spmem:s3] =	stream.indirect.scatter.add.f32 [tilespmem:s29], [sflag:$0xF], $0x10, s13, s16, $0xb8;
	[tilespmem:$0xB800] =	vst v63  }
0x97: {  	_ =	swait.ge [sflag:s23], $0x800  }
0x98: {  	[sflag:s23] =	ssyncset.done $0x0  }
0x99: {  	s13 =	sadd.s32 $0x2B80, s12;
	[sflag:s23] =	ssyncadd.s32 $0xFFFFF800  }
0x9a: {  	[spmem:s3] =	stream.indirect.scatter.add.f32 [tilespmem:s31], [sflag:$0x10], $0x10, s13, s16, $0xb8;
	[tilespmem:$0xB800] =	vst v63  }
0x9b: {  	_ =	swait.ge [sflag:s25], $0x800  }
0x9c: {  	[sflag:s25] =	ssyncset.done $0x0  }
0x9d: {  	s13 =	sadd.s32 $0x400, s12;
	[sflag:s25] =	ssyncadd.s32 $0xFFFFF800  }
0x9e: {  	[tilespmem:s17], [sflag:$0x1] =	stream.indirect.gather [hbm4b:s2+s16], $0x10, s13, s16, $0xb8;
	[tilespmem:$0xB800] =	vst v63  }
0x9f: {  	_ =	swait.ge [sflag:s28], $0x800  }
0xa0: {  	[sflag:s28] =	ssyncset.done $0x0  }
0xa1: {  	s13 =	sadd.s32 $0x480, s12;
	[sflag:s28] =	ssyncadd.s32 $0xFFFFF800  }
0xa2: {  	[tilespmem:s18], [sflag:$0x2] =	stream.indirect.gather [hbm4b:s2+s16], $0x10, s13, s16, $0xb8;
	[tilespmem:$0xB800] =	vst v63  }
0xa3: {  	_ =	swait.ge [sflag:s30], $0x800  }
0xa4: {  	[sflag:s30] =	ssyncset.done $0x0  }
0xa5: {  	s13 =	sadd.s32 $0x500, s12;
	[sflag:s30] =	ssyncadd.s32 $0xFFFFF800  }
0xa6: {  	[tilespmem:s20], [sflag:$0x3] =	stream.indirect.gather [hbm4b:s2+s16], $0x10, s13, s16, $0xb8;
	[tilespmem:$0xB800] =	vst v63  }
0xa7: {  	_ =	swait.ge [sflag:s5], $0x800  }
0xa8: {  	[sflag:s5] =	ssyncset.done $0x0  }
0xa9: {  	s13 =	sadd.s32 $0x580, s12;
	[sflag:s5] =	ssyncadd.s32 $0xFFFFF800  }
0xaa: {  	[tilespmem:s22], [sflag:$0x4] =	stream.indirect.gather [hbm4b:s2+s16], $0x10, s13, s16, $0xb8;
	[tilespmem:$0xB800] =	vst v63  }
0xab: {  	_ =	swait.ge [sflag:s6], $0x800  }
0xac: {  	[sflag:s6] =	ssyncset.done $0x0  }
0xad: {  	s13 =	sadd.s32 $0x600, s12;
	[sflag:s6] =	ssyncadd.s32 $0xFFFFF800  }
0xae: {  	[tilespmem:s24], [sflag:$0x5] =	stream.indirect.gather [hbm4b:s2+s16], $0x10, s13, s16, $0xb8;
	[tilespmem:$0xB800] =	vst v63  }
0xaf: {  	_ =	swait.ge [sflag:s7], $0x800  }
0xb0: {  	[sflag:s7] =	ssyncset.done $0x0  }
0xb1: {  	s13 =	sadd.s32 $0x680, s12;
	[sflag:s7] =	ssyncadd.s32 $0xFFFFF800  }
0xb2: {  	[tilespmem:s26], [sflag:$0x6] =	stream.indirect.gather [hbm4b:s2+s16], $0x10, s13, s16, $0xb8;
	[tilespmem:$0xB800] =	vst v63  }
0xb3: {  	_ =	swait.ge [sflag:s9], $0x800  }
0xb4: {  	[sflag:s9] =	ssyncset.done $0x0  }
.Ltmp0:
0xb5: {  	s13 =	sadd.s32 $0x700, s12;
	[sflag:s9] =	ssyncadd.s32 $0xFFFFF800;
	(pc) =	sbr.rel @p0 .LBB2_2-.Ltmp0, $4  }
0xb6: {  	[tilespmem:s29], [sflag:$0x7] =	stream.indirect.gather [hbm4b:s2+s16], $0x10, s13, s16, $0xb8;
	[tilespmem:$0xB800] =	vst v63  }
0xb7: {  	_ =	swait.ge [sflag:s10], $0x800  }
0xb8: {  	[sflag:s10] =	ssyncset.done $0x0  }
0xb9: {  	s12 =	sadd.s32 $0x780, s12;
	[sflag:s10] =	ssyncadd.s32 $0xFFFFF800  }
0xba: {  	[tilespmem:s31], [sflag:$0x8] =	stream.indirect.gather [hbm4b:s2+s16], $0x10, s12, s16, $0xb8;
	[tilespmem:$0xB800] =	vst v63  }
0xbb: {  	_ =	swait.ge [sflag:s14], $0x800  }
0xbc: {  	[sflag:s14] =	ssyncset.done $0x0  }
0xbd: {  	s8 =	simm.s32 $0x4C00;
	[sflag:s14] =	ssyncadd.s32 $0xFFFFF800  }
0xbe: {  	[spmem:s3] =	stream.indirect.scatter.add.f32 [tilespmem:s17], [sflag:$0x9], $0x10, s8, s16, $0xb8;
	[tilespmem:$0xB800] =	vst v63  }
0xbf: {  	_ =	swait.ge [sflag:s15], $0x800  }
0xc0: {  	[sflag:s15] =	ssyncset.done $0x0  }
0xc1: {  	s4 =	simm.s32 $0x4C80;
	[sflag:s15] =	ssyncadd.s32 $0xFFFFF800  }
0xc2: {  	[spmem:s3] =	stream.indirect.scatter.add.f32 [tilespmem:s18], [sflag:$0xA], $0x10, s4, s16, $0xb8;
	[tilespmem:$0xB800] =	vst v63  }
0xc3: {  	_ =	swait.ge [sflag:s0], $0x800  }
0xc4: {  	[sflag:s0] =	ssyncset.done $0x0  }
0xc5: {  	s12 =	simm.s32 $0x4D00;
	[sflag:s0] =	ssyncadd.s32 $0xFFFFF800  }
0xc6: {  	[spmem:s3] =	stream.indirect.scatter.add.f32 [tilespmem:s20], [sflag:$0xB], $0x10, s12, s16, $0xb8;
	[tilespmem:$0xB800] =	vst v63  }
0xc7: {  	_ =	swait.ge [sflag:s1], $0x800  }
0xc8: {  	[sflag:s1] =	ssyncset.done $0x0  }
0xc9: {  	s13 =	simm.s32 $0x4D80;
	[sflag:s1] =	ssyncadd.s32 $0xFFFFF800  }
0xca: {  	[spmem:s3] =	stream.indirect.scatter.add.f32 [tilespmem:s22], [sflag:$0xC], $0x10, s13, s16, $0xb8;
	[tilespmem:$0xB800] =	vst v63  }
0xcb: {  	_ =	swait.ge [sflag:s11], $0x800  }
0xcc: {  	[sflag:s11] =	ssyncset.done $0x0  }
0xcd: {  	s4 =	simm.s32 $0x4E00;
	[sflag:s11] =	ssyncadd.s32 $0xFFFFF800  }
0xce: {  	[spmem:s3] =	stream.indirect.scatter.add.f32 [tilespmem:s24], [sflag:$0xD], $0x10, s4, s16, $0xb8;
	[tilespmem:$0xB800] =	vst v63  }
0xcf: {  	_ =	swait.ge [sflag:s19], $0x800  }
0xd0: {  	[sflag:s19] =	ssyncset.done $0x0  }
0xd1: {  	s12 =	simm.s32 $0x4E80;
	[sflag:s19] =	ssyncadd.s32 $0xFFFFF800  }
0xd2: {  	[spmem:s3] =	stream.indirect.scatter.add.f32 [tilespmem:s26], [sflag:$0xE], $0x10, s12, s16, $0xb8;
	[tilespmem:$0xB800] =	vst v63  }
0xd3: {  	_ =	swait.ge [sflag:s21], $0x800  }
0xd4: {  	[sflag:s21] =	ssyncset.done $0x0  }
0xd5: {  	s13 =	simm.s32 $0x4F00;
	[sflag:s21] =	ssyncadd.s32 $0xFFFFF800  }
0xd6: {  	[spmem:s3] =	stream.indirect.scatter.add.f32 [tilespmem:s29], [sflag:$0xF], $0x10, s13, s16, $0xb8;
	[tilespmem:$0xB800] =	vst v63  }
0xd7: {  	_ =	swait.ge [sflag:s23], $0x800  }
0xd8: {  	[sflag:s23] =	ssyncset.done $0x0  }
0xd9: {  	s4 =	simm.s32 $0x4F80;
	[sflag:s23] =	ssyncadd.s32 $0xFFFFF800  }
0xda: {  	[spmem:s3] =	stream.indirect.scatter.add.f32 [tilespmem:s31], [sflag:$0x10], $0x10, s4, s16, $0xb8;
	[tilespmem:$0xB800] =	vst v63  }
0xdb: {  	_ =	swait.ge [sflag:s25], $0x800  }
0xdc: {  	[sflag:s25] =	ssyncset.done $0x0  }
0xdd: {  	[sflag:s25] =	ssyncadd.s32 $0xFFFFF800  }
0xde: {  	_ =	swait.ge [sflag:s28], $0x800  }
0xdf: {  	[sflag:s28] =	ssyncset.done $0x0  }
0xe0: {  	[sflag:s28] =	ssyncadd.s32 $0xFFFFF800  }
0xe1: {  	_ =	swait.ge [sflag:s30], $0x800  }
0xe2: {  	[sflag:s30] =	ssyncset.done $0x0  }
0xe3: {  	[sflag:s30] =	ssyncadd.s32 $0xFFFFF800  }
0xe4: {  	_ =	swait.ge [sflag:s5], $0x800  }
0xe5: {  	[sflag:s5] =	ssyncset.done $0x0  }
0xe6: {  	[sflag:s5] =	ssyncadd.s32 $0xFFFFF800  }
0xe7: {  	_ =	swait.ge [sflag:s6], $0x800  }
0xe8: {  	[sflag:s6] =	ssyncset.done $0x0  }
0xe9: {  	[sflag:s6] =	ssyncadd.s32 $0xFFFFF800  }
0xea: {  	_ =	swait.ge [sflag:s7], $0x800  }
0xeb: {  	[sflag:s7] =	ssyncset.done $0x0  }
0xec: {  	[sflag:s7] =	ssyncadd.s32 $0xFFFFF800  }
0xed: {  	_ =	swait.ge [sflag:s9], $0x800  }
0xee: {  	[sflag:s9] =	ssyncset.done $0x0  }
0xef: {  	[sflag:s9] =	ssyncadd.s32 $0xFFFFF800  }
0xf0: {  	_ =	swait.ge [sflag:s10], $0x800  }
0xf1: {  	[sflag:s10] =	ssyncset.done $0x0  }
0xf2: {  	[sflag:s10] =	ssyncadd.s32 $0xFFFFF800  }
0xf3: {  	[bflag:$0x0] =	sbarrier.arrive $0xFFFF  }
0xf4: {  	s13 =	rddreg [dreg:$0x7]  }
0xf5: {  	s12 =	rddreg [dreg:$0x8]  }
0xf6: {  	s4 =	rddreg [dreg:$0xb]  }
0xf7: {  	[hbm:s12], [sflag:s13] =	dma.local [spmem:s4], $0x500  }
0xf8: {  	s12 =	simm.s32 $0x11  }
0xf9: {  	_ =	swait.ge [sflag:s12], $0x500  }
0xfa: {  	s8 =	rddreg [dreg:$0xa]  }
0xfb: {  	s4 =	sadd.s32 $0x1, s8;
	s8 =	rddreg [dreg:$0x9]  }
0xfc: {  	p0 =	sne.s32 s4, s8  }
.Ltmp1:
0xfd: {  	_ = 	snop;
	(pc) =	sbr.rel @p0 .LBB2_1-.Ltmp1, $3  }
0xfe: {  	_ =	sdelay $0x1  }
0xff: {  	[sflag:s12] =	ssyncset.done $0x0  }
0x100: {  	[sflag:s12] =	ssyncadd.s32 $0xFFFFFB00;
	[dreg:$0xa] =	wrdreg s4  }
0x101: {  	_ =	sfence.sel $0x180000  }
0x102: {  	[bflag:$0x0] =	sbarrier.arrive $0xFFFF  }
0x103: {  	_ =	strace $0x9000004D  }
0x104: {  	s0 =	stileid.u32;
	[bflag:$0x2] =	sbarrier.arrive $0xFFFF  }
0x105: {  	p0 =	sne.s32 s0, $0x0;
	s0 =	rddreg [dreg:$0x3]  }
0x106: {  	s0 =	sadd.s32 @!p0 $0x100000, s0  }
0x107: {  	[sflag:s0] =	ssyncadd.tile.s32 @!p0 $0x1;
	_ =	shalt  }
.Lfunc_end2:
_tile_overlayer_lowered:
.L_overlay_start_2:
0x108: {  	(tag) =	ssettag $0x2  }
0x109: {  	s0 =	rddreg [dreg:$0x0];
	s2 =	stileid.u32  }
0x10a: {  	s1 =	rddreg [dreg:$0x1];
	p0 =	sne.s32 s2, $0x0  }
0x10b: {  	s3 =	rddreg [dreg:$0x2];
	[bflag:$0x3] =	sbarrier.arrive $0xFFFF;
	s2 =	simm.s32 @!p0 $0x1C11  }
0x10c: {  	[timem:s3], [sflag:s2] =	dma.local @!p0 [hbm:s0], s1  }
0x10d: {  	s0 =	simm.s32 @!p0 $0x11  }
0x10e: {  	_ =	swait.ge @!p0 [sflag:s0], s1  }
0x10f: {  	s1 =	ssub.s32 @!p0 $0x0, s1;
	[sflag:s0] =	ssyncset.done @!p0 $0x0  }
0x110: {  	[sflag:s0] =	ssyncadd.s32 @!p0 s1  }
0x111: {  	[bflag:$0x3] =	sbarrier.arrive $0xFFFF  }
0x112: {  	_ =	shalt  }

// kernel: kernel.8.cloned.1.call-start
scs
__scs_entry_jumppad:
0x0: {  	(pc) =	sbr.rel $0x88, $3  }
0x1: {  	(tag) =	ssettag $0x0;
	lr =	simm.s32 $0x1  }
0x2: {  	[smem:$0x3F9B] =	sst lr;
	_ =	strace $0xD0000000  }
0x3: {  	_ = 	snop  }
0x4: {  	_ = 	snop  }
0x5: {  	_ = 	snop  }
0x6: {  	_ = 	snop  }
0x7: {  	_ = 	snop  }
__scs_overlays_trampoline_lowered:
0x8: {  	[smem:$0x3FAA] =	sst s0  }
0x9: {  	[smem:$0x3FAB] =	sst s1  }
0xa: {  	[smem:$0x3FAC] =	sst s2  }
0xb: {  	[smem:$0x3FAD] =	sst s3  }
0xc: {  	[smem:$0x3FAE] =	sst s4  }
0xd: {  	[smem:$0x3FAF] =	sst s5  }
0xe: {  	[smem:$0x3FB0] =	sst s6  }
0xf: {  	[smem:$0x3FB1] =	sst s7  }
0x10: {  	[smem:$0x3FB2] =	sst s8  }
0x11: {  	[smem:$0x3FB3] =	sst s9;
	s0 =	simm.s32 @!p0 $0x0  }
0x12: {  	s1 =	sld [smem:$0x3F99];
	s0 =	simm.s32 @p0 $0x1  }
0x13: {  	[smem:$0x3FB4] =	sst s0;
	s0 =	simm.s32 @!p1 $0x0  }
0x14: {  	s2 =	sld [smem:$0x3F98];
	s0 =	simm.s32 @p1 $0x1  }
0x15: {  	[smem:$0x3FB5] =	sst s0;
	s0 =	simm.s32 @!p2 $0x0  }
0x16: {  	s3 =	sld [smem:$0x3FDB];
	s0 =	simm.s32 @p2 $0x1  }
0x17: {  	s4 =	simm.s32 $0x1BF5;
	[smem:$0x3FB7] =	sst s0  }
0x18: {  	s0 =	sld [smem:$0x3F9A];
	_ =	swait.ge [sflag:s4], $0x0  }
0x19: {  	s7 =	sld [smem:$0x3F9B]  }
0x1a: {  	s8 =	sadd.s32 $0xFFFFE003, lr  }
0x1b: {  	s9 =	sadd.s32 $0xFFFFFEF7, lr;
	s5 =	simm.s32 $0xFFFFFFFF;
	p2 =	slt.u32 s8, $0xFFFFF086  }
0x1c: {  	p1 =	slt.u32 s9, $0xF7A;
	s5 =	simm.s32 @!p2 $0x0  }
0x1d: {  	s5 =	simm.s32 @p1 $0x1;
	p0 =	seq.s32 s7, s2  }
0x1e: {  	s7 =	smul.u32 @!p0 $0xF7A, s2;
	p2 =	seq.s32 @!p0 s5, $0x0  }
0x1f: {  	s9 =	smul.u32 $0xF7A, s1;
	s8 =	simm.s32 @!p0 $0x1BF5;
	p2 =	por !p2, p0  }
0x20: {  	[sflag:s8] =	ssyncset.s32 @!p0 $0xFFFFF086;
	s6 =	sadd.s32 @!p0 s3, s7;
	s7 =	simm.s32 @!p0 $0x108  }
0x21: {  	s3 =	sadd.s32 s3, s9;
	s6 =	sadd.s32 @!p0 $0x88, s6;
	s7 =	simm.s32 @p2 $0x1082  }
0x22: {  	[simem:s7], [sflag:s8] =	dma.local @!p0 [hbm:s6], $0xF7A  }
0x23: {  	s9 =	sor.u32 $0xD0000000, s2;
	s6 =	simm.s32 $0x108;
	_ =	swait.ge @!p0 [sflag:s8], $0x0  }
0x24: {  	s3 =	sadd.s32 $0x88, s3;
	s6 =	simm.s32 @!p1 $0x1082;
	[sflag:s4] =	ssyncset.s32 $0xFFFFF086  }
0x25: {  	[simem:s6], [sflag:s4] =	dma.local [hbm:s3], $0xF7A  }
0x26: {  	[smem:$0x3F9B] =	sst s1;
	(tag) =	ssettag s2;
	_ =	strace s9  }
0x27: {  	s1 =	sld [smem:$0x3FAB]  }
0x28: {  	s2 =	sld [smem:$0x3FAC]  }
0x29: {  	s4 =	sld [smem:$0x3FAE]  }
0x2a: {  	p0 =	seq.s32 s5, $0x0;
	s5 =	sld [smem:$0x3FAF]  }
0x2b: {  	s6 =	sld [smem:$0x3FB0]  }
0x2c: {  	s7 =	sld [smem:$0x3FB1]  }
0x2d: {  	s3 =	simm.s32 $0x108;
	s8 =	sld [smem:$0x3FB2]  }
0x2e: {  	s3 =	simm.s32 @!p0 $0x1082;
	s9 =	sld [smem:$0x3FB3]  }
0x2f: {  	lr =	sadd.s32 s0, s3;
	s0 =	sld [smem:$0x3FAA]  }
0x30: {  	s3 =	sld [smem:$0x3FAD]  }
0x31: {  	[smem:$0x3FB6] =	sst s10  }
0x32: {  	s10 =	sld [smem:$0x3FB4];
	_ =	sdelay $0x3  }
0x33: {  	p0 =	seq.s32 s10, $0x1;
	s10 =	sld [smem:$0x3FB6];
	_ =	sdelay $0x3  }
0x34: {  	[smem:$0x3FB6] =	sst s10  }
0x35: {  	s10 =	sld [smem:$0x3FB5];
	_ =	sdelay $0x3  }
0x36: {  	p1 =	seq.s32 s10, $0x1;
	s10 =	sld [smem:$0x3FB6];
	_ =	sdelay $0x3  }
0x37: {  	[smem:$0x3FB6] =	sst s10  }
0x38: {  	s10 =	sld [smem:$0x3FB7]  }
0x39: {  	_ = 	snop;
	(pc) =	sbr.ind lr, $3  }
0x3a: {  	_ = 	snop  }
0x3b: {  	_ = 	snop  }
0x3c: {  	p2 =	seq.s32 s10, $0x1;
	s10 =	sld [smem:$0x3FB6]  }
0x3d: {  	_ =	shalt  }
0x3e: {  	_ =	shalt  }
0x3f: {  	_ =	shalt  }
0x40: {  	_ =	shalt  }
0x41: {  	_ =	shalt  }
0x42: {  	_ =	shalt  }
0x43: {  	_ =	shalt  }
0x44: {  	_ =	shalt  }
0x45: {  	_ =	shalt  }
0x46: {  	_ =	shalt  }
0x47: {  	_ =	shalt  }
0x48: {  	_ =	shalt  }
0x49: {  	_ =	shalt  }
0x4a: {  	_ =	shalt  }
0x4b: {  	_ =	shalt  }
0x4c: {  	_ =	shalt  }
0x4d: {  	_ =	shalt  }
0x4e: {  	_ =	shalt  }
0x4f: {  	_ =	shalt  }
0x50: {  	_ =	shalt  }
0x51: {  	_ =	shalt  }
0x52: {  	_ =	shalt  }
0x53: {  	_ =	shalt  }
0x54: {  	_ =	shalt  }
0x55: {  	_ =	shalt  }
0x56: {  	_ =	shalt  }
0x57: {  	_ =	shalt  }
0x58: {  	_ =	shalt  }
0x59: {  	_ =	shalt  }
0x5a: {  	_ =	shalt  }
0x5b: {  	_ =	shalt  }
0x5c: {  	_ =	shalt  }
0x5d: {  	_ =	shalt  }
0x5e: {  	_ =	shalt  }
0x5f: {  	_ =	shalt  }
0x60: {  	_ =	shalt  }
0x61: {  	_ =	shalt  }
0x62: {  	_ =	shalt  }
0x63: {  	_ =	shalt  }
0x64: {  	_ =	shalt  }
0x65: {  	_ =	shalt  }
0x66: {  	_ =	shalt  }
0x67: {  	_ =	shalt  }
0x68: {  	_ =	shalt  }
0x69: {  	_ =	shalt  }
0x6a: {  	_ =	shalt  }
0x6b: {  	_ =	shalt  }
0x6c: {  	_ =	shalt  }
0x6d: {  	_ =	shalt  }
0x6e: {  	_ =	shalt  }
0x6f: {  	_ =	shalt  }
0x70: {  	_ =	shalt  }
0x71: {  	_ =	shalt  }
0x72: {  	_ =	shalt  }
0x73: {  	_ =	shalt  }
0x74: {  	_ =	shalt  }
0x75: {  	_ =	shalt  }
0x76: {  	_ =	shalt  }
0x77: {  	_ =	shalt  }
0x78: {  	_ =	shalt  }
0x79: {  	_ =	shalt  }
0x7a: {  	_ =	shalt  }
0x7b: {  	_ =	shalt  }
0x7c: {  	_ =	shalt  }
0x7d: {  	_ =	shalt  }
0x7e: {  	_ =	shalt  }
0x7f: {  	_ =	shalt  }
0x80: {  	_ =	shalt  }
0x81: {  	_ =	shalt  }
0x82: {  	_ =	shalt  }
0x83: {  	_ =	shalt  }
0x84: {  	_ =	shalt  }
0x85: {  	_ =	shalt  }
0x86: {  	_ =	shalt  }
0x87: {  	_ =	shalt  }
.Lfunc_end0:
.L_simem_size_0:
called_computation_lowered:
.L_overlay_start_0:
0x88: {  	s2 =	sld [smem:$0x3FD9]  }
0x89: {  	s3 =	sld [smem:$0x3FFE];
	_ =	sdelay $0x1  }
0x8a: {  	s1 =	srdreg.scid  }
0x8b: {  	s0 =	sand.u32 $0x1, s1  }
0x8c: {  	s17 =	sshll.u32 s0, $0xA;
	s2 =	sadd.s32 s3, s2  }
0x8d: {  	s2 =	sadd.s32 s2, s17  }
0x8e: {  	[smem:$0x3FC2] =	sst s2  }
0x8f: {  	_ = 	snop  }
0x90: {  	s2 =	sld [smem:$0x3FD0];
	(tm) =	ssettm $0x1  }
0x91: {  	s18 =	sld [smem:$0x3FFB];
	_ =	sdelay $0x3  }
0x92: {  	_ =	strace s18  }
0x93: {  	s3 =	sld [smem:$0x3FFC];
	_ =	sdelay $0x3  }
0x94: {  	_ =	strace s3  }
0x95: {  	s3 =	sld [smem:$0x3FFD];
	_ =	sdelay $0x3  }
0x96: {  	_ =	strace s3  }
0x97: {  	_ =	strace $0x8FFFFFFF  }
0x98: {  	s19 =	sld [smem:$0x3FDB];
	_ =	sdelay $0x1  }
0x99: {  	s4 =	simm.s32 $_scs_section_size  }
0x9a: {  	s5 =	simm.s32 $_size__tile_overlayer_lowered;
	s6 =	simm.s32 $_tile_overlayer_lowered  }
0x9b: {  	s22 =	simm.s32 $0x1BFF;
	s21 =	sshll.u32 s6, $0x1;
	s3 =	sadd.s32 s4, s19  }
0x9c: {  	s7 =	simm.s32 $0x0;
	s20 =	sshll.u32 s5, $0x1;
	s5 =	sadd.s32 s21, s3  }
0x9d: {  	[timem:s7], [sflag:s22] =	dma.local [hbm:s5], s20  }
0x9e: {  	_ =	swait.ge [sflag:s22], s20  }
0x9f: {  	s4 =	ssub.s32 $0x0, s20;
	[sflag:s22] =	ssyncset.done $0x0  }
0xa0: {  	[sflag:s22] =	ssyncadd.s32 s4;
	_ =	sdelay $0x1  }
0xa1: {  	s23 =	simm.s32 $0x1B8B  }
0xa2: {  	_ =	swait.ge [sflag:s23], $0x1  }
0xa3: {  	[sflag:s23] =	ssyncset.done $0x0  }
0xa4: {  	s25 =	simm.s32 $0x1B8E;
	s24 =	sld [smem:$0x3FFE];
	[sflag:s23] =	ssyncadd.s32 $0xFFFFFFFF  }
0xa5: {  	s26 =	simm.s32 $execute0_lowered;
	[smem:$0x3FD2] =	sst s25  }
0xa6: {  	s5 =	sshll.u32 s26, $0x1;
	_ =	strace $0x80000046;
	[dreg:$0x1] =	wrdreg $0xFFFFFFFF  }
0xa7: {  	s28 =	simm.s32 $_size_execute0_lowered;
	s3 =	sadd.s32 s3, s5;
	[dreg:$0x0] =	wrdreg $0x0  }
0xa8: {  	s5 =	sshll.u32 s28, $0x1;
	[dreg:$0x2] =	wrdreg s3  }
0xa9: {  	[dreg:$0x3] =	wrdreg s5  }
0xaa: {  	[dreg:$0x4] =	wrdreg $0xC0  }
0xab: {  	_ =	task [dreg:s7], $0x5FFFF  }
0xac: {  	[dreg:$0x1] =	wrdreg $0xFFFFFFFF  }
0xad: {  	[dreg:$0x0] =	wrdreg $0x60  }
0xae: {  	[dreg:$0x2] =	wrdreg s24  }
0xaf: {  	[dreg:$0x3] =	wrdreg s2  }
0xb0: {  	[dreg:$0x4] =	wrdreg $0x2B000  }
0xb1: {  	[dreg:$0x5] =	wrdreg $0x9  }
0xb2: {  	_ =	task.clear_ibuf [dreg:s7], $0x6FFFF;
	_ =	strace $0x90000046  }
0xb3: {  	s29 =	simm.s32 $0x9;
	_ =	strace $0x80000048  }
0xb4: {  	_ =	swait.ge [sflag:s29], $0x1  }
0xb5: {  	[sflag:s29] =	ssyncadd.s32 $0xFFFFFFFF  }
0xb6: {  	_ =	strace $0x90000048  }
0xb7: {  	_ =	sfence  }
0xb8: {  	s30 =	sld [smem:$0x0];
	_ =	sdelay $0x2  }
0xb9: {  	s31 =	sshll.u32 s1, $0xD;
	s1 =	sshrl.u32 s1, $0x2  }
0xba: {  	s3 =	sand.u32 $0x4000, s31;
	s1 =	sadd.s32 s1, s30  }
0xbb: {  	s0 =	sor.u32 s3, s0;
	s1 =	sshll.u32 s1, $0x11  }
0xbc: {  	s0 =	sor.u32 s1, s0  }
0xbd: {  	s0 =	sadd.s32 $0x8F2B, s0  }
0xbe: {  	[sflag:s0] =	ssyncadd.remote.s32 $0x1  }
0xbf: {  	_ =	sfence.sel $0xFFFF  }
0xc0: {  	[dreg:$0x0] =	wrdreg $0xFFFFFFFF;
	(pc) =	sbr.abs _section_cstart, $3  }
0xc1: {  	[dreg:$0x1] =	wrdreg $0xFFFFFFFF  }
0xc2: {  	_ =	task.clear_ibuf [dreg:s7], $0x2FFFF;
	_ =	strace $0x9FFFFFFF  }
0xc3: {  	(tm) =	ssettm $0x7FFFFFFF  }
tec
execute0_lowered:
.L_overlay_start_1:
0x0: {  	(tag) =	ssettag $0x1  }
0x1: {  	s4 =	rddreg [dreg:$0x0]  }
0x2: {  	s6 =	rddreg [dreg:$0x1];
	s0 =	srdreg.scid  }
0x3: {  	s2 =	rddreg [dreg:$0x2];
	s1 =	stileid.u32;
	s3 =	simm.s32 $0x0  }
0x4: {  	s11 =	simm.s32 $0x2800;
	s5 =	sand.u32 $0x1, s0;
	s0 =	rddreg [dreg:$0x3]  }
0x5: {  	s14 =	simm.s32 $0x0;
	s8 =	smul.u32 $0x280, s1;
	[smem:$0x7FF] =	sst s3  }
0x6: {  	s12 =	sshll.u32 s1, $0x6;
	s7 =	sshll.u32 s5, $0x4;
	s9 =	smul.u32 $0x2800, s5  }
0x7: {  	s5 =	ssub.s32 $0x2, s5;
	_ =	strace $0x80000047;
	s7 =	sor.u32 s1, s7  }
0x8: {  	s12 =	sor.u32 $0x1C01, s12;
	s10 =	sshrl.u32 s5, $0x1;
	s7 =	smul.u32 $0x500, s7  }
0x9: {  	s9 =	sadd.s32 s8, s9;
	s31 =	ssub.s32 s5, s10;
	s5 =	sadd.s32 s8, s2  }
0xa: {  	s8 =	simm.s32 $0x1;
	s10 =	simm.s32 $0x80;
	s9 =	sshrl.u32 s9, $0x3  }
0xb: {  	s13 =	sshrl.u32 s5, $0x3;
	s4 =	sadd.s32 s7, s4;
	s6 =	sadd.s32 s6, s9  }
0xc: {  	v0 =	vimm.f32 $1.000000000e+00;
	v1 =	vimm.f32 $0.0e+00;
	s7 =	smax.u32 s31, $0x1;
	s9 =	simm.s32 $0x2880;
	s4 =	sadd.s32 $0x1800, s4  }
.LBB2_1:
0xd: {  	[tilespmem:s3], [sflag:$0x1] =	stream.linear.gather [hbm4b:s4+s3], $0x2800, $0x38;
	[tilespmem:$0x2D80] =	vst v63  }
0xe: {  	_ =	swait.ge [sflag:s8], $0x2800  }
0xf: {  	[sflag:s8] =	ssyncset.done $0x0  }
0x10: {  	[sflag:s8] =	ssyncadd.s32 $0xFFFFD800  }
0x11: {  	[tilespmem:$0x2800] =	vst v0  }
0x12: {  	[tilespmem:$0x2810] =	vst v0  }
0x13: {  	[tilespmem:$0x2820] =	vst v0  }
0x14: {  	[tilespmem:$0x2830] =	vst v0  }
0x15: {  	[tilespmem:$0x2840] =	vst v0  }
0x16: {  	[tilespmem:$0x2850] =	vst v0  }
0x17: {  	[tilespmem:$0x2860] =	vst v0  }
0x18: {  	[tilespmem:$0x2870] =	vst v0  }
0x19: {  	[tilespmem:$0x2880] =	vst v1  }
0x1a: {  	[tilespmem:$0x2890] =	vst v1  }
0x1b: {  	[tilespmem:$0x28A0] =	vst v1  }
0x1c: {  	[tilespmem:$0x28B0] =	vst v1  }
0x1d: {  	[tilespmem:$0x28C0] =	vst v1  }
0x1e: {  	[tilespmem:$0x28D0] =	vst v1  }
0x1f: {  	[tilespmem:$0x28E0] =	vst v1  }
0x20: {  	[tilespmem:$0x28F0] =	vst v1  }
0x21: {  	[tilespmem:$0x2900] =	vst v1  }
0x22: {  	[tilespmem:$0x2910] =	vst v1  }
0x23: {  	[tilespmem:$0x2920] =	vst v1  }
0x24: {  	[tilespmem:$0x2930] =	vst v1  }
0x25: {  	[tilespmem:$0x2940] =	vst v1  }
0x26: {  	[tilespmem:$0x2950] =	vst v1  }
0x27: {  	[tilespmem:$0x2960] =	vst v1  }
0x28: {  	[tilespmem:$0x2970] =	vst v1  }
0x29: {  	[tilespmem:$0x2980] =	vst v1  }
0x2a: {  	[tilespmem:$0x2990] =	vst v1  }
0x2b: {  	[tilespmem:$0x29A0] =	vst v1  }
0x2c: {  	[tilespmem:$0x29B0] =	vst v1  }
0x2d: {  	[tilespmem:$0x29C0] =	vst v1  }
0x2e: {  	[tilespmem:$0x29D0] =	vst v1  }
0x2f: {  	[tilespmem:$0x29E0] =	vst v1  }
0x30: {  	[tilespmem:$0x29F0] =	vst v1  }
0x31: {  	[tilespmem:$0x2A00] =	vst v1  }
0x32: {  	[tilespmem:$0x2A10] =	vst v1  }
0x33: {  	[tilespmem:$0x2A20] =	vst v1  }
0x34: {  	[tilespmem:$0x2A30] =	vst v1  }
0x35: {  	[tilespmem:$0x2A40] =	vst v1  }
0x36: {  	[tilespmem:$0x2A50] =	vst v1  }
0x37: {  	[tilespmem:$0x2A60] =	vst v1  }
0x38: {  	[tilespmem:$0x2A70] =	vst v1  }
0x39: {  	[tilespmem:$0x2A80] =	vst v1  }
0x3a: {  	[tilespmem:$0x2A90] =	vst v1  }
0x3b: {  	[tilespmem:$0x2AA0] =	vst v1  }
0x3c: {  	[tilespmem:$0x2AB0] =	vst v1  }
0x3d: {  	[tilespmem:$0x2AC0] =	vst v1  }
0x3e: {  	[tilespmem:$0x2AD0] =	vst v1  }
0x3f: {  	[tilespmem:$0x2AE0] =	vst v1  }
0x40: {  	[tilespmem:$0x2AF0] =	vst v1  }
0x41: {  	[spmem:s5] =	stream.linear.scatter [tilespmem:s9], [sflag:$0x1], $0x280, $0x38;
	[tilespmem:$0x2D80] =	vst v63  }
0x42: {  	_ =	swait.ge [sflag:s8], $0x280  }
0x43: {  	[sflag:s8] =	ssyncset.done $0x0  }
0x44: {  	[sflag:s8] =	ssyncadd.s32 $0xFFFFFD80  }
0x45: {  	s15 =	simm.s32 $0x0;
	[bflag:$0x0] =	sbarrier.arrive $0xFFFF  }
0x46: {  	[spmem:s2] =	stream.indirect.scatter.add.f32 [tilespmem:s11], [sflag:$0x1], $0x1, s15, s10, $0xb8;
	[tilespmem:$0x2D80] =	vst v63  }
0x47: {  	_ =	swait.ge [sflag:s8], $0x80  }
0x48: {  	s15 =	simm.s32 $0x200;
	[sflag:s8] =	ssyncset.done $0x0  }
.LBB2_2:
0x49: {  	s16 =	sshra.s32 s15, $0x2;
	[sflag:s8] =	ssyncadd.s32 $0xFFFFFF80;
	p0 =	sne.s32 s15, $0x9E00  }
0x4a: {  	[spmem:s2] =	stream.indirect.scatter.add.f32 [tilespmem:s11], [sflag:$0x1], $0x1, s16, s10, $0xb8;
	[tilespmem:$0x2D80] =	vst v63  }
.Ltmp0:
0x4b: {  	_ = 	snop;
	(pc) =	sbr.rel @p0 .LBB2_2-.Ltmp0, $4  }
0x4c: {  	_ = 	snop  }
0x4d: {  	s15 =	sadd.s32 $0x200, s15  }
0x4e: {  	_ =	swait.ge [sflag:s8], $0x80  }
0x4f: {  	[sflag:s8] =	ssyncset.done $0x0  }
0x50: {  	s14 =	sadd.s32 $0x1, s14  }
0x51: {  	[sflag:s8] =	ssyncadd.s32 $0xFFFFFF80;
	p0 =	sne.s32 s14, s7  }
.Ltmp1:
0x52: {  	[bflag:$0x0] =	sbarrier.arrive $0xFFFF;
	(pc) =	sbr.rel @p0 .LBB2_1-.Ltmp1, $4  }
0x53: {  	[hbm:s6], [sflag:s12] =	dma.local [spmem:s13], $0x50  }
0x54: {  	_ =	swait.ge [sflag:s8], $0x50  }
0x55: {  	[sflag:s8] =	ssyncset.done $0x0  }
0x56: {  	[sflag:s8] =	ssyncadd.s32 $0xFFFFFFB0  }
0x57: {  	_ =	sfence.sel $0x180000  }
0x58: {  	[bflag:$0x0] =	sbarrier.arrive $0xFFFF  }
0x59: {  	p0 =	sne.s32 s1, $0x0;
	_ =	strace $0x90000047  }
0x5a: {  	s0 =	sadd.s32 @!p0 $0x100000, s0;
	[bflag:$0x2] =	sbarrier.arrive $0xFFFF  }
0x5b: {  	[sflag:s0] =	ssyncadd.tile.s32 @!p0 $0x1;
	_ =	shalt  }
.Lfunc_end2:
_tile_overlayer_lowered:
.L_overlay_start_2:
0x5c: {  	(tag) =	ssettag $0x2  }
0x5d: {  	s0 =	rddreg [dreg:$0x0];
	s2 =	stileid.u32  }
0x5e: {  	s1 =	rddreg [dreg:$0x1];
	p0 =	sne.s32 s2, $0x0  }
0x5f: {  	s3 =	rddreg [dreg:$0x2];
	[bflag:$0x3] =	sbarrier.arrive $0xFFFF;
	s2 =	simm.s32 @!p0 $0x1C01  }
0x60: {  	[timem:s3], [sflag:s2] =	dma.local @!p0 [hbm:s0], s1  }
0x61: {  	s0 =	simm.s32 @!p0 $0x1  }
0x62: {  	_ =	swait.ge @!p0 [sflag:s0], s1  }
0x63: {  	s1 =	ssub.s32 @!p0 $0x0, s1;
	[sflag:s0] =	ssyncset.done @!p0 $0x0  }
0x64: {  	[sflag:s0] =	ssyncadd.s32 @!p0 s1  }
0x65: {  	[bflag:$0x3] =	sbarrier.arrive $0xFFFF  }
0x66: {  	_ =	shalt  }

</sc_bundles>
